<compile_context>
chip_gen: v7x
topology: tpu7x:2x2x1
jax: 0.10.2.dev20260603
libtpu: 0.0.44.dev20260713+nightly
codegen_flags: <defaults>
</compile_context>

<pallas_src>
import functools

import jax
import jax.numpy as jnp
from jax import lax
from jax.experimental import pallas as pl
from jax.experimental.pallas import tpu as pltpu
from jax.experimental.pallas import tpu_sc as plsc

B, S, L, MM, H = 8, 3, 2048, 1024, 1024
NC, NS = 2, 16
NW = NC * NS
NSEG = B * S
VL = 16
COL_U = 4

RSC = 896
NQ = 4
NTASK = NSEG * NQ
TPW = NTASK // NW
RPT = RSC // NQ
CH = 32
NCH = RPT // CH

LTC = L - RSC
TCB = 576
NLB = LTC // TCB
NSTR = 2


def _sc_partial_sums(x2, mf_sc):
    mesh = plsc.VectorSubcoreMesh(
        core_axis_name="c", subcore_axis_name="s", num_cores=NC, num_subcores=NS
    )

    @functools.partial(
        pl.kernel,
        out_type=jax.ShapeDtypeStruct((NQ, NSEG, MM), jnp.float32),
        mesh=mesh,
        scratch_types=[
            pltpu.VMEM((CH, MM), jnp.float32),
            pltpu.VMEM((CH, MM), jnp.float32),
            pltpu.VMEM((RPT,), jnp.float32),
            pltpu.VMEM((MM,), jnp.float32),
            pltpu.SemaphoreType.DMA,
            pltpu.SemaphoreType.DMA,
        ],
    )
    def k(x_hbm, mf_hbm, out_hbm, buf0, buf1, mfb, acc, sem0, sem1):
        wid = lax.axis_index("s") * NC + lax.axis_index("c")

        def start(ch_row0, buf, sem):
            pltpu.make_async_copy(
                x_hbm.at[pl.ds(ch_row0, CH)], buf, sem
            ).start()

        def wait(buf, sem):
            pltpu.make_async_copy(x_hbm.at[pl.ds(0, CH)], buf, sem).wait()

        def compute(buf, moff):
            def row_body(rg, _):
                r0 = rg * VL
                mvec = mfb[pl.ds(moff + r0, VL)]
                ms = [mvec[j] for j in range(VL)]

                def col_body(cb, _):
                    for cs in range(COL_U):
                        o = cb * (COL_U * VL) + cs * VL
                        v = acc[pl.ds(o, VL)]
                        for j in range(VL):
                            v = v + buf[r0 + j, pl.ds(o, VL)] * ms[j]
                        acc[pl.ds(o, VL)] = v
                    return 0

                lax.fori_loop(0, MM // (COL_U * VL), col_body, 0)
                return 0

            lax.fori_loop(0, CH // VL, row_body, 0)

        def task_body(ti, _):
            t = wid * TPW + ti
            seg = t // NQ
            q = t - seg * NQ
            row0 = seg * L + LTC + q * RPT
            pltpu.sync_copy(mf_hbm.at[t], mfb)

            def zero_body(c, _):
                acc[pl.ds(c * VL, VL)] = jnp.zeros((VL,), jnp.float32)
                return 0

            lax.fori_loop(0, MM // VL, zero_body, 0)

            start(row0, buf0, sem0)

            def pair_body(cp, _):
                c0 = cp * 2
                start(row0 + (c0 + 1) * CH, buf1, sem1)
                wait(buf0, sem0)
                compute(buf0, c0 * CH)

                @pl.when(c0 + 2 < NCH)
                def _():
                    start(row0 + (c0 + 2) * CH, buf0, sem0)

                wait(buf1, sem1)
                compute(buf1, (c0 + 1) * CH)
                return 0

            lax.fori_loop(0, NCH // 2, pair_body, 0)
            if NCH % 2 == 1:
                wait(buf0, sem0)
                compute(buf0, (NCH - 1) * CH)
            pltpu.sync_copy(acc, out_hbm.at[q, seg])
            return 0

        lax.fori_loop(0, TPW, task_body, 0)

    return k(x2, mf_sc)


def _tc_partial_sums(x24, mf_row):
    sub = TCB // NSTR

    def body(mf_ref, *rest):
        x_refs, out_ref = rest[:NSTR], rest[NSTR]
        lb = pl.program_id(1)

        @pl.when(lb == 0)
        def _():
            out_ref[...] = jnp.zeros_like(out_ref)

        mrow = mf_ref[0]
        mwin = mrow[:, 0:TCB]
        for w in range(1, NLB):
            mwin = jnp.where(lb == w, mrow[:, w * TCB:(w + 1) * TCB], mwin)
        part = out_ref[...]
        for k in range(NSTR):
            mk = mwin[:, k * sub:(k + 1) * sub]
            part += lax.dot_general(
                mk, x_refs[k][0], (((1,), (0,)), ((), ())),
                precision=lax.Precision.HIGHEST,
            )[None]
        out_ref[...] = part

    def x_spec(k):
        return pl.BlockSpec(
            (1, sub, MM),
            lambda s_i, l_i: (s_i, NSTR * l_i + k, 0),
        )

    return pl.pallas_call(
        body,
        grid=(NSEG, NLB),
        in_specs=[
            pl.BlockSpec((1, 1, L), lambda s_i, l_i: (s_i, 0, 0)),
        ] + [x_spec(k) for k in range(NSTR)],
        out_specs=pl.BlockSpec((1, 1, MM), lambda s_i, l_i: (s_i, 0, 0)),
        out_shape=jax.ShapeDtypeStruct((NSEG, 1, MM), jnp.float32),
    )(mf_row, *([x24] * NSTR))


def _tc_finish(part_sc, part_tc, mf24, gf_col, w_proj, b_proj, wc24, bc24):

    def body(psc_ref, ptc_ref, mf_ref, gf_ref, wp_ref, bp_ref, wc_ref, bc_ref,
             out_ref):
        seg_sum = (psc_ref[0] + psc_ref[1] + psc_ref[2] + psc_ref[3]
                   + ptc_ref[:, 0])
        den = jnp.sum(mf_ref[:], axis=1, keepdims=True)
        logits = lax.dot_general(
            wc_ref[:], gf_ref[:], (((1,), (0,)), ((), ())),
            precision=lax.Precision.HIGHEST,
        ) + bc_ref[:]
        m = jnp.max(logits, axis=0, keepdims=True)
        e = jnp.exp(logits - m)
        s = jnp.sum(e, axis=0, keepdims=True) / B
        w24 = e / s
        scaled = seg_sum * (w24 / den)
        ri = lax.broadcasted_iota(jnp.int32, (B, NSEG), 0)
        cj = lax.broadcasted_iota(jnp.int32, (B, NSEG), 1)
        sel = jnp.where((cj >= S * ri) & (cj < S * ri + S), 1.0, 0.0)
        xw = lax.dot_general(
            sel, scaled, (((1,), (0,)), ((), ())),
            precision=lax.Precision.HIGHEST,
        )
        out_ref[:] = lax.dot_general(
            xw, wp_ref[:], (((1,), (1,)), ((), ())),
            precision=lax.Precision.HIGHEST,
        ) + bp_ref[:]

    return pl.pallas_call(
        body, out_shape=jax.ShapeDtypeStruct((B, H), jnp.float32)
    )(part_sc, part_tc, mf24, gf_col, w_proj, b_proj, wc24, bc24)


@jax.jit
def kernel(graph_feature, x_tensors, x_mask, W_proj, b_proj, W_comb, b_comb):
    mf = (~x_mask).astype(jnp.float32)
    x2 = x_tensors.reshape(B * S * L, MM)
    x24 = x_tensors.reshape(NSEG, L, MM)
    mf24 = mf.reshape(NSEG, L)
    mf_sc = mf24[:, LTC:].reshape(NTASK, RPT)
    part_sc = _sc_partial_sums(x2, mf_sc)
    mf_row = mf.reshape(NSEG, 1, L)
    part_tc = _tc_partial_sums(x24, mf_row)
    gf_col = graph_feature.reshape(MM, 1)
    wc24 = jnp.tile(W_comb, (B, 1))
    bc24 = jnp.tile(b_comb, (B,)).reshape(NSEG, 1)
    bp = b_proj.reshape(1, H)
    return _tc_finish(part_sc, part_tc, mf24, gf_col, W_proj, bp, wc24, bc24)

# --- scband reference (transcript-rebuilt; emitter-appended) ---
"""Pipeline reference for scband-weighted-head-6227702579637 (READ-ONLY COPY).

The authoritative reference and input builder live on the scoring server;
editing this copy changes nothing except your own understanding.
"""

import jax, jax.numpy as jnp
import numpy as np


def setup_inputs(seed: int = 0) -> dict:
    key = jax.random.key(seed)
    ks = jax.random.split(key, 6)
    B, L, MM, H = 8, 2048, 1024, 1024
    x_tensors = jax.random.normal(ks[0], (B, 3, L, MM), dtype=jnp.float32)
    x_mask = jax.random.randint(ks[1], (B, 3, L), 0, 2).astype(jnp.bool_)
    # guarantee at least one valid (non-padded) token per (batch, level)
    x_mask = x_mask.at[..., 0].set(False)
    graph_feature = jax.random.normal(ks[2], (MM,), dtype=jnp.float32)
    W_proj = jax.random.normal(ks[3], (H, MM), dtype=jnp.float32) * 0.02
    b_proj = jnp.zeros((H,), dtype=jnp.float32)
    W_comb = jax.random.normal(ks[4], (3, MM), dtype=jnp.float32) * 0.02
    b_comb = jnp.zeros((3,), dtype=jnp.float32)
    return {"graph_feature": graph_feature, "x_tensors": x_tensors, "x_mask": x_mask,
            "W_proj": W_proj, "b_proj": b_proj, "W_comb": W_comb, "b_comb": b_comb}


def _pool_one_level(feat, not_mask):
    # masked mean over the sequence dim, equivalent to feat[m].mean(0) per batch row
    mf = not_mask.astype(feat.dtype)
    num = jnp.sum(feat * mf[..., None], axis=1)
    den = jnp.sum(mf, axis=1, keepdims=True)
    return num / den


def reference(graph_feature, x_tensors, x_mask, W_proj, b_proj, W_comb, b_comb):
    # projector (use_mlp=False -> single Linear)
    proj = jnp.einsum('bslm,hm->bslh', x_tensors, W_proj) + b_proj
    # graph_feature.mean(tuple(range(1, dim-1))): for 1-D input this is a no-op
    axes = tuple(range(1, graph_feature.ndim - 1))
    gf = jnp.mean(graph_feature, axis=axes) if axes else graph_feature
    weights = jax.nn.softmax(gf @ W_comb.T + b_comb, axis=-1)  # [3]
    node_w, motif_w, graph_w = weights[0], weights[1], weights[2]
    # pool_levels
    pt = jnp.transpose(proj, (1, 0, 2, 3))  # [3, B, L, H]
    node, motif, graph = pt[0], pt[1], pt[2]
    not_mask = ~x_mask
    mt = jnp.transpose(not_mask, (1, 0, 2))  # [3, B, L]
    node_m, motif_m, graph_m = mt[0], mt[1], mt[2]
    graph_pooled = _pool_one_level(graph, graph_m)
    motif_pooled = _pool_one_level(motif, motif_m)
    node_pooled = _pool_one_level(node, node_m)
    feature = graph_w * graph_pooled + motif_w * motif_pooled + node_w * node_pooled
    return feature  # [B, H]

if __name__ == "__main__":
    import jax
    _d = setup_inputs()
    print(jax.jit(kernel)(*tuple(_d.values())))

</pallas_src>

<mosaic_0001>
#map = affine_map<(d0, d1) -> (0, 0)>
#map1 = affine_map<(d0, d1) -> (0, 0, 0)>
module attributes {stable_mosaic.version = 14 : i64} {
  func.func @k(%arg0: i32, %arg1: i32, %arg2: memref<49152x1024xf32, #tpu.memory_space<hbm>>, %arg3: memref<96x224xf32, #tpu.memory_space<hbm>>, %arg4: memref<4x24x1024xf32, #tpu.memory_space<hbm>>, %arg5: memref<32x1024xf32, #tpu.memory_space<vmem>>, %arg6: memref<32x1024xf32, #tpu.memory_space<vmem>>, %arg7: memref<224xf32, #tpu.memory_space<vmem>>, %arg8: memref<1024xf32, #tpu.memory_space<vmem>>, %arg9: memref<!tpu.dma_semaphore, #tpu.memory_space<semaphore_mem>>, %arg10: memref<!tpu.dma_semaphore, #tpu.memory_space<semaphore_mem>>) attributes {dimension_semantics = [#tpu.dimension_semantics<core_parallel>, #tpu.dimension_semantics<subcore_parallel>], iteration_bounds = array<i64: 2, 16>, scalar_prefetch = 0 : i64, scratch_operands = 6 : i64, tpu.core_type = #tpu.core_type<sc_vector_subcore>, window_params = [{transform_indices = #map}, {transform_indices = #map}, {transform_indices = #map1}]} {
    %mul3A = arith.constant 2 : i32
    %mul3A_0 = arith.muli %arg1, %mul3A : i32
    %add3A = arith.addi %mul3A_0, %arg0 : i32
    %scan3A = arith.constant 0 : i32
    %scan3A_1 = arith.constant 0 : i32
    %scan3A_2 = arith.constant 3 : i32
    %scan3A_3 = arith.addi %scan3A_1, %scan3A_2 : i32
    %scan3A_4 = arith.constant 1 : i32
    %scan3A_5 = scf.for %scan3A_7 = %scan3A_1 to %scan3A_3 step %scan3A_4 iter_args(%scan3A_8 = %scan3A) -> (i32)  : i32 {
      %mul3A_9 = arith.constant 3 : i32
      %mul3A_10 = arith.muli %add3A, %mul3A_9 : i32
      %add3A_11 = arith.addi %mul3A_10, %scan3A_7 : i32
      %jit3A = arith.constant 4 : i32
      %div3A = arith.divsi %add3A_11, %jit3A : i32
      %sign3A = arith.constant 0 : i32
      %sign3A_12 = arith.cmpi sgt, %add3A_11, %sign3A : i32
      %sign3A_13 = arith.extui %sign3A_12 : i1 to i32
      %sign3A_14 = arith.constant 0 : i32
      %sign3A_15 = arith.cmpi slt, %add3A_11, %sign3A_14 : i32
      %sign3A_16 = arith.extui %sign3A_15 : i1 to i32
      %sign3A_17 = arith.subi %sign3A_13, %sign3A_16 : i32
      %sign3A_18 = arith.constant 0 : i32
      %sign3A_19 = arith.cmpi sgt, %jit3A, %sign3A_18 : i32
      %sign3A_20 = arith.extui %sign3A_19 : i1 to i32
      %sign3A_21 = arith.constant 0 : i32
      %sign3A_22 = arith.cmpi slt, %jit3A, %sign3A_21 : i32
      %sign3A_23 = arith.extui %sign3A_22 : i1 to i32
      %sign3A_24 = arith.subi %sign3A_20, %sign3A_23 : i32
      %ne3A = arith.cmpi ne, %sign3A_17, %sign3A_24 : i32
      %rem3A = arith.remsi %add3A_11, %jit3A : i32
      %ne3A_25 = arith.constant 0 : i32
      %ne3A_26 = arith.cmpi ne, %rem3A, %ne3A_25 : i32
      %and3A = arith.andi %ne3A, %ne3A_26 : i1
      %sub3A = arith.constant 1 : i32
      %sub3A_27 = arith.subi %div3A, %sub3A : i32
      %select_n3A = arith.select %and3A, %sub3A_27, %div3A : i32
      %mul3A_28 = arith.constant 4 : i32
      %mul3A_29 = arith.muli %select_n3A, %mul3A_28 : i32
      %sub3A_30 = arith.subi %add3A_11, %mul3A_29 : i32
      %mul3A_31 = arith.constant 2048 : i32
      %mul3A_32 = arith.muli %select_n3A, %mul3A_31 : i32
      %add3A_33 = arith.constant 1152 : i32
      %add3A_34 = arith.addi %mul3A_32, %add3A_33 : i32
      %mul3A_35 = arith.constant 224 : i32
      %mul3A_36 = arith.muli %sub3A_30, %mul3A_35 : i32
      %add3A_37 = arith.addi %add3A_34, %mul3A_36 : i32
      "tpu.region"() ({
        %run_scoped3A = tpu.sem_alloc : memref<!tpu.dma_semaphore, #tpu.memory_space<semaphore_mem>>
        %dma_start3A_68 = arith.constant 0 : i32
        %dma_start3A_69 = tpu.memref_slice %arg3[%add3A_11, %dma_start3A_68] : memref<96x224xf32, #tpu.memory_space<hbm>> -> memref<1x224xf32, #tpu.memory_space<hbm>>
        %dma_start3A_70 = tpu.memref_squeeze %dma_start3A_69 : memref<1x224xf32, #tpu.memory_space<hbm>> -> memref<224xf32, #tpu.memory_space<hbm>>
        %dma_start3A_71 = arith.constant 0 : i32
        %dma_start3A_72 = tpu.memref_slice %arg3[%add3A_11, %dma_start3A_71] : memref<96x224xf32, #tpu.memory_space<hbm>> -> memref<1x224xf32, #tpu.memory_space<hbm>>
        %dma_start3A_73 = tpu.memref_squeeze %dma_start3A_72 : memref<1x224xf32, #tpu.memory_space<hbm>> -> memref<224xf32, #tpu.memory_space<hbm>>
        tpu.enqueue_dma source(%dma_start3A_73 : memref<224xf32, #tpu.memory_space<hbm>>) target(%arg7 : memref<224xf32, #tpu.memory_space<vmem>>) target_semaphore(%run_scoped3A : memref<!tpu.dma_semaphore, #tpu.memory_space<semaphore_mem>>)
        %dma_wait3A_74 = arith.constant 0 : i32
        %dma_wait3A_75 = tpu.memref_slice %arg3[%add3A_11, %dma_wait3A_74] : memref<96x224xf32, #tpu.memory_space<hbm>> -> memref<1x224xf32, #tpu.memory_space<hbm>>
        %dma_wait3A_76 = tpu.memref_squeeze %dma_wait3A_75 : memref<1x224xf32, #tpu.memory_space<hbm>> -> memref<224xf32, #tpu.memory_space<hbm>>
        %dma_wait3A_77 = arith.constant 0 : i32
        %dma_wait3A_78 = tpu.memref_slice %arg3[%add3A_11, %dma_wait3A_77] : memref<96x224xf32, #tpu.memory_space<hbm>> -> memref<1x224xf32, #tpu.memory_space<hbm>>
        %dma_wait3A_79 = tpu.memref_squeeze %dma_wait3A_78 : memref<1x224xf32, #tpu.memory_space<hbm>> -> memref<224xf32, #tpu.memory_space<hbm>>
        tpu.wait_dma2 semaphore(%run_scoped3A : memref<!tpu.dma_semaphore, #tpu.memory_space<semaphore_mem>>) src(%dma_wait3A_79 : memref<224xf32, #tpu.memory_space<hbm>>) dst(%arg7 : memref<224xf32, #tpu.memory_space<vmem>>)
        tpu.yield
      }) : () -> ()
      %scan3A_38 = arith.constant 0 : i32
      %scan3A_39 = arith.constant 0 : i32
      %scan3A_40 = arith.constant 64 : i32
      %scan3A_41 = arith.addi %scan3A_39, %scan3A_40 : i32
      %scan3A_42 = arith.constant 1 : i32
      %scan3A_43 = scf.for %scan3A_68 = %scan3A_39 to %scan3A_41 step %scan3A_42 iter_args(%scan3A_69 = %scan3A_38) -> (i32)  : i32 {
        %broadcast_in_dim3A = arith.constant 0.000000e+00 : f32
        %broadcast_in_dim3A_70 = vector.broadcast %broadcast_in_dim3A : f32 to vector<16xf32>
        %mul3A_71 = arith.constant 16 : i32
        %mul3A_72 = arith.muli %scan3A_68, %mul3A_71 : i32
        %swap3A = arith.index_cast %mul3A_72 : i32 to index
        %swap3A_73 = tpu.vector_load %arg8[%swap3A] {strides = array<i32>} : memref<1024xf32, #tpu.memory_space<vmem>>, vector<16xf32>,
        %swap3A_74 = vector.shape_cast %swap3A_73 : vector<16xf32> to vector<16xf32>
        %swap3A_75 = vector.shape_cast %broadcast_in_dim3A_70 : vector<16xf32> to vector<16xf32>
        tpu.vector_store %arg8[%swap3A], %swap3A_75 {strides = array<i32>} : memref<1024xf32, #tpu.memory_space<vmem>>, vector<16xf32>,
        %scan3A_76 = arith.constant 0 : i32
        scf.yield %scan3A_76 : i32
      }
      %scan3A_44 = arith.constant 64 : i32
      %dma_start3A = arith.constant 0 : i32
      %dma_start3A_45 = tpu.memref_slice %arg2[%add3A_37, %dma_start3A] : memref<49152x1024xf32, #tpu.memory_space<hbm>> -> memref<32x1024xf32, #tpu.memory_space<hbm>>
      %dma_start3A_46 = arith.constant 0 : i32
      %dma_start3A_47 = tpu.memref_slice %arg2[%add3A_37, %dma_start3A_46] : memref<49152x1024xf32, #tpu.memory_space<hbm>> -> memref<32x1024xf32, #tpu.memory_space<hbm>>
      tpu.enqueue_dma source(%dma_start3A_47 : memref<32x1024xf32, #tpu.memory_space<hbm>>) target(%arg5 : memref<32x1024xf32, #tpu.memory_space<vmem>>) target_semaphore(%arg9 : memref<!tpu.dma_semaphore, #tpu.memory_space<semaphore_mem>>)
      %scan3A_48 = arith.constant 0 : i32
      %scan3A_49 = arith.constant 0 : i32
      %scan3A_50 = arith.constant 3 : i32
      %scan3A_51 = arith.addi %scan3A_49, %scan3A_50 : i32
      %scan3A_52 = arith.constant 1 : i32
      %scan3A_53 = scf.for %scan3A_68 = %scan3A_49 to %scan3A_51 step %scan3A_52 iter_args(%scan3A_69 = %scan3A_48) -> (i32)  : i32 {
        %mul3A_70 = arith.constant 2 : i32
        %mul3A_71 = arith.muli %scan3A_68, %mul3A_70 : i32
        %add3A_72 = arith.constant 1 : i32
        %add3A_73 = arith.addi %mul3A_71, %add3A_72 : i32
        %mul3A_74 = arith.constant 32 : i32
        %mul3A_75 = arith.muli %add3A_73, %mul3A_74 : i32
        %add3A_76 = arith.addi %add3A_37, %mul3A_75 : i32
        %dma_start3A_77 = arith.constant 0 : i32
        %dma_start3A_78 = tpu.memref_slice %arg2[%add3A_76, %dma_start3A_77] : memref<49152x1024xf32, #tpu.memory_space<hbm>> -> memref<32x1024xf32, #tpu.memory_space<hbm>>
        %dma_start3A_79 = arith.constant 0 : i32
        %dma_start3A_80 = tpu.memref_slice %arg2[%add3A_76, %dma_start3A_79] : memref<49152x1024xf32, #tpu.memory_space<hbm>> -> memref<32x1024xf32, #tpu.memory_space<hbm>>
        tpu.enqueue_dma source(%dma_start3A_80 : memref<32x1024xf32, #tpu.memory_space<hbm>>) target(%arg6 : memref<32x1024xf32, #tpu.memory_space<vmem>>) target_semaphore(%arg10 : memref<!tpu.dma_semaphore, #tpu.memory_space<semaphore_mem>>)
        %dma_wait3A_81 = arith.constant 0 : i32
        %dma_wait3A_82 = arith.constant 0 : i32
        %dma_wait3A_83 = tpu.memref_slice %arg2[%dma_wait3A_81, %dma_wait3A_82] : memref<49152x1024xf32, #tpu.memory_space<hbm>> -> memref<32x1024xf32, #tpu.memory_space<hbm>>
        %dma_wait3A_84 = arith.constant 0 : i32
        %dma_wait3A_85 = arith.constant 0 : i32
        %dma_wait3A_86 = tpu.memref_slice %arg2[%dma_wait3A_84, %dma_wait3A_85] : memref<49152x1024xf32, #tpu.memory_space<hbm>> -> memref<32x1024xf32, #tpu.memory_space<hbm>>
        tpu.wait_dma2 semaphore(%arg9 : memref<!tpu.dma_semaphore, #tpu.memory_space<semaphore_mem>>) src(%dma_wait3A_86 : memref<32x1024xf32, #tpu.memory_space<hbm>>) dst(%arg5 : memref<32x1024xf32, #tpu.memory_space<vmem>>)
        %mul3A_87 = arith.constant 32 : i32
        %mul3A_88 = arith.muli %mul3A_71, %mul3A_87 : i32
        %scan3A_89 = arith.constant 0 : i32
        %scan3A_90 = arith.constant 0 : i32
        %scan3A_91 = arith.constant 2 : i32
        %scan3A_92 = arith.addi %scan3A_90, %scan3A_91 : i32
        %scan3A_93 = arith.constant 1 : i32
        %scan3A_94 = scf.for %scan3A_118 = %scan3A_90 to %scan3A_92 step %scan3A_93 iter_args(%scan3A_119 = %scan3A_89) -> (i32)  : i32 {
          %mul3A_120 = arith.constant 16 : i32
          %mul3A_121 = arith.muli %scan3A_118, %mul3A_120 : i32
          %add3A_122 = arith.addi %mul3A_88, %mul3A_121 : i32
          %get3A = arith.index_cast %add3A_122 : i32 to index
          %get3A_123 = tpu.vector_load %arg7[%get3A] {strides = array<i32>} : memref<224xf32, #tpu.memory_space<vmem>>, vector<16xf32>,
          %get3A_124 = vector.shape_cast %get3A_123 : vector<16xf32> to vector<16xf32>
          %slice3A = vector.extract_strided_slice %get3A_124 {offsets = [0], sizes = [1], strides = [1]} : vector<16xf32> to vector<1xf32>
          %squeeze3A = vector.extract %slice3A[0] : f32 from vector<1xf32>
          %slice3A_125 = vector.extract_strided_slice %get3A_124 {offsets = [1], sizes = [1], strides = [1]} : vector<16xf32> to vector<1xf32>
          %squeeze3A_126 = vector.extract %slice3A_125[0] : f32 from vector<1xf32>
          %slice3A_127 = vector.extract_strided_slice %get3A_124 {offsets = [2], sizes = [1], strides = [1]} : vector<16xf32> to vector<1xf32>
          %squeeze3A_128 = vector.extract %slice3A_127[0] : f32 from vector<1xf32>
          %slice3A_129 = vector.extract_strided_slice %get3A_124 {offsets = [3], sizes = [1], strides = [1]} : vector<16xf32> to vector<1xf32>
          %squeeze3A_130 = vector.extract %slice3A_129[0] : f32 from vector<1xf32>
          %slice3A_131 = vector.extract_strided_slice %get3A_124 {offsets = [4], sizes = [1], strides = [1]} : vector<16xf32> to vector<1xf32>
          %squeeze3A_132 = vector.extract %slice3A_131[0] : f32 from vector<1xf32>
          %slice3A_133 = vector.extract_strided_slice %get3A_124 {offsets = [5], sizes = [1], strides = [1]} : vector<16xf32> to vector<1xf32>
          %squeeze3A_134 = vector.extract %slice3A_133[0] : f32 from vector<1xf32>
          %slice3A_135 = vector.extract_strided_slice %get3A_124 {offsets = [6], sizes = [1], strides = [1]} : vector<16xf32> to vector<1xf32>
          %squeeze3A_136 = vector.extract %slice3A_135[0] : f32 from vector<1xf32>
          %slice3A_137 = vector.extract_strided_slice %get3A_124 {offsets = [7], sizes = [1], strides = [1]} : vector<16xf32> to vector<1xf32>
          %squeeze3A_138 = vector.extract %slice3A_137[0] : f32 from vector<1xf32>
          %slice3A_139 = vector.extract_strided_slice %get3A_124 {offsets = [8], sizes = [1], strides = [1]} : vector<16xf32> to vector<1xf32>
          %squeeze3A_140 = vector.extract %slice3A_139[0] : f32 from vector<1xf32>
          %slice3A_141 = vector.extract_strided_slice %get3A_124 {offsets = [9], sizes = [1], strides = [1]} : vector<16xf32> to vector<1xf32>
          %squeeze3A_142 = vector.extract %slice3A_141[0] : f32 from vector<1xf32>
          %slice3A_143 = vector.extract_strided_slice %get3A_124 {offsets = [10], sizes = [1], strides = [1]} : vector<16xf32> to vector<1xf32>
          %squeeze3A_144 = vector.extract %slice3A_143[0] : f32 from vector<1xf32>
          %slice3A_145 = vector.extract_strided_slice %get3A_124 {offsets = [11], sizes = [1], strides = [1]} : vector<16xf32> to vector<1xf32>
          %squeeze3A_146 = vector.extract %slice3A_145[0] : f32 from vector<1xf32>
          %slice3A_147 = vector.extract_strided_slice %get3A_124 {offsets = [12], sizes = [1], strides = [1]} : vector<16xf32> to vector<1xf32>
          %squeeze3A_148 = vector.extract %slice3A_147[0] : f32 from vector<1xf32>
          %slice3A_149 = vector.extract_strided_slice %get3A_124 {offsets = [13], sizes = [1], strides = [1]} : vector<16xf32> to vector<1xf32>
          %squeeze3A_150 = vector.extract %slice3A_149[0] : f32 from vector<1xf32>
          %slice3A_151 = vector.extract_strided_slice %get3A_124 {offsets = [14], sizes = [1], strides = [1]} : vector<16xf32> to vector<1xf32>
          %squeeze3A_152 = vector.extract %slice3A_151[0] : f32 from vector<1xf32>
          %slice3A_153 = vector.extract_strided_slice %get3A_124 {offsets = [15], sizes = [1], strides = [1]} : vector<16xf32> to vector<1xf32>
          %squeeze3A_154 = vector.extract %slice3A_153[0] : f32 from vector<1xf32>
          %scan3A_155 = arith.constant 0 : i32
          %scan3A_156 = arith.constant 0 : i32
          %scan3A_157 = arith.constant 16 : i32
          %scan3A_158 = arith.addi %scan3A_156, %scan3A_157 : i32
          %scan3A_159 = arith.constant 1 : i32
          %scan3A_160 = scf.for %scan3A_163 = %scan3A_156 to %scan3A_158 step %scan3A_159 iter_args(%scan3A_164 = %scan3A_155) -> (i32)  : i32 {
            %mul3A_165 = arith.constant 64 : i32
            %mul3A_166 = arith.muli %scan3A_163, %mul3A_165 : i32
            %add3A_167 = arith.constant 0 : i32
            %add3A_168 = arith.addi %mul3A_166, %add3A_167 : i32
            %get3A_169 = arith.index_cast %add3A_168 : i32 to index
            %get3A_170 = tpu.vector_load %arg8[%get3A_169] {strides = array<i32>} : memref<1024xf32, #tpu.memory_space<vmem>>, vector<16xf32>,
            %get3A_171 = vector.shape_cast %get3A_170 : vector<16xf32> to vector<16xf32>
            %add3A_172 = arith.constant 0 : i32
            %add3A_173 = arith.addi %mul3A_121, %add3A_172 : i32
            %get3A_174 = arith.index_cast %add3A_173 : i32 to index
            %get3A_175 = arith.index_cast %add3A_168 : i32 to index
            %get3A_176 = tpu.vector_load %arg5[%get3A_174, %get3A_175] {strides = array<i32>} : memref<32x1024xf32, #tpu.memory_space<vmem>>, vector<1x16xf32>,
            %get3A_177 = vector.shape_cast %get3A_176 : vector<1x16xf32> to vector<16xf32>
            %mul3A_178 = vector.broadcast %squeeze3A : f32 to vector<16xf32>
            %mul3A_179 = arith.mulf %get3A_177, %mul3A_178 : vector<16xf32>
            %add3A_180 = arith.addf %get3A_171, %mul3A_179 : vector<16xf32>
            %add3A_181 = arith.constant 1 : i32
            %add3A_182 = arith.addi %mul3A_121, %add3A_181 : i32
            %get3A_183 = arith.index_cast %add3A_182 : i32 to index
            %get3A_184 = arith.index_cast %add3A_168 : i32 to index
            %get3A_185 = tpu.vector_load %arg5[%get3A_183, %get3A_184] {strides = array<i32>} : memref<32x1024xf32, #tpu.memory_space<vmem>>, vector<1x16xf32>,
            %get3A_186 = vector.shape_cast %get3A_185 : vector<1x16xf32> to vector<16xf32>
            %mul3A_187 = vector.broadcast %squeeze3A_126 : f32 to vector<16xf32>
            %mul3A_188 = arith.mulf %get3A_186, %mul3A_187 : vector<16xf32>
            %add3A_189 = arith.addf %add3A_180, %mul3A_188 : vector<16xf32>
            %add3A_190 = arith.constant 2 : i32
            %add3A_191 = arith.addi %mul3A_121, %add3A_190 : i32
            %get3A_192 = arith.index_cast %add3A_191 : i32 to index
            %get3A_193 = arith.index_cast %add3A_168 : i32 to index
            %get3A_194 = tpu.vector_load %arg5[%get3A_192, %get3A_193] {strides = array<i32>} : memref<32x1024xf32, #tpu.memory_space<vmem>>, vector<1x16xf32>,
            %get3A_195 = vector.shape_cast %get3A_194 : vector<1x16xf32> to vector<16xf32>
            %mul3A_196 = vector.broadcast %squeeze3A_128 : f32 to vector<16xf32>
            %mul3A_197 = arith.mulf %get3A_195, %mul3A_196 : vector<16xf32>
            %add3A_198 = arith.addf %add3A_189, %mul3A_197 : vector<16xf32>
            %add3A_199 = arith.constant 3 : i32
            %add3A_200 = arith.addi %mul3A_121, %add3A_199 : i32
            %get3A_201 = arith.index_cast %add3A_200 : i32 to index
            %get3A_202 = arith.index_cast %add3A_168 : i32 to index
            %get3A_203 = tpu.vector_load %arg5[%get3A_201, %get3A_202] {strides = array<i32>} : memref<32x1024xf32, #tpu.memory_space<vmem>>, vector<1x16xf32>,
            %get3A_204 = vector.shape_cast %get3A_203 : vector<1x16xf32> to vector<16xf32>
            %mul3A_205 = vector.broadcast %squeeze3A_130 : f32 to vector<16xf32>
            %mul3A_206 = arith.mulf %get3A_204, %mul3A_205 : vector<16xf32>
            %add3A_207 = arith.addf %add3A_198, %mul3A_206 : vector<16xf32>
            %add3A_208 = arith.constant 4 : i32
            %add3A_209 = arith.addi %mul3A_121, %add3A_208 : i32
            %get3A_210 = arith.index_cast %add3A_209 : i32 to index
            %get3A_211 = arith.index_cast %add3A_168 : i32 to index
            %get3A_212 = tpu.vector_load %arg5[%get3A_210, %get3A_211] {strides = array<i32>} : memref<32x1024xf32, #tpu.memory_space<vmem>>, vector<1x16xf32>,
            %get3A_213 = vector.shape_cast %get3A_212 : vector<1x16xf32> to vector<16xf32>
            %mul3A_214 = vector.broadcast %squeeze3A_132 : f32 to vector<16xf32>
            %mul3A_215 = arith.mulf %get3A_213, %mul3A_214 : vector<16xf32>
            %add3A_216 = arith.addf %add3A_207, %mul3A_215 : vector<16xf32>
            %add3A_217 = arith.constant 5 : i32
            %add3A_218 = arith.addi %mul3A_121, %add3A_217 : i32
            %get3A_219 = arith.index_cast %add3A_218 : i32 to index
            %get3A_220 = arith.index_cast %add3A_168 : i32 to index
            %get3A_221 = tpu.vector_load %arg5[%get3A_219, %get3A_220] {strides = array<i32>} : memref<32x1024xf32, #tpu.memory_space<vmem>>, vector<1x16xf32>,
            %get3A_222 = vector.shape_cast %get3A_221 : vector<1x16xf32> to vector<16xf32>
            %mul3A_223 = vector.broadcast %squeeze3A_134 : f32 to vector<16xf32>
            %mul3A_224 = arith.mulf %get3A_222, %mul3A_223 : vector<16xf32>
            %add3A_225 = arith.addf %add3A_216, %mul3A_224 : vector<16xf32>
            %add3A_226 = arith.constant 6 : i32
            %add3A_227 = arith.addi %mul3A_121, %add3A_226 : i32
            %get3A_228 = arith.index_cast %add3A_227 : i32 to index
            %get3A_229 = arith.index_cast %add3A_168 : i32 to index
            %get3A_230 = tpu.vector_load %arg5[%get3A_228, %get3A_229] {strides = array<i32>} : memref<32x1024xf32, #tpu.memory_space<vmem>>, vector<1x16xf32>,
            %get3A_231 = vector.shape_cast %get3A_230 : vector<1x16xf32> to vector<16xf32>
            %mul3A_232 = vector.broadcast %squeeze3A_136 : f32 to vector<16xf32>
            %mul3A_233 = arith.mulf %get3A_231, %mul3A_232 : vector<16xf32>
            %add3A_234 = arith.addf %add3A_225, %mul3A_233 : vector<16xf32>
            %add3A_235 = arith.constant 7 : i32
            %add3A_236 = arith.addi %mul3A_121, %add3A_235 : i32
            %get3A_237 = arith.index_cast %add3A_236 : i32 to index
            %get3A_238 = arith.index_cast %add3A_168 : i32 to index
            %get3A_239 = tpu.vector_load %arg5[%get3A_237, %get3A_238] {strides = array<i32>} : memref<32x1024xf32, #tpu.memory_space<vmem>>, vector<1x16xf32>,
            %get3A_240 = vector.shape_cast %get3A_239 : vector<1x16xf32> to vector<16xf32>
            %mul3A_241 = vector.broadcast %squeeze3A_138 : f32 to vector<16xf32>
            %mul3A_242 = arith.mulf %get3A_240, %mul3A_241 : vector<16xf32>
            %add3A_243 = arith.addf %add3A_234, %mul3A_242 : vector<16xf32>
            %add3A_244 = arith.constant 8 : i32
            %add3A_245 = arith.addi %mul3A_121, %add3A_244 : i32
            %get3A_246 = arith.index_cast %add3A_245 : i32 to index
            %get3A_247 = arith.index_cast %add3A_168 : i32 to index
            %get3A_248 = tpu.vector_load %arg5[%get3A_246, %get3A_247] {strides = array<i32>} : memref<32x1024xf32, #tpu.memory_space<vmem>>, vector<1x16xf32>,
            %get3A_249 = vector.shape_cast %get3A_248 : vector<1x16xf32> to vector<16xf32>
            %mul3A_250 = vector.broadcast %squeeze3A_140 : f32 to vector<16xf32>
            %mul3A_251 = arith.mulf %get3A_249, %mul3A_250 : vector<16xf32>
            %add3A_252 = arith.addf %add3A_243, %mul3A_251 : vector<16xf32>
            %add3A_253 = arith.constant 9 : i32
            %add3A_254 = arith.addi %mul3A_121, %add3A_253 : i32
            %get3A_255 = arith.index_cast %add3A_254 : i32 to index
            %get3A_256 = arith.index_cast %add3A_168 : i32 to index
            %get3A_257 = tpu.vector_load %arg5[%get3A_255, %get3A_256] {strides = array<i32>} : memref<32x1024xf32, #tpu.memory_space<vmem>>, vector<1x16xf32>,
            %get3A_258 = vector.shape_cast %get3A_257 : vector<1x16xf32> to vector<16xf32>
            %mul3A_259 = vector.broadcast %squeeze3A_142 : f32 to vector<16xf32>
            %mul3A_260 = arith.mulf %get3A_258, %mul3A_259 : vector<16xf32>
            %add3A_261 = arith.addf %add3A_252, %mul3A_260 : vector<16xf32>
            %add3A_262 = arith.constant 10 : i32
            %add3A_263 = arith.addi %mul3A_121, %add3A_262 : i32
            %get3A_264 = arith.index_cast %add3A_263 : i32 to index
            %get3A_265 = arith.index_cast %add3A_168 : i32 to index
            %get3A_266 = tpu.vector_load %arg5[%get3A_264, %get3A_265] {strides = array<i32>} : memref<32x1024xf32, #tpu.memory_space<vmem>>, vector<1x16xf32>,
            %get3A_267 = vector.shape_cast %get3A_266 : vector<1x16xf32> to vector<16xf32>
            %mul3A_268 = vector.broadcast %squeeze3A_144 : f32 to vector<16xf32>
            %mul3A_269 = arith.mulf %get3A_267, %mul3A_268 : vector<16xf32>
            %add3A_270 = arith.addf %add3A_261, %mul3A_269 : vector<16xf32>
            %add3A_271 = arith.constant 11 : i32
            %add3A_272 = arith.addi %mul3A_121, %add3A_271 : i32
            %get3A_273 = arith.index_cast %add3A_272 : i32 to index
            %get3A_274 = arith.index_cast %add3A_168 : i32 to index
            %get3A_275 = tpu.vector_load %arg5[%get3A_273, %get3A_274] {strides = array<i32>} : memref<32x1024xf32, #tpu.memory_space<vmem>>, vector<1x16xf32>,
            %get3A_276 = vector.shape_cast %get3A_275 : vector<1x16xf32> to vector<16xf32>
            %mul3A_277 = vector.broadcast %squeeze3A_146 : f32 to vector<16xf32>
            %mul3A_278 = arith.mulf %get3A_276, %mul3A_277 : vector<16xf32>
            %add3A_279 = arith.addf %add3A_270, %mul3A_278 : vector<16xf32>
            %add3A_280 = arith.constant 12 : i32
            %add3A_281 = arith.addi %mul3A_121, %add3A_280 : i32
            %get3A_282 = arith.index_cast %add3A_281 : i32 to index
            %get3A_283 = arith.index_cast %add3A_168 : i32 to index
            %get3A_284 = tpu.vector_load %arg5[%get3A_282, %get3A_283] {strides = array<i32>} : memref<32x1024xf32, #tpu.memory_space<vmem>>, vector<1x16xf32>,
            %get3A_285 = vector.shape_cast %get3A_284 : vector<1x16xf32> to vector<16xf32>
            %mul3A_286 = vector.broadcast %squeeze3A_148 : f32 to vector<16xf32>
            %mul3A_287 = arith.mulf %get3A_285, %mul3A_286 : vector<16xf32>
            %add3A_288 = arith.addf %add3A_279, %mul3A_287 : vector<16xf32>
            %add3A_289 = arith.constant 13 : i32
            %add3A_290 = arith.addi %mul3A_121, %add3A_289 : i32
            %get3A_291 = arith.index_cast %add3A_290 : i32 to index
            %get3A_292 = arith.index_cast %add3A_168 : i32 to index
            %get3A_293 = tpu.vector_load %arg5[%get3A_291, %get3A_292] {strides = array<i32>} : memref<32x1024xf32, #tpu.memory_space<vmem>>, vector<1x16xf32>,
            %get3A_294 = vector.shape_cast %get3A_293 : vector<1x16xf32> to vector<16xf32>
            %mul3A_295 = vector.broadcast %squeeze3A_150 : f32 to vector<16xf32>
            %mul3A_296 = arith.mulf %get3A_294, %mul3A_295 : vector<16xf32>
            %add3A_297 = arith.addf %add3A_288, %mul3A_296 : vector<16xf32>
            %add3A_298 = arith.constant 14 : i32
            %add3A_299 = arith.addi %mul3A_121, %add3A_298 : i32
            %get3A_300 = arith.index_cast %add3A_299 : i32 to index
            %get3A_301 = arith.index_cast %add3A_168 : i32 to index
            %get3A_302 = tpu.vector_load %arg5[%get3A_300, %get3A_301] {strides = array<i32>} : memref<32x1024xf32, #tpu.memory_space<vmem>>, vector<1x16xf32>,
            %get3A_303 = vector.shape_cast %get3A_302 : vector<1x16xf32> to vector<16xf32>
            %mul3A_304 = vector.broadcast %squeeze3A_152 : f32 to vector<16xf32>
            %mul3A_305 = arith.mulf %get3A_303, %mul3A_304 : vector<16xf32>
            %add3A_306 = arith.addf %add3A_297, %mul3A_305 : vector<16xf32>
            %add3A_307 = arith.constant 15 : i32
            %add3A_308 = arith.addi %mul3A_121, %add3A_307 : i32
            %get3A_309 = arith.index_cast %add3A_308 : i32 to index
            %get3A_310 = arith.index_cast %add3A_168 : i32 to index
            %get3A_311 = tpu.vector_load %arg5[%get3A_309, %get3A_310] {strides = array<i32>} : memref<32x1024xf32, #tpu.memory_space<vmem>>, vector<1x16xf32>,
            %get3A_312 = vector.shape_cast %get3A_311 : vector<1x16xf32> to vector<16xf32>
            %mul3A_313 = vector.broadcast %squeeze3A_154 : f32 to vector<16xf32>
            %mul3A_314 = arith.mulf %get3A_312, %mul3A_313 : vector<16xf32>
            %add3A_315 = arith.addf %add3A_306, %mul3A_314 : vector<16xf32>
            %swap3A = arith.index_cast %add3A_168 : i32 to index
            %swap3A_316 = tpu.vector_load %arg8[%swap3A] {strides = array<i32>} : memref<1024xf32, #tpu.memory_space<vmem>>, vector<16xf32>,
            %swap3A_317 = vector.shape_cast %swap3A_316 : vector<16xf32> to vector<16xf32>
            %swap3A_318 = vector.shape_cast %add3A_315 : vector<16xf32> to vector<16xf32>
            tpu.vector_store %arg8[%swap3A], %swap3A_318 {strides = array<i32>} : memref<1024xf32, #tpu.memory_space<vmem>>, vector<16xf32>,
            %mul3A_319 = arith.constant 64 : i32
            %mul3A_320 = arith.muli %scan3A_163, %mul3A_319 : i32
            %add3A_321 = arith.constant 16 : i32
            %add3A_322 = arith.addi %mul3A_320, %add3A_321 : i32
            %get3A_323 = arith.index_cast %add3A_322 : i32 to index
            %get3A_324 = tpu.vector_load %arg8[%get3A_323] {strides = array<i32>} : memref<1024xf32, #tpu.memory_space<vmem>>, vector<16xf32>,
            %get3A_325 = vector.shape_cast %get3A_324 : vector<16xf32> to vector<16xf32>
            %add3A_326 = arith.constant 0 : i32
            %add3A_327 = arith.addi %mul3A_121, %add3A_326 : i32
            %get3A_328 = arith.index_cast %add3A_327 : i32 to index
            %get3A_329 = arith.index_cast %add3A_322 : i32 to index
            %get3A_330 = tpu.vector_load %arg5[%get3A_328, %get3A_329] {strides = array<i32>} : memref<32x1024xf32, #tpu.memory_space<vmem>>, vector<1x16xf32>,
            %get3A_331 = vector.shape_cast %get3A_330 : vector<1x16xf32> to vector<16xf32>
            %mul3A_332 = vector.broadcast %squeeze3A : f32 to vector<16xf32>
            %mul3A_333 = arith.mulf %get3A_331, %mul3A_332 : vector<16xf32>
            %add3A_334 = arith.addf %get3A_325, %mul3A_333 : vector<16xf32>
            %add3A_335 = arith.constant 1 : i32
            %add3A_336 = arith.addi %mul3A_121, %add3A_335 : i32
            %get3A_337 = arith.index_cast %add3A_336 : i32 to index
            %get3A_338 = arith.index_cast %add3A_322 : i32 to index
            %get3A_339 = tpu.vector_load %arg5[%get3A_337, %get3A_338] {strides = array<i32>} : memref<32x1024xf32, #tpu.memory_space<vmem>>, vector<1x16xf32>,
            %get3A_340 = vector.shape_cast %get3A_339 : vector<1x16xf32> to vector<16xf32>
            %mul3A_341 = vector.broadcast %squeeze3A_126 : f32 to vector<16xf32>
            %mul3A_342 = arith.mulf %get3A_340, %mul3A_341 : vector<16xf32>
            %add3A_343 = arith.addf %add3A_334, %mul3A_342 : vector<16xf32>
            %add3A_344 = arith.constant 2 : i32
            %add3A_345 = arith.addi %mul3A_121, %add3A_344 : i32
            %get3A_346 = arith.index_cast %add3A_345 : i32 to index
            %get3A_347 = arith.index_cast %add3A_322 : i32 to index
            %get3A_348 = tpu.vector_load %arg5[%get3A_346, %get3A_347] {strides = array<i32>} : memref<32x1024xf32, #tpu.memory_space<vmem>>, vector<1x16xf32>,
            %get3A_349 = vector.shape_cast %get3A_348 : vector<1x16xf32> to vector<16xf32>
            %mul3A_350 = vector.broadcast %squeeze3A_128 : f32 to vector<16xf32>
            %mul3A_351 = arith.mulf %get3A_349, %mul3A_350 : vector<16xf32>
            %add3A_352 = arith.addf %add3A_343, %mul3A_351 : vector<16xf32>
            %add3A_353 = arith.constant 3 : i32
            %add3A_354 = arith.addi %mul3A_121, %add3A_353 : i32
            %get3A_355 = arith.index_cast %add3A_354 : i32 to index
            %get3A_356 = arith.index_cast %add3A_322 : i32 to index
            %get3A_357 = tpu.vector_load %arg5[%get3A_355, %get3A_356] {strides = array<i32>} : memref<32x1024xf32, #tpu.memory_space<vmem>>, vector<1x16xf32>,
            %get3A_358 = vector.shape_cast %get3A_357 : vector<1x16xf32> to vector<16xf32>
            %mul3A_359 = vector.broadcast %squeeze3A_130 : f32 to vector<16xf32>
            %mul3A_360 = arith.mulf %get3A_358, %mul3A_359 : vector<16xf32>
            %add3A_361 = arith.addf %add3A_352, %mul3A_360 : vector<16xf32>
            %add3A_362 = arith.constant 4 : i32
            %add3A_363 = arith.addi %mul3A_121, %add3A_362 : i32
            %get3A_364 = arith.index_cast %add3A_363 : i32 to index
            %get3A_365 = arith.index_cast %add3A_322 : i32 to index
            %get3A_366 = tpu.vector_load %arg5[%get3A_364, %get3A_365] {strides = array<i32>} : memref<32x1024xf32, #tpu.memory_space<vmem>>, vector<1x16xf32>,
            %get3A_367 = vector.shape_cast %get3A_366 : vector<1x16xf32> to vector<16xf32>
            %mul3A_368 = vector.broadcast %squeeze3A_132 : f32 to vector<16xf32>
            %mul3A_369 = arith.mulf %get3A_367, %mul3A_368 : vector<16xf32>
            %add3A_370 = arith.addf %add3A_361, %mul3A_369 : vector<16xf32>
            %add3A_371 = arith.constant 5 : i32
            %add3A_372 = arith.addi %mul3A_121, %add3A_371 : i32
            %get3A_373 = arith.index_cast %add3A_372 : i32 to index
            %get3A_374 = arith.index_cast %add3A_322 : i32 to index
            %get3A_375 = tpu.vector_load %arg5[%get3A_373, %get3A_374] {strides = array<i32>} : memref<32x1024xf32, #tpu.memory_space<vmem>>, vector<1x16xf32>,
            %get3A_376 = vector.shape_cast %get3A_375 : vector<1x16xf32> to vector<16xf32>
            %mul3A_377 = vector.broadcast %squeeze3A_134 : f32 to vector<16xf32>
            %mul3A_378 = arith.mulf %get3A_376, %mul3A_377 : vector<16xf32>
            %add3A_379 = arith.addf %add3A_370, %mul3A_378 : vector<16xf32>
            %add3A_380 = arith.constant 6 : i32
            %add3A_381 = arith.addi %mul3A_121, %add3A_380 : i32
            %get3A_382 = arith.index_cast %add3A_381 : i32 to index
            %get3A_383 = arith.index_cast %add3A_322 : i32 to index
            %get3A_384 = tpu.vector_load %arg5[%get3A_382, %get3A_383] {strides = array<i32>} : memref<32x1024xf32, #tpu.memory_space<vmem>>, vector<1x16xf32>,
            %get3A_385 = vector.shape_cast %get3A_384 : vector<1x16xf32> to vector<16xf32>
            %mul3A_386 = vector.broadcast %squeeze3A_136 : f32 to vector<16xf32>
            %mul3A_387 = arith.mulf %get3A_385, %mul3A_386 : vector<16xf32>
            %add3A_388 = arith.addf %add3A_379, %mul3A_387 : vector<16xf32>
            %add3A_389 = arith.constant 7 : i32
            %add3A_390 = arith.addi %mul3A_121, %add3A_389 : i32
            %get3A_391 = arith.index_cast %add3A_390 : i32 to index
            %get3A_392 = arith.index_cast %add3A_322 : i32 to index
            %get3A_393 = tpu.vector_load %arg5[%get3A_391, %get3A_392] {strides = array<i32>} : memref<32x1024xf32, #tpu.memory_space<vmem>>, vector<1x16xf32>,
            %get3A_394 = vector.shape_cast %get3A_393 : vector<1x16xf32> to vector<16xf32>
            %mul3A_395 = vector.broadcast %squeeze3A_138 : f32 to vector<16xf32>
            %mul3A_396 = arith.mulf %get3A_394, %mul3A_395 : vector<16xf32>
            %add3A_397 = arith.addf %add3A_388, %mul3A_396 : vector<16xf32>
            %add3A_398 = arith.constant 8 : i32
            %add3A_399 = arith.addi %mul3A_121, %add3A_398 : i32
            %get3A_400 = arith.index_cast %add3A_399 : i32 to index
            %get3A_401 = arith.index_cast %add3A_322 : i32 to index
            %get3A_402 = tpu.vector_load %arg5[%get3A_400, %get3A_401] {strides = array<i32>} : memref<32x1024xf32, #tpu.memory_space<vmem>>, vector<1x16xf32>,
            %get3A_403 = vector.shape_cast %get3A_402 : vector<1x16xf32> to vector<16xf32>
            %mul3A_404 = vector.broadcast %squeeze3A_140 : f32 to vector<16xf32>
            %mul3A_405 = arith.mulf %get3A_403, %mul3A_404 : vector<16xf32>
            %add3A_406 = arith.addf %add3A_397, %mul3A_405 : vector<16xf32>
            %add3A_407 = arith.constant 9 : i32
            %add3A_408 = arith.addi %mul3A_121, %add3A_407 : i32
            %get3A_409 = arith.index_cast %add3A_408 : i32 to index
            %get3A_410 = arith.index_cast %add3A_322 : i32 to index
            %get3A_411 = tpu.vector_load %arg5[%get3A_409, %get3A_410] {strides = array<i32>} : memref<32x1024xf32, #tpu.memory_space<vmem>>, vector<1x16xf32>,
            %get3A_412 = vector.shape_cast %get3A_411 : vector<1x16xf32> to vector<16xf32>
            %mul3A_413 = vector.broadcast %squeeze3A_142 : f32 to vector<16xf32>
            %mul3A_414 = arith.mulf %get3A_412, %mul3A_413 : vector<16xf32>
            %add3A_415 = arith.addf %add3A_406, %mul3A_414 : vector<16xf32>
            %add3A_416 = arith.constant 10 : i32
            %add3A_417 = arith.addi %mul3A_121, %add3A_416 : i32
            %get3A_418 = arith.index_cast %add3A_417 : i32 to index
            %get3A_419 = arith.index_cast %add3A_322 : i32 to index
            %get3A_420 = tpu.vector_load %arg5[%get3A_418, %get3A_419] {strides = array<i32>} : memref<32x1024xf32, #tpu.memory_space<vmem>>, vector<1x16xf32>,
            %get3A_421 = vector.shape_cast %get3A_420 : vector<1x16xf32> to vector<16xf32>
            %mul3A_422 = vector.broadcast %squeeze3A_144 : f32 to vector<16xf32>
            %mul3A_423 = arith.mulf %get3A_421, %mul3A_422 : vector<16xf32>
            %add3A_424 = arith.addf %add3A_415, %mul3A_423 : vector<16xf32>
            %add3A_425 = arith.constant 11 : i32
            %add3A_426 = arith.addi %mul3A_121, %add3A_425 : i32
            %get3A_427 = arith.index_cast %add3A_426 : i32 to index
            %get3A_428 = arith.index_cast %add3A_322 : i32 to index
            %get3A_429 = tpu.vector_load %arg5[%get3A_427, %get3A_428] {strides = array<i32>} : memref<32x1024xf32, #tpu.memory_space<vmem>>, vector<1x16xf32>,
            %get3A_430 = vector.shape_cast %get3A_429 : vector<1x16xf32> to vector<16xf32>
            %mul3A_431 = vector.broadcast %squeeze3A_146 : f32 to vector<16xf32>
            %mul3A_432 = arith.mulf %get3A_430, %mul3A_431 : vector<16xf32>
            %add3A_433 = arith.addf %add3A_424, %mul3A_432 : vector<16xf32>
            %add3A_434 = arith.constant 12 : i32
            %add3A_435 = arith.addi %mul3A_121, %add3A_434 : i32
            %get3A_436 = arith.index_cast %add3A_435 : i32 to index
            %get3A_437 = arith.index_cast %add3A_322 : i32 to index
            %get3A_438 = tpu.vector_load %arg5[%get3A_436, %get3A_437] {strides = array<i32>} : memref<32x1024xf32, #tpu.memory_space<vmem>>, vector<1x16xf32>,
            %get3A_439 = vector.shape_cast %get3A_438 : vector<1x16xf32> to vector<16xf32>
            %mul3A_440 = vector.broadcast %squeeze3A_148 : f32 to vector<16xf32>
            %mul3A_441 = arith.mulf %get3A_439, %mul3A_440 : vector<16xf32>
            %add3A_442 = arith.addf %add3A_433, %mul3A_441 : vector<16xf32>
            %add3A_443 = arith.constant 13 : i32
            %add3A_444 = arith.addi %mul3A_121, %add3A_443 : i32
            %get3A_445 = arith.index_cast %add3A_444 : i32 to index
            %get3A_446 = arith.index_cast %add3A_322 : i32 to index
            %get3A_447 = tpu.vector_load %arg5[%get3A_445, %get3A_446] {strides = array<i32>} : memref<32x1024xf32, #tpu.memory_space<vmem>>, vector<1x16xf32>,
            %get3A_448 = vector.shape_cast %get3A_447 : vector<1x16xf32> to vector<16xf32>
            %mul3A_449 = vector.broadcast %squeeze3A_150 : f32 to vector<16xf32>
            %mul3A_450 = arith.mulf %get3A_448, %mul3A_449 : vector<16xf32>
            %add3A_451 = arith.addf %add3A_442, %mul3A_450 : vector<16xf32>
            %add3A_452 = arith.constant 14 : i32
            %add3A_453 = arith.addi %mul3A_121, %add3A_452 : i32
            %get3A_454 = arith.index_cast %add3A_453 : i32 to index
            %get3A_455 = arith.index_cast %add3A_322 : i32 to index
            %get3A_456 = tpu.vector_load %arg5[%get3A_454, %get3A_455] {strides = array<i32>} : memref<32x1024xf32, #tpu.memory_space<vmem>>, vector<1x16xf32>,
            %get3A_457 = vector.shape_cast %get3A_456 : vector<1x16xf32> to vector<16xf32>
            %mul3A_458 = vector.broadcast %squeeze3A_152 : f32 to vector<16xf32>
            %mul3A_459 = arith.mulf %get3A_457, %mul3A_458 : vector<16xf32>
            %add3A_460 = arith.addf %add3A_451, %mul3A_459 : vector<16xf32>
            %add3A_461 = arith.constant 15 : i32
            %add3A_462 = arith.addi %mul3A_121, %add3A_461 : i32
            %get3A_463 = arith.index_cast %add3A_462 : i32 to index
            %get3A_464 = arith.index_cast %add3A_322 : i32 to index
            %get3A_465 = tpu.vector_load %arg5[%get3A_463, %get3A_464] {strides = array<i32>} : memref<32x1024xf32, #tpu.memory_space<vmem>>, vector<1x16xf32>,
            %get3A_466 = vector.shape_cast %get3A_465 : vector<1x16xf32> to vector<16xf32>
            %mul3A_467 = vector.broadcast %squeeze3A_154 : f32 to vector<16xf32>
            %mul3A_468 = arith.mulf %get3A_466, %mul3A_467 : vector<16xf32>
            %add3A_469 = arith.addf %add3A_460, %mul3A_468 : vector<16xf32>
            %swap3A_470 = arith.index_cast %add3A_322 : i32 to index
            %swap3A_471 = tpu.vector_load %arg8[%swap3A_470] {strides = array<i32>} : memref<1024xf32, #tpu.memory_space<vmem>>, vector<16xf32>,
            %swap3A_472 = vector.shape_cast %swap3A_471 : vector<16xf32> to vector<16xf32>
            %swap3A_473 = vector.shape_cast %add3A_469 : vector<16xf32> to vector<16xf32>
            tpu.vector_store %arg8[%swap3A_470], %swap3A_473 {strides = array<i32>} : memref<1024xf32, #tpu.memory_space<vmem>>, vector<16xf32>,
            %mul3A_474 = arith.constant 64 : i32
            %mul3A_475 = arith.muli %scan3A_163, %mul3A_474 : i32
            %add3A_476 = arith.constant 32 : i32
            %add3A_477 = arith.addi %mul3A_475, %add3A_476 : i32
            %get3A_478 = arith.index_cast %add3A_477 : i32 to index
            %get3A_479 = tpu.vector_load %arg8[%get3A_478] {strides = array<i32>} : memref<1024xf32, #tpu.memory_space<vmem>>, vector<16xf32>,
            %get3A_480 = vector.shape_cast %get3A_479 : vector<16xf32> to vector<16xf32>
            %add3A_481 = arith.constant 0 : i32
            %add3A_482 = arith.addi %mul3A_121, %add3A_481 : i32
            %get3A_483 = arith.index_cast %add3A_482 : i32 to index
            %get3A_484 = arith.index_cast %add3A_477 : i32 to index
            %get3A_485 = tpu.vector_load %arg5[%get3A_483, %get3A_484] {strides = array<i32>} : memref<32x1024xf32, #tpu.memory_space<vmem>>, vector<1x16xf32>,
            %get3A_486 = vector.shape_cast %get3A_485 : vector<1x16xf32> to vector<16xf32>
            %mul3A_487 = vector.broadcast %squeeze3A : f32 to vector<16xf32>
            %mul3A_488 = arith.mulf %get3A_486, %mul3A_487 : vector<16xf32>
            %add3A_489 = arith.addf %get3A_480, %mul3A_488 : vector<16xf32>
            %add3A_490 = arith.constant 1 : i32
            %add3A_491 = arith.addi %mul3A_121, %add3A_490 : i32
            %get3A_492 = arith.index_cast %add3A_491 : i32 to index
            %get3A_493 = arith.index_cast %add3A_477 : i32 to index
            %get3A_494 = tpu.vector_load %arg5[%get3A_492, %get3A_493] {strides = array<i32>} : memref<32x1024xf32, #tpu.memory_space<vmem>>, vector<1x16xf32>,
            %get3A_495 = vector.shape_cast %get3A_494 : vector<1x16xf32> to vector<16xf32>
            %mul3A_496 = vector.broadcast %squeeze3A_126 : f32 to vector<16xf32>
            %mul3A_497 = arith.mulf %get3A_495, %mul3A_496 : vector<16xf32>
            %add3A_498 = arith.addf %add3A_489, %mul3A_497 : vector<16xf32>
            %add3A_499 = arith.constant 2 : i32
            %add3A_500 = arith.addi %mul3A_121, %add3A_499 : i32
            %get3A_501 = arith.index_cast %add3A_500 : i32 to index
            %get3A_502 = arith.index_cast %add3A_477 : i32 to index
            %get3A_503 = tpu.vector_load %arg5[%get3A_501, %get3A_502] {strides = array<i32>} : memref<32x1024xf32, #tpu.memory_space<vmem>>, vector<1x16xf32>,
            %get3A_504 = vector.shape_cast %get3A_503 : vector<1x16xf32> to vector<16xf32>
            %mul3A_505 = vector.broadcast %squeeze3A_128 : f32 to vector<16xf32>
            %mul3A_506 = arith.mulf %get3A_504, %mul3A_505 : vector<16xf32>
            %add3A_507 = arith.addf %add3A_498, %mul3A_506 : vector<16xf32>
            %add3A_508 = arith.constant 3 : i32
            %add3A_509 = arith.addi %mul3A_121, %add3A_508 : i32
            %get3A_510 = arith.index_cast %add3A_509 : i32 to index
            %get3A_511 = arith.index_cast %add3A_477 : i32 to index
            %get3A_512 = tpu.vector_load %arg5[%get3A_510, %get3A_511] {strides = array<i32>} : memref<32x1024xf32, #tpu.memory_space<vmem>>, vector<1x16xf32>,
            %get3A_513 = vector.shape_cast %get3A_512 : vector<1x16xf32> to vector<16xf32>
            %mul3A_514 = vector.broadcast %squeeze3A_130 : f32 to vector<16xf32>
            %mul3A_515 = arith.mulf %get3A_513, %mul3A_514 : vector<16xf32>
            %add3A_516 = arith.addf %add3A_507, %mul3A_515 : vector<16xf32>
            %add3A_517 = arith.constant 4 : i32
            %add3A_518 = arith.addi %mul3A_121, %add3A_517 : i32
            %get3A_519 = arith.index_cast %add3A_518 : i32 to index
            %get3A_520 = arith.index_cast %add3A_477 : i32 to index
            %get3A_521 = tpu.vector_load %arg5[%get3A_519, %get3A_520] {strides = array<i32>} : memref<32x1024xf32, #tpu.memory_space<vmem>>, vector<1x16xf32>,
            %get3A_522 = vector.shape_cast %get3A_521 : vector<1x16xf32> to vector<16xf32>
            %mul3A_523 = vector.broadcast %squeeze3A_132 : f32 to vector<16xf32>
            %mul3A_524 = arith.mulf %get3A_522, %mul3A_523 : vector<16xf32>
            %add3A_525 = arith.addf %add3A_516, %mul3A_524 : vector<16xf32>
            %add3A_526 = arith.constant 5 : i32
            %add3A_527 = arith.addi %mul3A_121, %add3A_526 : i32
            %get3A_528 = arith.index_cast %add3A_527 : i32 to index
            %get3A_529 = arith.index_cast %add3A_477 : i32 to index
            %get3A_530 = tpu.vector_load %arg5[%get3A_528, %get3A_529] {strides = array<i32>} : memref<32x1024xf32, #tpu.memory_space<vmem>>, vector<1x16xf32>,
            %get3A_531 = vector.shape_cast %get3A_530 : vector<1x16xf32> to vector<16xf32>
            %mul3A_532 = vector.broadcast %squeeze3A_134 : f32 to vector<16xf32>
            %mul3A_533 = arith.mulf %get3A_531, %mul3A_532 : vector<16xf32>
            %add3A_534 = arith.addf %add3A_525, %mul3A_533 : vector<16xf32>
            %add3A_535 = arith.constant 6 : i32
            %add3A_536 = arith.addi %mul3A_121, %add3A_535 : i32
            %get3A_537 = arith.index_cast %add3A_536 : i32 to index
            %get3A_538 = arith.index_cast %add3A_477 : i32 to index
            %get3A_539 = tpu.vector_load %arg5[%get3A_537, %get3A_538] {strides = array<i32>} : memref<32x1024xf32, #tpu.memory_space<vmem>>, vector<1x16xf32>,
            %get3A_540 = vector.shape_cast %get3A_539 : vector<1x16xf32> to vector<16xf32>
            %mul3A_541 = vector.broadcast %squeeze3A_136 : f32 to vector<16xf32>
            %mul3A_542 = arith.mulf %get3A_540, %mul3A_541 : vector<16xf32>
            %add3A_543 = arith.addf %add3A_534, %mul3A_542 : vector<16xf32>
            %add3A_544 = arith.constant 7 : i32
            %add3A_545 = arith.addi %mul3A_121, %add3A_544 : i32
            %get3A_546 = arith.index_cast %add3A_545 : i32 to index
            %get3A_547 = arith.index_cast %add3A_477 : i32 to index
            %get3A_548 = tpu.vector_load %arg5[%get3A_546, %get3A_547] {strides = array<i32>} : memref<32x1024xf32, #tpu.memory_space<vmem>>, vector<1x16xf32>,
            %get3A_549 = vector.shape_cast %get3A_548 : vector<1x16xf32> to vector<16xf32>
            %mul3A_550 = vector.broadcast %squeeze3A_138 : f32 to vector<16xf32>
            %mul3A_551 = arith.mulf %get3A_549, %mul3A_550 : vector<16xf32>
            %add3A_552 = arith.addf %add3A_543, %mul3A_551 : vector<16xf32>
            %add3A_553 = arith.constant 8 : i32
            %add3A_554 = arith.addi %mul3A_121, %add3A_553 : i32
            %get3A_555 = arith.index_cast %add3A_554 : i32 to index
            %get3A_556 = arith.index_cast %add3A_477 : i32 to index
            %get3A_557 = tpu.vector_load %arg5[%get3A_555, %get3A_556] {strides = array<i32>} : memref<32x1024xf32, #tpu.memory_space<vmem>>, vector<1x16xf32>,
            %get3A_558 = vector.shape_cast %get3A_557 : vector<1x16xf32> to vector<16xf32>
            %mul3A_559 = vector.broadcast %squeeze3A_140 : f32 to vector<16xf32>
            %mul3A_560 = arith.mulf %get3A_558, %mul3A_559 : vector<16xf32>
            %add3A_561 = arith.addf %add3A_552, %mul3A_560 : vector<16xf32>
            %add3A_562 = arith.constant 9 : i32
            %add3A_563 = arith.addi %mul3A_121, %add3A_562 : i32
            %get3A_564 = arith.index_cast %add3A_563 : i32 to index
            %get3A_565 = arith.index_cast %add3A_477 : i32 to index
            %get3A_566 = tpu.vector_load %arg5[%get3A_564, %get3A_565] {strides = array<i32>} : memref<32x1024xf32, #tpu.memory_space<vmem>>, vector<1x16xf32>,
            %get3A_567 = vector.shape_cast %get3A_566 : vector<1x16xf32> to vector<16xf32>
            %mul3A_568 = vector.broadcast %squeeze3A_142 : f32 to vector<16xf32>
            %mul3A_569 = arith.mulf %get3A_567, %mul3A_568 : vector<16xf32>
            %add3A_570 = arith.addf %add3A_561, %mul3A_569 : vector<16xf32>
            %add3A_571 = arith.constant 10 : i32
            %add3A_572 = arith.addi %mul3A_121, %add3A_571 : i32
            %get3A_573 = arith.index_cast %add3A_572 : i32 to index
            %get3A_574 = arith.index_cast %add3A_477 : i32 to index
            %get3A_575 = tpu.vector_load %arg5[%get3A_573, %get3A_574] {strides = array<i32>} : memref<32x1024xf32, #tpu.memory_space<vmem>>, vector<1x16xf32>,
            %get3A_576 = vector.shape_cast %get3A_575 : vector<1x16xf32> to vector<16xf32>
            %mul3A_577 = vector.broadcast %squeeze3A_144 : f32 to vector<16xf32>
            %mul3A_578 = arith.mulf %get3A_576, %mul3A_577 : vector<16xf32>
            %add3A_579 = arith.addf %add3A_570, %mul3A_578 : vector<16xf32>
            %add3A_580 = arith.constant 11 : i32
            %add3A_581 = arith.addi %mul3A_121, %add3A_580 : i32
            %get3A_582 = arith.index_cast %add3A_581 : i32 to index
            %get3A_583 = arith.index_cast %add3A_477 : i32 to index
            %get3A_584 = tpu.vector_load %arg5[%get3A_582, %get3A_583] {strides = array<i32>} : memref<32x1024xf32, #tpu.memory_space<vmem>>, vector<1x16xf32>,
            %get3A_585 = vector.shape_cast %get3A_584 : vector<1x16xf32> to vector<16xf32>
            %mul3A_586 = vector.broadcast %squeeze3A_146 : f32 to vector<16xf32>
            %mul3A_587 = arith.mulf %get3A_585, %mul3A_586 : vector<16xf32>
            %add3A_588 = arith.addf %add3A_579, %mul3A_587 : vector<16xf32>
            %add3A_589 = arith.constant 12 : i32
            %add3A_590 = arith.addi %mul3A_121, %add3A_589 : i32
            %get3A_591 = arith.index_cast %add3A_590 : i32 to index
            %get3A_592 = arith.index_cast %add3A_477 : i32 to index
            %get3A_593 = tpu.vector_load %arg5[%get3A_591, %get3A_592] {strides = array<i32>} : memref<32x1024xf32, #tpu.memory_space<vmem>>, vector<1x16xf32>,
            %get3A_594 = vector.shape_cast %get3A_593 : vector<1x16xf32> to vector<16xf32>
            %mul3A_595 = vector.broadcast %squeeze3A_148 : f32 to vector<16xf32>
            %mul3A_596 = arith.mulf %get3A_594, %mul3A_595 : vector<16xf32>
            %add3A_597 = arith.addf %add3A_588, %mul3A_596 : vector<16xf32>
            %add3A_598 = arith.constant 13 : i32
            %add3A_599 = arith.addi %mul3A_121, %add3A_598 : i32
            %get3A_600 = arith.index_cast %add3A_599 : i32 to index
            %get3A_601 = arith.index_cast %add3A_477 : i32 to index
            %get3A_602 = tpu.vector_load %arg5[%get3A_600, %get3A_601] {strides = array<i32>} : memref<32x1024xf32, #tpu.memory_space<vmem>>, vector<1x16xf32>,
            %get3A_603 = vector.shape_cast %get3A_602 : vector<1x16xf32> to vector<16xf32>
            %mul3A_604 = vector.broadcast %squeeze3A_150 : f32 to vector<16xf32>
            %mul3A_605 = arith.mulf %get3A_603, %mul3A_604 : vector<16xf32>
            %add3A_606 = arith.addf %add3A_597, %mul3A_605 : vector<16xf32>
            %add3A_607 = arith.constant 14 : i32
            %add3A_608 = arith.addi %mul3A_121, %add3A_607 : i32
            %get3A_609 = arith.index_cast %add3A_608 : i32 to index
            %get3A_610 = arith.index_cast %add3A_477 : i32 to index
            %get3A_611 = tpu.vector_load %arg5[%get3A_609, %get3A_610] {strides = array<i32>} : memref<32x1024xf32, #tpu.memory_space<vmem>>, vector<1x16xf32>,
            %get3A_612 = vector.shape_cast %get3A_611 : vector<1x16xf32> to vector<16xf32>
            %mul3A_613 = vector.broadcast %squeeze3A_152 : f32 to vector<16xf32>
            %mul3A_614 = arith.mulf %get3A_612, %mul3A_613 : vector<16xf32>
            %add3A_615 = arith.addf %add3A_606, %mul3A_614 : vector<16xf32>
            %add3A_616 = arith.constant 15 : i32
            %add3A_617 = arith.addi %mul3A_121, %add3A_616 : i32
            %get3A_618 = arith.index_cast %add3A_617 : i32 to index
            %get3A_619 = arith.index_cast %add3A_477 : i32 to index
            %get3A_620 = tpu.vector_load %arg5[%get3A_618, %get3A_619] {strides = array<i32>} : memref<32x1024xf32, #tpu.memory_space<vmem>>, vector<1x16xf32>,
            %get3A_621 = vector.shape_cast %get3A_620 : vector<1x16xf32> to vector<16xf32>
            %mul3A_622 = vector.broadcast %squeeze3A_154 : f32 to vector<16xf32>
            %mul3A_623 = arith.mulf %get3A_621, %mul3A_622 : vector<16xf32>
            %add3A_624 = arith.addf %add3A_615, %mul3A_623 : vector<16xf32>
            %swap3A_625 = arith.index_cast %add3A_477 : i32 to index
            %swap3A_626 = tpu.vector_load %arg8[%swap3A_625] {strides = array<i32>} : memref<1024xf32, #tpu.memory_space<vmem>>, vector<16xf32>,
            %swap3A_627 = vector.shape_cast %swap3A_626 : vector<16xf32> to vector<16xf32>
            %swap3A_628 = vector.shape_cast %add3A_624 : vector<16xf32> to vector<16xf32>
            tpu.vector_store %arg8[%swap3A_625], %swap3A_628 {strides = array<i32>} : memref<1024xf32, #tpu.memory_space<vmem>>, vector<16xf32>,
            %mul3A_629 = arith.constant 64 : i32
            %mul3A_630 = arith.muli %scan3A_163, %mul3A_629 : i32
            %add3A_631 = arith.constant 48 : i32
            %add3A_632 = arith.addi %mul3A_630, %add3A_631 : i32
            %get3A_633 = arith.index_cast %add3A_632 : i32 to index
            %get3A_634 = tpu.vector_load %arg8[%get3A_633] {strides = array<i32>} : memref<1024xf32, #tpu.memory_space<vmem>>, vector<16xf32>,
            %get3A_635 = vector.shape_cast %get3A_634 : vector<16xf32> to vector<16xf32>
            %add3A_636 = arith.constant 0 : i32
            %add3A_637 = arith.addi %mul3A_121, %add3A_636 : i32
            %get3A_638 = arith.index_cast %add3A_637 : i32 to index
            %get3A_639 = arith.index_cast %add3A_632 : i32 to index
            %get3A_640 = tpu.vector_load %arg5[%get3A_638, %get3A_639] {strides = array<i32>} : memref<32x1024xf32, #tpu.memory_space<vmem>>, vector<1x16xf32>,
            %get3A_641 = vector.shape_cast %get3A_640 : vector<1x16xf32> to vector<16xf32>
            %mul3A_642 = vector.broadcast %squeeze3A : f32 to vector<16xf32>
            %mul3A_643 = arith.mulf %get3A_641, %mul3A_642 : vector<16xf32>
            %add3A_644 = arith.addf %get3A_635, %mul3A_643 : vector<16xf32>
            %add3A_645 = arith.constant 1 : i32
            %add3A_646 = arith.addi %mul3A_121, %add3A_645 : i32
            %get3A_647 = arith.index_cast %add3A_646 : i32 to index
            %get3A_648 = arith.index_cast %add3A_632 : i32 to index
            %get3A_649 = tpu.vector_load %arg5[%get3A_647, %get3A_648] {strides = array<i32>} : memref<32x1024xf32, #tpu.memory_space<vmem>>, vector<1x16xf32>,
            %get3A_650 = vector.shape_cast %get3A_649 : vector<1x16xf32> to vector<16xf32>
            %mul3A_651 = vector.broadcast %squeeze3A_126 : f32 to vector<16xf32>
            %mul3A_652 = arith.mulf %get3A_650, %mul3A_651 : vector<16xf32>
            %add3A_653 = arith.addf %add3A_644, %mul3A_652 : vector<16xf32>
            %add3A_654 = arith.constant 2 : i32
            %add3A_655 = arith.addi %mul3A_121, %add3A_654 : i32
            %get3A_656 = arith.index_cast %add3A_655 : i32 to index
            %get3A_657 = arith.index_cast %add3A_632 : i32 to index
            %get3A_658 = tpu.vector_load %arg5[%get3A_656, %get3A_657] {strides = array<i32>} : memref<32x1024xf32, #tpu.memory_space<vmem>>, vector<1x16xf32>,
            %get3A_659 = vector.shape_cast %get3A_658 : vector<1x16xf32> to vector<16xf32>
            %mul3A_660 = vector.broadcast %squeeze3A_128 : f32 to vector<16xf32>
            %mul3A_661 = arith.mulf %get3A_659, %mul3A_660 : vector<16xf32>
            %add3A_662 = arith.addf %add3A_653, %mul3A_661 : vector<16xf32>
            %add3A_663 = arith.constant 3 : i32
            %add3A_664 = arith.addi %mul3A_121, %add3A_663 : i32
            %get3A_665 = arith.index_cast %add3A_664 : i32 to index
            %get3A_666 = arith.index_cast %add3A_632 : i32 to index
            %get3A_667 = tpu.vector_load %arg5[%get3A_665, %get3A_666] {strides = array<i32>} : memref<32x1024xf32, #tpu.memory_space<vmem>>, vector<1x16xf32>,
            %get3A_668 = vector.shape_cast %get3A_667 : vector<1x16xf32> to vector<16xf32>
            %mul3A_669 = vector.broadcast %squeeze3A_130 : f32 to vector<16xf32>
            %mul3A_670 = arith.mulf %get3A_668, %mul3A_669 : vector<16xf32>
            %add3A_671 = arith.addf %add3A_662, %mul3A_670 : vector<16xf32>
            %add3A_672 = arith.constant 4 : i32
            %add3A_673 = arith.addi %mul3A_121, %add3A_672 : i32
            %get3A_674 = arith.index_cast %add3A_673 : i32 to index
            %get3A_675 = arith.index_cast %add3A_632 : i32 to index
            %get3A_676 = tpu.vector_load %arg5[%get3A_674, %get3A_675] {strides = array<i32>} : memref<32x1024xf32, #tpu.memory_space<vmem>>, vector<1x16xf32>,
            %get3A_677 = vector.shape_cast %get3A_676 : vector<1x16xf32> to vector<16xf32>
            %mul3A_678 = vector.broadcast %squeeze3A_132 : f32 to vector<16xf32>
            %mul3A_679 = arith.mulf %get3A_677, %mul3A_678 : vector<16xf32>
            %add3A_680 = arith.addf %add3A_671, %mul3A_679 : vector<16xf32>
            %add3A_681 = arith.constant 5 : i32
            %add3A_682 = arith.addi %mul3A_121, %add3A_681 : i32
            %get3A_683 = arith.index_cast %add3A_682 : i32 to index
            %get3A_684 = arith.index_cast %add3A_632 : i32 to index
            %get3A_685 = tpu.vector_load %arg5[%get3A_683, %get3A_684] {strides = array<i32>} : memref<32x1024xf32, #tpu.memory_space<vmem>>, vector<1x16xf32>,
            %get3A_686 = vector.shape_cast %get3A_685 : vector<1x16xf32> to vector<16xf32>
            %mul3A_687 = vector.broadcast %squeeze3A_134 : f32 to vector<16xf32>
            %mul3A_688 = arith.mulf %get3A_686, %mul3A_687 : vector<16xf32>
            %add3A_689 = arith.addf %add3A_680, %mul3A_688 : vector<16xf32>
            %add3A_690 = arith.constant 6 : i32
            %add3A_691 = arith.addi %mul3A_121, %add3A_690 : i32
            %get3A_692 = arith.index_cast %add3A_691 : i32 to index
            %get3A_693 = arith.index_cast %add3A_632 : i32 to index
            %get3A_694 = tpu.vector_load %arg5[%get3A_692, %get3A_693] {strides = array<i32>} : memref<32x1024xf32, #tpu.memory_space<vmem>>, vector<1x16xf32>,
            %get3A_695 = vector.shape_cast %get3A_694 : vector<1x16xf32> to vector<16xf32>
            %mul3A_696 = vector.broadcast %squeeze3A_136 : f32 to vector<16xf32>
            %mul3A_697 = arith.mulf %get3A_695, %mul3A_696 : vector<16xf32>
            %add3A_698 = arith.addf %add3A_689, %mul3A_697 : vector<16xf32>
            %add3A_699 = arith.constant 7 : i32
            %add3A_700 = arith.addi %mul3A_121, %add3A_699 : i32
            %get3A_701 = arith.index_cast %add3A_700 : i32 to index
            %get3A_702 = arith.index_cast %add3A_632 : i32 to index
            %get3A_703 = tpu.vector_load %arg5[%get3A_701, %get3A_702] {strides = array<i32>} : memref<32x1024xf32, #tpu.memory_space<vmem>>, vector<1x16xf32>,
            %get3A_704 = vector.shape_cast %get3A_703 : vector<1x16xf32> to vector<16xf32>
            %mul3A_705 = vector.broadcast %squeeze3A_138 : f32 to vector<16xf32>
            %mul3A_706 = arith.mulf %get3A_704, %mul3A_705 : vector<16xf32>
            %add3A_707 = arith.addf %add3A_698, %mul3A_706 : vector<16xf32>
            %add3A_708 = arith.constant 8 : i32
            %add3A_709 = arith.addi %mul3A_121, %add3A_708 : i32
            %get3A_710 = arith.index_cast %add3A_709 : i32 to index
            %get3A_711 = arith.index_cast %add3A_632 : i32 to index
            %get3A_712 = tpu.vector_load %arg5[%get3A_710, %get3A_711] {strides = array<i32>} : memref<32x1024xf32, #tpu.memory_space<vmem>>, vector<1x16xf32>,
            %get3A_713 = vector.shape_cast %get3A_712 : vector<1x16xf32> to vector<16xf32>
            %mul3A_714 = vector.broadcast %squeeze3A_140 : f32 to vector<16xf32>
            %mul3A_715 = arith.mulf %get3A_713, %mul3A_714 : vector<16xf32>
            %add3A_716 = arith.addf %add3A_707, %mul3A_715 : vector<16xf32>
            %add3A_717 = arith.constant 9 : i32
            %add3A_718 = arith.addi %mul3A_121, %add3A_717 : i32
            %get3A_719 = arith.index_cast %add3A_718 : i32 to index
            %get3A_720 = arith.index_cast %add3A_632 : i32 to index
            %get3A_721 = tpu.vector_load %arg5[%get3A_719, %get3A_720] {strides = array<i32>} : memref<32x1024xf32, #tpu.memory_space<vmem>>, vector<1x16xf32>,
            %get3A_722 = vector.shape_cast %get3A_721 : vector<1x16xf32> to vector<16xf32>
            %mul3A_723 = vector.broadcast %squeeze3A_142 : f32 to vector<16xf32>
            %mul3A_724 = arith.mulf %get3A_722, %mul3A_723 : vector<16xf32>
            %add3A_725 = arith.addf %add3A_716, %mul3A_724 : vector<16xf32>
            %add3A_726 = arith.constant 10 : i32
            %add3A_727 = arith.addi %mul3A_121, %add3A_726 : i32
            %get3A_728 = arith.index_cast %add3A_727 : i32 to index
            %get3A_729 = arith.index_cast %add3A_632 : i32 to index
            %get3A_730 = tpu.vector_load %arg5[%get3A_728, %get3A_729] {strides = array<i32>} : memref<32x1024xf32, #tpu.memory_space<vmem>>, vector<1x16xf32>,
            %get3A_731 = vector.shape_cast %get3A_730 : vector<1x16xf32> to vector<16xf32>
            %mul3A_732 = vector.broadcast %squeeze3A_144 : f32 to vector<16xf32>
            %mul3A_733 = arith.mulf %get3A_731, %mul3A_732 : vector<16xf32>
            %add3A_734 = arith.addf %add3A_725, %mul3A_733 : vector<16xf32>
            %add3A_735 = arith.constant 11 : i32
            %add3A_736 = arith.addi %mul3A_121, %add3A_735 : i32
            %get3A_737 = arith.index_cast %add3A_736 : i32 to index
            %get3A_738 = arith.index_cast %add3A_632 : i32 to index
            %get3A_739 = tpu.vector_load %arg5[%get3A_737, %get3A_738] {strides = array<i32>} : memref<32x1024xf32, #tpu.memory_space<vmem>>, vector<1x16xf32>,
            %get3A_740 = vector.shape_cast %get3A_739 : vector<1x16xf32> to vector<16xf32>
            %mul3A_741 = vector.broadcast %squeeze3A_146 : f32 to vector<16xf32>
            %mul3A_742 = arith.mulf %get3A_740, %mul3A_741 : vector<16xf32>
            %add3A_743 = arith.addf %add3A_734, %mul3A_742 : vector<16xf32>
            %add3A_744 = arith.constant 12 : i32
            %add3A_745 = arith.addi %mul3A_121, %add3A_744 : i32
            %get3A_746 = arith.index_cast %add3A_745 : i32 to index
            %get3A_747 = arith.index_cast %add3A_632 : i32 to index
            %get3A_748 = tpu.vector_load %arg5[%get3A_746, %get3A_747] {strides = array<i32>} : memref<32x1024xf32, #tpu.memory_space<vmem>>, vector<1x16xf32>,
            %get3A_749 = vector.shape_cast %get3A_748 : vector<1x16xf32> to vector<16xf32>
            %mul3A_750 = vector.broadcast %squeeze3A_148 : f32 to vector<16xf32>
            %mul3A_751 = arith.mulf %get3A_749, %mul3A_750 : vector<16xf32>
            %add3A_752 = arith.addf %add3A_743, %mul3A_751 : vector<16xf32>
            %add3A_753 = arith.constant 13 : i32
            %add3A_754 = arith.addi %mul3A_121, %add3A_753 : i32
            %get3A_755 = arith.index_cast %add3A_754 : i32 to index
            %get3A_756 = arith.index_cast %add3A_632 : i32 to index
            %get3A_757 = tpu.vector_load %arg5[%get3A_755, %get3A_756] {strides = array<i32>} : memref<32x1024xf32, #tpu.memory_space<vmem>>, vector<1x16xf32>,
            %get3A_758 = vector.shape_cast %get3A_757 : vector<1x16xf32> to vector<16xf32>
            %mul3A_759 = vector.broadcast %squeeze3A_150 : f32 to vector<16xf32>
            %mul3A_760 = arith.mulf %get3A_758, %mul3A_759 : vector<16xf32>
            %add3A_761 = arith.addf %add3A_752, %mul3A_760 : vector<16xf32>
            %add3A_762 = arith.constant 14 : i32
            %add3A_763 = arith.addi %mul3A_121, %add3A_762 : i32
            %get3A_764 = arith.index_cast %add3A_763 : i32 to index
            %get3A_765 = arith.index_cast %add3A_632 : i32 to index
            %get3A_766 = tpu.vector_load %arg5[%get3A_764, %get3A_765] {strides = array<i32>} : memref<32x1024xf32, #tpu.memory_space<vmem>>, vector<1x16xf32>,
            %get3A_767 = vector.shape_cast %get3A_766 : vector<1x16xf32> to vector<16xf32>
            %mul3A_768 = vector.broadcast %squeeze3A_152 : f32 to vector<16xf32>
            %mul3A_769 = arith.mulf %get3A_767, %mul3A_768 : vector<16xf32>
            %add3A_770 = arith.addf %add3A_761, %mul3A_769 : vector<16xf32>
            %add3A_771 = arith.constant 15 : i32
            %add3A_772 = arith.addi %mul3A_121, %add3A_771 : i32
            %get3A_773 = arith.index_cast %add3A_772 : i32 to index
            %get3A_774 = arith.index_cast %add3A_632 : i32 to index
            %get3A_775 = tpu.vector_load %arg5[%get3A_773, %get3A_774] {strides = array<i32>} : memref<32x1024xf32, #tpu.memory_space<vmem>>, vector<1x16xf32>,
            %get3A_776 = vector.shape_cast %get3A_775 : vector<1x16xf32> to vector<16xf32>
            %mul3A_777 = vector.broadcast %squeeze3A_154 : f32 to vector<16xf32>
            %mul3A_778 = arith.mulf %get3A_776, %mul3A_777 : vector<16xf32>
            %add3A_779 = arith.addf %add3A_770, %mul3A_778 : vector<16xf32>
            %swap3A_780 = arith.index_cast %add3A_632 : i32 to index
            %swap3A_781 = tpu.vector_load %arg8[%swap3A_780] {strides = array<i32>} : memref<1024xf32, #tpu.memory_space<vmem>>, vector<16xf32>,
            %swap3A_782 = vector.shape_cast %swap3A_781 : vector<16xf32> to vector<16xf32>
            %swap3A_783 = vector.shape_cast %add3A_779 : vector<16xf32> to vector<16xf32>
            tpu.vector_store %arg8[%swap3A_780], %swap3A_783 {strides = array<i32>} : memref<1024xf32, #tpu.memory_space<vmem>>, vector<16xf32>,
            %scan3A_784 = arith.constant 0 : i32
            scf.yield %scan3A_784 : i32
          }
          %scan3A_161 = arith.constant 16 : i32
          %scan3A_162 = arith.constant 0 : i32
          scf.yield %scan3A_162 : i32
        }
        %scan3A_95 = arith.constant 2 : i32
        %add3A_96 = arith.constant 2 : i32
        %add3A_97 = arith.addi %mul3A_71, %add3A_96 : i32
        %lt3A = arith.constant 7 : i32
        %lt3A_98 = arith.cmpi slt, %add3A_97, %lt3A : i32
        %convert_element_type3A = arith.extui %lt3A_98 : i1 to i32
        %cond3A = arith.constant 0 : i32
        %cond3A_99 = arith.cmpi ne, %convert_element_type3A, %cond3A : i32
        scf.if %cond3A_99 {
          %add3A_118 = arith.constant 2 : i32
          %add3A_119 = arith.addi %mul3A_71, %add3A_118 : i32
          %mul3A_120 = arith.constant 32 : i32
          %mul3A_121 = arith.muli %add3A_119, %mul3A_120 : i32
          %add3A_122 = arith.addi %add3A_37, %mul3A_121 : i32
          %dma_start3A_123 = arith.constant 0 : i32
          %dma_start3A_124 = tpu.memref_slice %arg2[%add3A_122, %dma_start3A_123] : memref<49152x1024xf32, #tpu.memory_space<hbm>> -> memref<32x1024xf32, #tpu.memory_space<hbm>>
          %dma_start3A_125 = arith.constant 0 : i32
          %dma_start3A_126 = tpu.memref_slice %arg2[%add3A_122, %dma_start3A_125] : memref<49152x1024xf32, #tpu.memory_space<hbm>> -> memref<32x1024xf32, #tpu.memory_space<hbm>>
          tpu.enqueue_dma source(%dma_start3A_126 : memref<32x1024xf32, #tpu.memory_space<hbm>>) target(%arg5 : memref<32x1024xf32, #tpu.memory_space<vmem>>) target_semaphore(%arg9 : memref<!tpu.dma_semaphore, #tpu.memory_space<semaphore_mem>>)
        } else {
        }
        %dma_wait3A_100 = arith.constant 0 : i32
        %dma_wait3A_101 = arith.constant 0 : i32
        %dma_wait3A_102 = tpu.memref_slice %arg2[%dma_wait3A_100, %dma_wait3A_101] : memref<49152x1024xf32, #tpu.memory_space<hbm>> -> memref<32x1024xf32, #tpu.memory_space<hbm>>
        %dma_wait3A_103 = arith.constant 0 : i32
        %dma_wait3A_104 = arith.constant 0 : i32
        %dma_wait3A_105 = tpu.memref_slice %arg2[%dma_wait3A_103, %dma_wait3A_104] : memref<49152x1024xf32, #tpu.memory_space<hbm>> -> memref<32x1024xf32, #tpu.memory_space<hbm>>
        tpu.wait_dma2 semaphore(%arg10 : memref<!tpu.dma_semaphore, #tpu.memory_space<semaphore_mem>>) src(%dma_wait3A_105 : memref<32x1024xf32, #tpu.memory_space<hbm>>) dst(%arg6 : memref<32x1024xf32, #tpu.memory_space<vmem>>)
        %add3A_106 = arith.constant 1 : i32
        %add3A_107 = arith.addi %mul3A_71, %add3A_106 : i32
        %mul3A_108 = arith.constant 32 : i32
        %mul3A_109 = arith.muli %add3A_107, %mul3A_108 : i32
        %scan3A_110 = arith.constant 0 : i32
        %scan3A_111 = arith.constant 0 : i32
        %scan3A_112 = arith.constant 2 : i32
        %scan3A_113 = arith.addi %scan3A_111, %scan3A_112 : i32
        %scan3A_114 = arith.constant 1 : i32
        %scan3A_115 = scf.for %scan3A_118 = %scan3A_111 to %scan3A_113 step %scan3A_114 iter_args(%scan3A_119 = %scan3A_110) -> (i32)  : i32 {
          %mul3A_120 = arith.constant 16 : i32
          %mul3A_121 = arith.muli %scan3A_118, %mul3A_120 : i32
          %add3A_122 = arith.addi %mul3A_109, %mul3A_121 : i32
          %get3A = arith.index_cast %add3A_122 : i32 to index
          %get3A_123 = tpu.vector_load %arg7[%get3A] {strides = array<i32>} : memref<224xf32, #tpu.memory_space<vmem>>, vector<16xf32>,
          %get3A_124 = vector.shape_cast %get3A_123 : vector<16xf32> to vector<16xf32>
          %slice3A = vector.extract_strided_slice %get3A_124 {offsets = [0], sizes = [1], strides = [1]} : vector<16xf32> to vector<1xf32>
          %squeeze3A = vector.extract %slice3A[0] : f32 from vector<1xf32>
          %slice3A_125 = vector.extract_strided_slice %get3A_124 {offsets = [1], sizes = [1], strides = [1]} : vector<16xf32> to vector<1xf32>
          %squeeze3A_126 = vector.extract %slice3A_125[0] : f32 from vector<1xf32>
          %slice3A_127 = vector.extract_strided_slice %get3A_124 {offsets = [2], sizes = [1], strides = [1]} : vector<16xf32> to vector<1xf32>
          %squeeze3A_128 = vector.extract %slice3A_127[0] : f32 from vector<1xf32>
          %slice3A_129 = vector.extract_strided_slice %get3A_124 {offsets = [3], sizes = [1], strides = [1]} : vector<16xf32> to vector<1xf32>
          %squeeze3A_130 = vector.extract %slice3A_129[0] : f32 from vector<1xf32>
          %slice3A_131 = vector.extract_strided_slice %get3A_124 {offsets = [4], sizes = [1], strides = [1]} : vector<16xf32> to vector<1xf32>
          %squeeze3A_132 = vector.extract %slice3A_131[0] : f32 from vector<1xf32>
          %slice3A_133 = vector.extract_strided_slice %get3A_124 {offsets = [5], sizes = [1], strides = [1]} : vector<16xf32> to vector<1xf32>
          %squeeze3A_134 = vector.extract %slice3A_133[0] : f32 from vector<1xf32>
          %slice3A_135 = vector.extract_strided_slice %get3A_124 {offsets = [6], sizes = [1], strides = [1]} : vector<16xf32> to vector<1xf32>
          %squeeze3A_136 = vector.extract %slice3A_135[0] : f32 from vector<1xf32>
          %slice3A_137 = vector.extract_strided_slice %get3A_124 {offsets = [7], sizes = [1], strides = [1]} : vector<16xf32> to vector<1xf32>
          %squeeze3A_138 = vector.extract %slice3A_137[0] : f32 from vector<1xf32>
          %slice3A_139 = vector.extract_strided_slice %get3A_124 {offsets = [8], sizes = [1], strides = [1]} : vector<16xf32> to vector<1xf32>
          %squeeze3A_140 = vector.extract %slice3A_139[0] : f32 from vector<1xf32>
          %slice3A_141 = vector.extract_strided_slice %get3A_124 {offsets = [9], sizes = [1], strides = [1]} : vector<16xf32> to vector<1xf32>
          %squeeze3A_142 = vector.extract %slice3A_141[0] : f32 from vector<1xf32>
          %slice3A_143 = vector.extract_strided_slice %get3A_124 {offsets = [10], sizes = [1], strides = [1]} : vector<16xf32> to vector<1xf32>
          %squeeze3A_144 = vector.extract %slice3A_143[0] : f32 from vector<1xf32>
          %slice3A_145 = vector.extract_strided_slice %get3A_124 {offsets = [11], sizes = [1], strides = [1]} : vector<16xf32> to vector<1xf32>
          %squeeze3A_146 = vector.extract %slice3A_145[0] : f32 from vector<1xf32>
          %slice3A_147 = vector.extract_strided_slice %get3A_124 {offsets = [12], sizes = [1], strides = [1]} : vector<16xf32> to vector<1xf32>
          %squeeze3A_148 = vector.extract %slice3A_147[0] : f32 from vector<1xf32>
          %slice3A_149 = vector.extract_strided_slice %get3A_124 {offsets = [13], sizes = [1], strides = [1]} : vector<16xf32> to vector<1xf32>
          %squeeze3A_150 = vector.extract %slice3A_149[0] : f32 from vector<1xf32>
          %slice3A_151 = vector.extract_strided_slice %get3A_124 {offsets = [14], sizes = [1], strides = [1]} : vector<16xf32> to vector<1xf32>
          %squeeze3A_152 = vector.extract %slice3A_151[0] : f32 from vector<1xf32>
          %slice3A_153 = vector.extract_strided_slice %get3A_124 {offsets = [15], sizes = [1], strides = [1]} : vector<16xf32> to vector<1xf32>
          %squeeze3A_154 = vector.extract %slice3A_153[0] : f32 from vector<1xf32>
          %scan3A_155 = arith.constant 0 : i32
          %scan3A_156 = arith.constant 0 : i32
          %scan3A_157 = arith.constant 16 : i32
          %scan3A_158 = arith.addi %scan3A_156, %scan3A_157 : i32
          %scan3A_159 = arith.constant 1 : i32
          %scan3A_160 = scf.for %scan3A_163 = %scan3A_156 to %scan3A_158 step %scan3A_159 iter_args(%scan3A_164 = %scan3A_155) -> (i32)  : i32 {
            %mul3A_165 = arith.constant 64 : i32
            %mul3A_166 = arith.muli %scan3A_163, %mul3A_165 : i32
            %add3A_167 = arith.constant 0 : i32
            %add3A_168 = arith.addi %mul3A_166, %add3A_167 : i32
            %get3A_169 = arith.index_cast %add3A_168 : i32 to index
            %get3A_170 = tpu.vector_load %arg8[%get3A_169] {strides = array<i32>} : memref<1024xf32, #tpu.memory_space<vmem>>, vector<16xf32>,
            %get3A_171 = vector.shape_cast %get3A_170 : vector<16xf32> to vector<16xf32>
            %add3A_172 = arith.constant 0 : i32
            %add3A_173 = arith.addi %mul3A_121, %add3A_172 : i32
            %get3A_174 = arith.index_cast %add3A_173 : i32 to index
            %get3A_175 = arith.index_cast %add3A_168 : i32 to index
            %get3A_176 = tpu.vector_load %arg6[%get3A_174, %get3A_175] {strides = array<i32>} : memref<32x1024xf32, #tpu.memory_space<vmem>>, vector<1x16xf32>,
            %get3A_177 = vector.shape_cast %get3A_176 : vector<1x16xf32> to vector<16xf32>
            %mul3A_178 = vector.broadcast %squeeze3A : f32 to vector<16xf32>
            %mul3A_179 = arith.mulf %get3A_177, %mul3A_178 : vector<16xf32>
            %add3A_180 = arith.addf %get3A_171, %mul3A_179 : vector<16xf32>
            %add3A_181 = arith.constant 1 : i32
            %add3A_182 = arith.addi %mul3A_121, %add3A_181 : i32
            %get3A_183 = arith.index_cast %add3A_182 : i32 to index
            %get3A_184 = arith.index_cast %add3A_168 : i32 to index
            %get3A_185 = tpu.vector_load %arg6[%get3A_183, %get3A_184] {strides = array<i32>} : memref<32x1024xf32, #tpu.memory_space<vmem>>, vector<1x16xf32>,
            %get3A_186 = vector.shape_cast %get3A_185 : vector<1x16xf32> to vector<16xf32>
            %mul3A_187 = vector.broadcast %squeeze3A_126 : f32 to vector<16xf32>
            %mul3A_188 = arith.mulf %get3A_186, %mul3A_187 : vector<16xf32>
            %add3A_189 = arith.addf %add3A_180, %mul3A_188 : vector<16xf32>
            %add3A_190 = arith.constant 2 : i32
            %add3A_191 = arith.addi %mul3A_121, %add3A_190 : i32
            %get3A_192 = arith.index_cast %add3A_191 : i32 to index
            %get3A_193 = arith.index_cast %add3A_168 : i32 to index
            %get3A_194 = tpu.vector_load %arg6[%get3A_192, %get3A_193] {strides = array<i32>} : memref<32x1024xf32, #tpu.memory_space<vmem>>, vector<1x16xf32>,
            %get3A_195 = vector.shape_cast %get3A_194 : vector<1x16xf32> to vector<16xf32>
            %mul3A_196 = vector.broadcast %squeeze3A_128 : f32 to vector<16xf32>
            %mul3A_197 = arith.mulf %get3A_195, %mul3A_196 : vector<16xf32>
            %add3A_198 = arith.addf %add3A_189, %mul3A_197 : vector<16xf32>
            %add3A_199 = arith.constant 3 : i32
            %add3A_200 = arith.addi %mul3A_121, %add3A_199 : i32
            %get3A_201 = arith.index_cast %add3A_200 : i32 to index
            %get3A_202 = arith.index_cast %add3A_168 : i32 to index
            %get3A_203 = tpu.vector_load %arg6[%get3A_201, %get3A_202] {strides = array<i32>} : memref<32x1024xf32, #tpu.memory_space<vmem>>, vector<1x16xf32>,
            %get3A_204 = vector.shape_cast %get3A_203 : vector<1x16xf32> to vector<16xf32>
            %mul3A_205 = vector.broadcast %squeeze3A_130 : f32 to vector<16xf32>
            %mul3A_206 = arith.mulf %get3A_204, %mul3A_205 : vector<16xf32>
            %add3A_207 = arith.addf %add3A_198, %mul3A_206 : vector<16xf32>
            %add3A_208 = arith.constant 4 : i32
            %add3A_209 = arith.addi %mul3A_121, %add3A_208 : i32
            %get3A_210 = arith.index_cast %add3A_209 : i32 to index
            %get3A_211 = arith.index_cast %add3A_168 : i32 to index
            %get3A_212 = tpu.vector_load %arg6[%get3A_210, %get3A_211] {strides = array<i32>} : memref<32x1024xf32, #tpu.memory_space<vmem>>, vector<1x16xf32>,
            %get3A_213 = vector.shape_cast %get3A_212 : vector<1x16xf32> to vector<16xf32>
            %mul3A_214 = vector.broadcast %squeeze3A_132 : f32 to vector<16xf32>
            %mul3A_215 = arith.mulf %get3A_213, %mul3A_214 : vector<16xf32>
            %add3A_216 = arith.addf %add3A_207, %mul3A_215 : vector<16xf32>
            %add3A_217 = arith.constant 5 : i32
            %add3A_218 = arith.addi %mul3A_121, %add3A_217 : i32
            %get3A_219 = arith.index_cast %add3A_218 : i32 to index
            %get3A_220 = arith.index_cast %add3A_168 : i32 to index
            %get3A_221 = tpu.vector_load %arg6[%get3A_219, %get3A_220] {strides = array<i32>} : memref<32x1024xf32, #tpu.memory_space<vmem>>, vector<1x16xf32>,
            %get3A_222 = vector.shape_cast %get3A_221 : vector<1x16xf32> to vector<16xf32>
            %mul3A_223 = vector.broadcast %squeeze3A_134 : f32 to vector<16xf32>
            %mul3A_224 = arith.mulf %get3A_222, %mul3A_223 : vector<16xf32>
            %add3A_225 = arith.addf %add3A_216, %mul3A_224 : vector<16xf32>
            %add3A_226 = arith.constant 6 : i32
            %add3A_227 = arith.addi %mul3A_121, %add3A_226 : i32
            %get3A_228 = arith.index_cast %add3A_227 : i32 to index
            %get3A_229 = arith.index_cast %add3A_168 : i32 to index
            %get3A_230 = tpu.vector_load %arg6[%get3A_228, %get3A_229] {strides = array<i32>} : memref<32x1024xf32, #tpu.memory_space<vmem>>, vector<1x16xf32>,
            %get3A_231 = vector.shape_cast %get3A_230 : vector<1x16xf32> to vector<16xf32>
            %mul3A_232 = vector.broadcast %squeeze3A_136 : f32 to vector<16xf32>
            %mul3A_233 = arith.mulf %get3A_231, %mul3A_232 : vector<16xf32>
            %add3A_234 = arith.addf %add3A_225, %mul3A_233 : vector<16xf32>
            %add3A_235 = arith.constant 7 : i32
            %add3A_236 = arith.addi %mul3A_121, %add3A_235 : i32
            %get3A_237 = arith.index_cast %add3A_236 : i32 to index
            %get3A_238 = arith.index_cast %add3A_168 : i32 to index
            %get3A_239 = tpu.vector_load %arg6[%get3A_237, %get3A_238] {strides = array<i32>} : memref<32x1024xf32, #tpu.memory_space<vmem>>, vector<1x16xf32>,
            %get3A_240 = vector.shape_cast %get3A_239 : vector<1x16xf32> to vector<16xf32>
            %mul3A_241 = vector.broadcast %squeeze3A_138 : f32 to vector<16xf32>
            %mul3A_242 = arith.mulf %get3A_240, %mul3A_241 : vector<16xf32>
            %add3A_243 = arith.addf %add3A_234, %mul3A_242 : vector<16xf32>
            %add3A_244 = arith.constant 8 : i32
            %add3A_245 = arith.addi %mul3A_121, %add3A_244 : i32
            %get3A_246 = arith.index_cast %add3A_245 : i32 to index
            %get3A_247 = arith.index_cast %add3A_168 : i32 to index
            %get3A_248 = tpu.vector_load %arg6[%get3A_246, %get3A_247] {strides = array<i32>} : memref<32x1024xf32, #tpu.memory_space<vmem>>, vector<1x16xf32>,
            %get3A_249 = vector.shape_cast %get3A_248 : vector<1x16xf32> to vector<16xf32>
            %mul3A_250 = vector.broadcast %squeeze3A_140 : f32 to vector<16xf32>
            %mul3A_251 = arith.mulf %get3A_249, %mul3A_250 : vector<16xf32>
            %add3A_252 = arith.addf %add3A_243, %mul3A_251 : vector<16xf32>
            %add3A_253 = arith.constant 9 : i32
            %add3A_254 = arith.addi %mul3A_121, %add3A_253 : i32
            %get3A_255 = arith.index_cast %add3A_254 : i32 to index
            %get3A_256 = arith.index_cast %add3A_168 : i32 to index
            %get3A_257 = tpu.vector_load %arg6[%get3A_255, %get3A_256] {strides = array<i32>} : memref<32x1024xf32, #tpu.memory_space<vmem>>, vector<1x16xf32>,
            %get3A_258 = vector.shape_cast %get3A_257 : vector<1x16xf32> to vector<16xf32>
            %mul3A_259 = vector.broadcast %squeeze3A_142 : f32 to vector<16xf32>
            %mul3A_260 = arith.mulf %get3A_258, %mul3A_259 : vector<16xf32>
            %add3A_261 = arith.addf %add3A_252, %mul3A_260 : vector<16xf32>
            %add3A_262 = arith.constant 10 : i32
            %add3A_263 = arith.addi %mul3A_121, %add3A_262 : i32
            %get3A_264 = arith.index_cast %add3A_263 : i32 to index
            %get3A_265 = arith.index_cast %add3A_168 : i32 to index
            %get3A_266 = tpu.vector_load %arg6[%get3A_264, %get3A_265] {strides = array<i32>} : memref<32x1024xf32, #tpu.memory_space<vmem>>, vector<1x16xf32>,
            %get3A_267 = vector.shape_cast %get3A_266 : vector<1x16xf32> to vector<16xf32>
            %mul3A_268 = vector.broadcast %squeeze3A_144 : f32 to vector<16xf32>
            %mul3A_269 = arith.mulf %get3A_267, %mul3A_268 : vector<16xf32>
            %add3A_270 = arith.addf %add3A_261, %mul3A_269 : vector<16xf32>
            %add3A_271 = arith.constant 11 : i32
            %add3A_272 = arith.addi %mul3A_121, %add3A_271 : i32
            %get3A_273 = arith.index_cast %add3A_272 : i32 to index
            %get3A_274 = arith.index_cast %add3A_168 : i32 to index
            %get3A_275 = tpu.vector_load %arg6[%get3A_273, %get3A_274] {strides = array<i32>} : memref<32x1024xf32, #tpu.memory_space<vmem>>, vector<1x16xf32>,
            %get3A_276 = vector.shape_cast %get3A_275 : vector<1x16xf32> to vector<16xf32>
            %mul3A_277 = vector.broadcast %squeeze3A_146 : f32 to vector<16xf32>
            %mul3A_278 = arith.mulf %get3A_276, %mul3A_277 : vector<16xf32>
            %add3A_279 = arith.addf %add3A_270, %mul3A_278 : vector<16xf32>
            %add3A_280 = arith.constant 12 : i32
            %add3A_281 = arith.addi %mul3A_121, %add3A_280 : i32
            %get3A_282 = arith.index_cast %add3A_281 : i32 to index
            %get3A_283 = arith.index_cast %add3A_168 : i32 to index
            %get3A_284 = tpu.vector_load %arg6[%get3A_282, %get3A_283] {strides = array<i32>} : memref<32x1024xf32, #tpu.memory_space<vmem>>, vector<1x16xf32>,
            %get3A_285 = vector.shape_cast %get3A_284 : vector<1x16xf32> to vector<16xf32>
            %mul3A_286 = vector.broadcast %squeeze3A_148 : f32 to vector<16xf32>
            %mul3A_287 = arith.mulf %get3A_285, %mul3A_286 : vector<16xf32>
            %add3A_288 = arith.addf %add3A_279, %mul3A_287 : vector<16xf32>
            %add3A_289 = arith.constant 13 : i32
            %add3A_290 = arith.addi %mul3A_121, %add3A_289 : i32
            %get3A_291 = arith.index_cast %add3A_290 : i32 to index
            %get3A_292 = arith.index_cast %add3A_168 : i32 to index
            %get3A_293 = tpu.vector_load %arg6[%get3A_291, %get3A_292] {strides = array<i32>} : memref<32x1024xf32, #tpu.memory_space<vmem>>, vector<1x16xf32>,
            %get3A_294 = vector.shape_cast %get3A_293 : vector<1x16xf32> to vector<16xf32>
            %mul3A_295 = vector.broadcast %squeeze3A_150 : f32 to vector<16xf32>
            %mul3A_296 = arith.mulf %get3A_294, %mul3A_295 : vector<16xf32>
            %add3A_297 = arith.addf %add3A_288, %mul3A_296 : vector<16xf32>
            %add3A_298 = arith.constant 14 : i32
            %add3A_299 = arith.addi %mul3A_121, %add3A_298 : i32
            %get3A_300 = arith.index_cast %add3A_299 : i32 to index
            %get3A_301 = arith.index_cast %add3A_168 : i32 to index
            %get3A_302 = tpu.vector_load %arg6[%get3A_300, %get3A_301] {strides = array<i32>} : memref<32x1024xf32, #tpu.memory_space<vmem>>, vector<1x16xf32>,
            %get3A_303 = vector.shape_cast %get3A_302 : vector<1x16xf32> to vector<16xf32>
            %mul3A_304 = vector.broadcast %squeeze3A_152 : f32 to vector<16xf32>
            %mul3A_305 = arith.mulf %get3A_303, %mul3A_304 : vector<16xf32>
            %add3A_306 = arith.addf %add3A_297, %mul3A_305 : vector<16xf32>
            %add3A_307 = arith.constant 15 : i32
            %add3A_308 = arith.addi %mul3A_121, %add3A_307 : i32
            %get3A_309 = arith.index_cast %add3A_308 : i32 to index
            %get3A_310 = arith.index_cast %add3A_168 : i32 to index
            %get3A_311 = tpu.vector_load %arg6[%get3A_309, %get3A_310] {strides = array<i32>} : memref<32x1024xf32, #tpu.memory_space<vmem>>, vector<1x16xf32>,
            %get3A_312 = vector.shape_cast %get3A_311 : vector<1x16xf32> to vector<16xf32>
            %mul3A_313 = vector.broadcast %squeeze3A_154 : f32 to vector<16xf32>
            %mul3A_314 = arith.mulf %get3A_312, %mul3A_313 : vector<16xf32>
            %add3A_315 = arith.addf %add3A_306, %mul3A_314 : vector<16xf32>
            %swap3A = arith.index_cast %add3A_168 : i32 to index
            %swap3A_316 = tpu.vector_load %arg8[%swap3A] {strides = array<i32>} : memref<1024xf32, #tpu.memory_space<vmem>>, vector<16xf32>,
            %swap3A_317 = vector.shape_cast %swap3A_316 : vector<16xf32> to vector<16xf32>
            %swap3A_318 = vector.shape_cast %add3A_315 : vector<16xf32> to vector<16xf32>
            tpu.vector_store %arg8[%swap3A], %swap3A_318 {strides = array<i32>} : memref<1024xf32, #tpu.memory_space<vmem>>, vector<16xf32>,
            %mul3A_319 = arith.constant 64 : i32
            %mul3A_320 = arith.muli %scan3A_163, %mul3A_319 : i32
            %add3A_321 = arith.constant 16 : i32
            %add3A_322 = arith.addi %mul3A_320, %add3A_321 : i32
            %get3A_323 = arith.index_cast %add3A_322 : i32 to index
            %get3A_324 = tpu.vector_load %arg8[%get3A_323] {strides = array<i32>} : memref<1024xf32, #tpu.memory_space<vmem>>, vector<16xf32>,
            %get3A_325 = vector.shape_cast %get3A_324 : vector<16xf32> to vector<16xf32>
            %add3A_326 = arith.constant 0 : i32
            %add3A_327 = arith.addi %mul3A_121, %add3A_326 : i32
            %get3A_328 = arith.index_cast %add3A_327 : i32 to index
            %get3A_329 = arith.index_cast %add3A_322 : i32 to index
            %get3A_330 = tpu.vector_load %arg6[%get3A_328, %get3A_329] {strides = array<i32>} : memref<32x1024xf32, #tpu.memory_space<vmem>>, vector<1x16xf32>,
            %get3A_331 = vector.shape_cast %get3A_330 : vector<1x16xf32> to vector<16xf32>
            %mul3A_332 = vector.broadcast %squeeze3A : f32 to vector<16xf32>
            %mul3A_333 = arith.mulf %get3A_331, %mul3A_332 : vector<16xf32>
            %add3A_334 = arith.addf %get3A_325, %mul3A_333 : vector<16xf32>
            %add3A_335 = arith.constant 1 : i32
            %add3A_336 = arith.addi %mul3A_121, %add3A_335 : i32
            %get3A_337 = arith.index_cast %add3A_336 : i32 to index
            %get3A_338 = arith.index_cast %add3A_322 : i32 to index
            %get3A_339 = tpu.vector_load %arg6[%get3A_337, %get3A_338] {strides = array<i32>} : memref<32x1024xf32, #tpu.memory_space<vmem>>, vector<1x16xf32>,
            %get3A_340 = vector.shape_cast %get3A_339 : vector<1x16xf32> to vector<16xf32>
            %mul3A_341 = vector.broadcast %squeeze3A_126 : f32 to vector<16xf32>
            %mul3A_342 = arith.mulf %get3A_340, %mul3A_341 : vector<16xf32>
            %add3A_343 = arith.addf %add3A_334, %mul3A_342 : vector<16xf32>
            %add3A_344 = arith.constant 2 : i32
            %add3A_345 = arith.addi %mul3A_121, %add3A_344 : i32
            %get3A_346 = arith.index_cast %add3A_345 : i32 to index
            %get3A_347 = arith.index_cast %add3A_322 : i32 to index
            %get3A_348 = tpu.vector_load %arg6[%get3A_346, %get3A_347] {strides = array<i32>} : memref<32x1024xf32, #tpu.memory_space<vmem>>, vector<1x16xf32>,
            %get3A_349 = vector.shape_cast %get3A_348 : vector<1x16xf32> to vector<16xf32>
            %mul3A_350 = vector.broadcast %squeeze3A_128 : f32 to vector<16xf32>
            %mul3A_351 = arith.mulf %get3A_349, %mul3A_350 : vector<16xf32>
            %add3A_352 = arith.addf %add3A_343, %mul3A_351 : vector<16xf32>
            %add3A_353 = arith.constant 3 : i32
            %add3A_354 = arith.addi %mul3A_121, %add3A_353 : i32
            %get3A_355 = arith.index_cast %add3A_354 : i32 to index
            %get3A_356 = arith.index_cast %add3A_322 : i32 to index
            %get3A_357 = tpu.vector_load %arg6[%get3A_355, %get3A_356] {strides = array<i32>} : memref<32x1024xf32, #tpu.memory_space<vmem>>, vector<1x16xf32>,
            %get3A_358 = vector.shape_cast %get3A_357 : vector<1x16xf32> to vector<16xf32>
            %mul3A_359 = vector.broadcast %squeeze3A_130 : f32 to vector<16xf32>
            %mul3A_360 = arith.mulf %get3A_358, %mul3A_359 : vector<16xf32>
            %add3A_361 = arith.addf %add3A_352, %mul3A_360 : vector<16xf32>
            %add3A_362 = arith.constant 4 : i32
            %add3A_363 = arith.addi %mul3A_121, %add3A_362 : i32
            %get3A_364 = arith.index_cast %add3A_363 : i32 to index
            %get3A_365 = arith.index_cast %add3A_322 : i32 to index
            %get3A_366 = tpu.vector_load %arg6[%get3A_364, %get3A_365] {strides = array<i32>} : memref<32x1024xf32, #tpu.memory_space<vmem>>, vector<1x16xf32>,
            %get3A_367 = vector.shape_cast %get3A_366 : vector<1x16xf32> to vector<16xf32>
            %mul3A_368 = vector.broadcast %squeeze3A_132 : f32 to vector<16xf32>
            %mul3A_369 = arith.mulf %get3A_367, %mul3A_368 : vector<16xf32>
            %add3A_370 = arith.addf %add3A_361, %mul3A_369 : vector<16xf32>
            %add3A_371 = arith.constant 5 : i32
            %add3A_372 = arith.addi %mul3A_121, %add3A_371 : i32
            %get3A_373 = arith.index_cast %add3A_372 : i32 to index
            %get3A_374 = arith.index_cast %add3A_322 : i32 to index
            %get3A_375 = tpu.vector_load %arg6[%get3A_373, %get3A_374] {strides = array<i32>} : memref<32x1024xf32, #tpu.memory_space<vmem>>, vector<1x16xf32>,
            %get3A_376 = vector.shape_cast %get3A_375 : vector<1x16xf32> to vector<16xf32>
            %mul3A_377 = vector.broadcast %squeeze3A_134 : f32 to vector<16xf32>
            %mul3A_378 = arith.mulf %get3A_376, %mul3A_377 : vector<16xf32>
            %add3A_379 = arith.addf %add3A_370, %mul3A_378 : vector<16xf32>
            %add3A_380 = arith.constant 6 : i32
            %add3A_381 = arith.addi %mul3A_121, %add3A_380 : i32
            %get3A_382 = arith.index_cast %add3A_381 : i32 to index
            %get3A_383 = arith.index_cast %add3A_322 : i32 to index
            %get3A_384 = tpu.vector_load %arg6[%get3A_382, %get3A_383] {strides = array<i32>} : memref<32x1024xf32, #tpu.memory_space<vmem>>, vector<1x16xf32>,
            %get3A_385 = vector.shape_cast %get3A_384 : vector<1x16xf32> to vector<16xf32>
            %mul3A_386 = vector.broadcast %squeeze3A_136 : f32 to vector<16xf32>
            %mul3A_387 = arith.mulf %get3A_385, %mul3A_386 : vector<16xf32>
            %add3A_388 = arith.addf %add3A_379, %mul3A_387 : vector<16xf32>
            %add3A_389 = arith.constant 7 : i32
            %add3A_390 = arith.addi %mul3A_121, %add3A_389 : i32
            %get3A_391 = arith.index_cast %add3A_390 : i32 to index
            %get3A_392 = arith.index_cast %add3A_322 : i32 to index
            %get3A_393 = tpu.vector_load %arg6[%get3A_391, %get3A_392] {strides = array<i32>} : memref<32x1024xf32, #tpu.memory_space<vmem>>, vector<1x16xf32>,
            %get3A_394 = vector.shape_cast %get3A_393 : vector<1x16xf32> to vector<16xf32>
            %mul3A_395 = vector.broadcast %squeeze3A_138 : f32 to vector<16xf32>
            %mul3A_396 = arith.mulf %get3A_394, %mul3A_395 : vector<16xf32>
            %add3A_397 = arith.addf %add3A_388, %mul3A_396 : vector<16xf32>
            %add3A_398 = arith.constant 8 : i32
            %add3A_399 = arith.addi %mul3A_121, %add3A_398 : i32
            %get3A_400 = arith.index_cast %add3A_399 : i32 to index
            %get3A_401 = arith.index_cast %add3A_322 : i32 to index
            %get3A_402 = tpu.vector_load %arg6[%get3A_400, %get3A_401] {strides = array<i32>} : memref<32x1024xf32, #tpu.memory_space<vmem>>, vector<1x16xf32>,
            %get3A_403 = vector.shape_cast %get3A_402 : vector<1x16xf32> to vector<16xf32>
            %mul3A_404 = vector.broadcast %squeeze3A_140 : f32 to vector<16xf32>
            %mul3A_405 = arith.mulf %get3A_403, %mul3A_404 : vector<16xf32>
            %add3A_406 = arith.addf %add3A_397, %mul3A_405 : vector<16xf32>
            %add3A_407 = arith.constant 9 : i32
            %add3A_408 = arith.addi %mul3A_121, %add3A_407 : i32
            %get3A_409 = arith.index_cast %add3A_408 : i32 to index
            %get3A_410 = arith.index_cast %add3A_322 : i32 to index
            %get3A_411 = tpu.vector_load %arg6[%get3A_409, %get3A_410] {strides = array<i32>} : memref<32x1024xf32, #tpu.memory_space<vmem>>, vector<1x16xf32>,
            %get3A_412 = vector.shape_cast %get3A_411 : vector<1x16xf32> to vector<16xf32>
            %mul3A_413 = vector.broadcast %squeeze3A_142 : f32 to vector<16xf32>
            %mul3A_414 = arith.mulf %get3A_412, %mul3A_413 : vector<16xf32>
            %add3A_415 = arith.addf %add3A_406, %mul3A_414 : vector<16xf32>
            %add3A_416 = arith.constant 10 : i32
            %add3A_417 = arith.addi %mul3A_121, %add3A_416 : i32
            %get3A_418 = arith.index_cast %add3A_417 : i32 to index
            %get3A_419 = arith.index_cast %add3A_322 : i32 to index
            %get3A_420 = tpu.vector_load %arg6[%get3A_418, %get3A_419] {strides = array<i32>} : memref<32x1024xf32, #tpu.memory_space<vmem>>, vector<1x16xf32>,
            %get3A_421 = vector.shape_cast %get3A_420 : vector<1x16xf32> to vector<16xf32>
            %mul3A_422 = vector.broadcast %squeeze3A_144 : f32 to vector<16xf32>
            %mul3A_423 = arith.mulf %get3A_421, %mul3A_422 : vector<16xf32>
            %add3A_424 = arith.addf %add3A_415, %mul3A_423 : vector<16xf32>
            %add3A_425 = arith.constant 11 : i32
            %add3A_426 = arith.addi %mul3A_121, %add3A_425 : i32
            %get3A_427 = arith.index_cast %add3A_426 : i32 to index
            %get3A_428 = arith.index_cast %add3A_322 : i32 to index
            %get3A_429 = tpu.vector_load %arg6[%get3A_427, %get3A_428] {strides = array<i32>} : memref<32x1024xf32, #tpu.memory_space<vmem>>, vector<1x16xf32>,
            %get3A_430 = vector.shape_cast %get3A_429 : vector<1x16xf32> to vector<16xf32>
            %mul3A_431 = vector.broadcast %squeeze3A_146 : f32 to vector<16xf32>
            %mul3A_432 = arith.mulf %get3A_430, %mul3A_431 : vector<16xf32>
            %add3A_433 = arith.addf %add3A_424, %mul3A_432 : vector<16xf32>
            %add3A_434 = arith.constant 12 : i32
            %add3A_435 = arith.addi %mul3A_121, %add3A_434 : i32
            %get3A_436 = arith.index_cast %add3A_435 : i32 to index
            %get3A_437 = arith.index_cast %add3A_322 : i32 to index
            %get3A_438 = tpu.vector_load %arg6[%get3A_436, %get3A_437] {strides = array<i32>} : memref<32x1024xf32, #tpu.memory_space<vmem>>, vector<1x16xf32>,
            %get3A_439 = vector.shape_cast %get3A_438 : vector<1x16xf32> to vector<16xf32>
            %mul3A_440 = vector.broadcast %squeeze3A_148 : f32 to vector<16xf32>
            %mul3A_441 = arith.mulf %get3A_439, %mul3A_440 : vector<16xf32>
            %add3A_442 = arith.addf %add3A_433, %mul3A_441 : vector<16xf32>
            %add3A_443 = arith.constant 13 : i32
            %add3A_444 = arith.addi %mul3A_121, %add3A_443 : i32
            %get3A_445 = arith.index_cast %add3A_444 : i32 to index
            %get3A_446 = arith.index_cast %add3A_322 : i32 to index
            %get3A_447 = tpu.vector_load %arg6[%get3A_445, %get3A_446] {strides = array<i32>} : memref<32x1024xf32, #tpu.memory_space<vmem>>, vector<1x16xf32>,
            %get3A_448 = vector.shape_cast %get3A_447 : vector<1x16xf32> to vector<16xf32>
            %mul3A_449 = vector.broadcast %squeeze3A_150 : f32 to vector<16xf32>
            %mul3A_450 = arith.mulf %get3A_448, %mul3A_449 : vector<16xf32>
            %add3A_451 = arith.addf %add3A_442, %mul3A_450 : vector<16xf32>
            %add3A_452 = arith.constant 14 : i32
            %add3A_453 = arith.addi %mul3A_121, %add3A_452 : i32
            %get3A_454 = arith.index_cast %add3A_453 : i32 to index
            %get3A_455 = arith.index_cast %add3A_322 : i32 to index
            %get3A_456 = tpu.vector_load %arg6[%get3A_454, %get3A_455] {strides = array<i32>} : memref<32x1024xf32, #tpu.memory_space<vmem>>, vector<1x16xf32>,
            %get3A_457 = vector.shape_cast %get3A_456 : vector<1x16xf32> to vector<16xf32>
            %mul3A_458 = vector.broadcast %squeeze3A_152 : f32 to vector<16xf32>
            %mul3A_459 = arith.mulf %get3A_457, %mul3A_458 : vector<16xf32>
            %add3A_460 = arith.addf %add3A_451, %mul3A_459 : vector<16xf32>
            %add3A_461 = arith.constant 15 : i32
            %add3A_462 = arith.addi %mul3A_121, %add3A_461 : i32
            %get3A_463 = arith.index_cast %add3A_462 : i32 to index
            %get3A_464 = arith.index_cast %add3A_322 : i32 to index
            %get3A_465 = tpu.vector_load %arg6[%get3A_463, %get3A_464] {strides = array<i32>} : memref<32x1024xf32, #tpu.memory_space<vmem>>, vector<1x16xf32>,
            %get3A_466 = vector.shape_cast %get3A_465 : vector<1x16xf32> to vector<16xf32>
            %mul3A_467 = vector.broadcast %squeeze3A_154 : f32 to vector<16xf32>
            %mul3A_468 = arith.mulf %get3A_466, %mul3A_467 : vector<16xf32>
            %add3A_469 = arith.addf %add3A_460, %mul3A_468 : vector<16xf32>
            %swap3A_470 = arith.index_cast %add3A_322 : i32 to index
            %swap3A_471 = tpu.vector_load %arg8[%swap3A_470] {strides = array<i32>} : memref<1024xf32, #tpu.memory_space<vmem>>, vector<16xf32>,
            %swap3A_472 = vector.shape_cast %swap3A_471 : vector<16xf32> to vector<16xf32>
            %swap3A_473 = vector.shape_cast %add3A_469 : vector<16xf32> to vector<16xf32>
            tpu.vector_store %arg8[%swap3A_470], %swap3A_473 {strides = array<i32>} : memref<1024xf32, #tpu.memory_space<vmem>>, vector<16xf32>,
            %mul3A_474 = arith.constant 64 : i32
            %mul3A_475 = arith.muli %scan3A_163, %mul3A_474 : i32
            %add3A_476 = arith.constant 32 : i32
            %add3A_477 = arith.addi %mul3A_475, %add3A_476 : i32
            %get3A_478 = arith.index_cast %add3A_477 : i32 to index
            %get3A_479 = tpu.vector_load %arg8[%get3A_478] {strides = array<i32>} : memref<1024xf32, #tpu.memory_space<vmem>>, vector<16xf32>,
            %get3A_480 = vector.shape_cast %get3A_479 : vector<16xf32> to vector<16xf32>
            %add3A_481 = arith.constant 0 : i32
            %add3A_482 = arith.addi %mul3A_121, %add3A_481 : i32
            %get3A_483 = arith.index_cast %add3A_482 : i32 to index
            %get3A_484 = arith.index_cast %add3A_477 : i32 to index
            %get3A_485 = tpu.vector_load %arg6[%get3A_483, %get3A_484] {strides = array<i32>} : memref<32x1024xf32, #tpu.memory_space<vmem>>, vector<1x16xf32>,
            %get3A_486 = vector.shape_cast %get3A_485 : vector<1x16xf32> to vector<16xf32>
            %mul3A_487 = vector.broadcast %squeeze3A : f32 to vector<16xf32>
            %mul3A_488 = arith.mulf %get3A_486, %mul3A_487 : vector<16xf32>
            %add3A_489 = arith.addf %get3A_480, %mul3A_488 : vector<16xf32>
            %add3A_490 = arith.constant 1 : i32
            %add3A_491 = arith.addi %mul3A_121, %add3A_490 : i32
            %get3A_492 = arith.index_cast %add3A_491 : i32 to index
            %get3A_493 = arith.index_cast %add3A_477 : i32 to index
            %get3A_494 = tpu.vector_load %arg6[%get3A_492, %get3A_493] {strides = array<i32>} : memref<32x1024xf32, #tpu.memory_space<vmem>>, vector<1x16xf32>,
            %get3A_495 = vector.shape_cast %get3A_494 : vector<1x16xf32> to vector<16xf32>
            %mul3A_496 = vector.broadcast %squeeze3A_126 : f32 to vector<16xf32>
            %mul3A_497 = arith.mulf %get3A_495, %mul3A_496 : vector<16xf32>
            %add3A_498 = arith.addf %add3A_489, %mul3A_497 : vector<16xf32>
            %add3A_499 = arith.constant 2 : i32
            %add3A_500 = arith.addi %mul3A_121, %add3A_499 : i32
            %get3A_501 = arith.index_cast %add3A_500 : i32 to index
            %get3A_502 = arith.index_cast %add3A_477 : i32 to index
            %get3A_503 = tpu.vector_load %arg6[%get3A_501, %get3A_502] {strides = array<i32>} : memref<32x1024xf32, #tpu.memory_space<vmem>>, vector<1x16xf32>,
            %get3A_504 = vector.shape_cast %get3A_503 : vector<1x16xf32> to vector<16xf32>
            %mul3A_505 = vector.broadcast %squeeze3A_128 : f32 to vector<16xf32>
            %mul3A_506 = arith.mulf %get3A_504, %mul3A_505 : vector<16xf32>
            %add3A_507 = arith.addf %add3A_498, %mul3A_506 : vector<16xf32>
            %add3A_508 = arith.constant 3 : i32
            %add3A_509 = arith.addi %mul3A_121, %add3A_508 : i32
            %get3A_510 = arith.index_cast %add3A_509 : i32 to index
            %get3A_511 = arith.index_cast %add3A_477 : i32 to index
            %get3A_512 = tpu.vector_load %arg6[%get3A_510, %get3A_511] {strides = array<i32>} : memref<32x1024xf32, #tpu.memory_space<vmem>>, vector<1x16xf32>,
            %get3A_513 = vector.shape_cast %get3A_512 : vector<1x16xf32> to vector<16xf32>
            %mul3A_514 = vector.broadcast %squeeze3A_130 : f32 to vector<16xf32>
            %mul3A_515 = arith.mulf %get3A_513, %mul3A_514 : vector<16xf32>
            %add3A_516 = arith.addf %add3A_507, %mul3A_515 : vector<16xf32>
            %add3A_517 = arith.constant 4 : i32
            %add3A_518 = arith.addi %mul3A_121, %add3A_517 : i32
            %get3A_519 = arith.index_cast %add3A_518 : i32 to index
            %get3A_520 = arith.index_cast %add3A_477 : i32 to index
            %get3A_521 = tpu.vector_load %arg6[%get3A_519, %get3A_520] {strides = array<i32>} : memref<32x1024xf32, #tpu.memory_space<vmem>>, vector<1x16xf32>,
            %get3A_522 = vector.shape_cast %get3A_521 : vector<1x16xf32> to vector<16xf32>
            %mul3A_523 = vector.broadcast %squeeze3A_132 : f32 to vector<16xf32>
            %mul3A_524 = arith.mulf %get3A_522, %mul3A_523 : vector<16xf32>
            %add3A_525 = arith.addf %add3A_516, %mul3A_524 : vector<16xf32>
            %add3A_526 = arith.constant 5 : i32
            %add3A_527 = arith.addi %mul3A_121, %add3A_526 : i32
            %get3A_528 = arith.index_cast %add3A_527 : i32 to index
            %get3A_529 = arith.index_cast %add3A_477 : i32 to index
            %get3A_530 = tpu.vector_load %arg6[%get3A_528, %get3A_529] {strides = array<i32>} : memref<32x1024xf32, #tpu.memory_space<vmem>>, vector<1x16xf32>,
            %get3A_531 = vector.shape_cast %get3A_530 : vector<1x16xf32> to vector<16xf32>
            %mul3A_532 = vector.broadcast %squeeze3A_134 : f32 to vector<16xf32>
            %mul3A_533 = arith.mulf %get3A_531, %mul3A_532 : vector<16xf32>
            %add3A_534 = arith.addf %add3A_525, %mul3A_533 : vector<16xf32>
            %add3A_535 = arith.constant 6 : i32
            %add3A_536 = arith.addi %mul3A_121, %add3A_535 : i32
            %get3A_537 = arith.index_cast %add3A_536 : i32 to index
            %get3A_538 = arith.index_cast %add3A_477 : i32 to index
            %get3A_539 = tpu.vector_load %arg6[%get3A_537, %get3A_538] {strides = array<i32>} : memref<32x1024xf32, #tpu.memory_space<vmem>>, vector<1x16xf32>,
            %get3A_540 = vector.shape_cast %get3A_539 : vector<1x16xf32> to vector<16xf32>
            %mul3A_541 = vector.broadcast %squeeze3A_136 : f32 to vector<16xf32>
            %mul3A_542 = arith.mulf %get3A_540, %mul3A_541 : vector<16xf32>
            %add3A_543 = arith.addf %add3A_534, %mul3A_542 : vector<16xf32>
            %add3A_544 = arith.constant 7 : i32
            %add3A_545 = arith.addi %mul3A_121, %add3A_544 : i32
            %get3A_546 = arith.index_cast %add3A_545 : i32 to index
            %get3A_547 = arith.index_cast %add3A_477 : i32 to index
            %get3A_548 = tpu.vector_load %arg6[%get3A_546, %get3A_547] {strides = array<i32>} : memref<32x1024xf32, #tpu.memory_space<vmem>>, vector<1x16xf32>,
            %get3A_549 = vector.shape_cast %get3A_548 : vector<1x16xf32> to vector<16xf32>
            %mul3A_550 = vector.broadcast %squeeze3A_138 : f32 to vector<16xf32>
            %mul3A_551 = arith.mulf %get3A_549, %mul3A_550 : vector<16xf32>
            %add3A_552 = arith.addf %add3A_543, %mul3A_551 : vector<16xf32>
            %add3A_553 = arith.constant 8 : i32
            %add3A_554 = arith.addi %mul3A_121, %add3A_553 : i32
            %get3A_555 = arith.index_cast %add3A_554 : i32 to index
            %get3A_556 = arith.index_cast %add3A_477 : i32 to index
            %get3A_557 = tpu.vector_load %arg6[%get3A_555, %get3A_556] {strides = array<i32>} : memref<32x1024xf32, #tpu.memory_space<vmem>>, vector<1x16xf32>,
            %get3A_558 = vector.shape_cast %get3A_557 : vector<1x16xf32> to vector<16xf32>
            %mul3A_559 = vector.broadcast %squeeze3A_140 : f32 to vector<16xf32>
            %mul3A_560 = arith.mulf %get3A_558, %mul3A_559 : vector<16xf32>
            %add3A_561 = arith.addf %add3A_552, %mul3A_560 : vector<16xf32>
            %add3A_562 = arith.constant 9 : i32
            %add3A_563 = arith.addi %mul3A_121, %add3A_562 : i32
            %get3A_564 = arith.index_cast %add3A_563 : i32 to index
            %get3A_565 = arith.index_cast %add3A_477 : i32 to index
            %get3A_566 = tpu.vector_load %arg6[%get3A_564, %get3A_565] {strides = array<i32>} : memref<32x1024xf32, #tpu.memory_space<vmem>>, vector<1x16xf32>,
            %get3A_567 = vector.shape_cast %get3A_566 : vector<1x16xf32> to vector<16xf32>
            %mul3A_568 = vector.broadcast %squeeze3A_142 : f32 to vector<16xf32>
            %mul3A_569 = arith.mulf %get3A_567, %mul3A_568 : vector<16xf32>
            %add3A_570 = arith.addf %add3A_561, %mul3A_569 : vector<16xf32>
            %add3A_571 = arith.constant 10 : i32
            %add3A_572 = arith.addi %mul3A_121, %add3A_571 : i32
            %get3A_573 = arith.index_cast %add3A_572 : i32 to index
            %get3A_574 = arith.index_cast %add3A_477 : i32 to index
            %get3A_575 = tpu.vector_load %arg6[%get3A_573, %get3A_574] {strides = array<i32>} : memref<32x1024xf32, #tpu.memory_space<vmem>>, vector<1x16xf32>,
            %get3A_576 = vector.shape_cast %get3A_575 : vector<1x16xf32> to vector<16xf32>
            %mul3A_577 = vector.broadcast %squeeze3A_144 : f32 to vector<16xf32>
            %mul3A_578 = arith.mulf %get3A_576, %mul3A_577 : vector<16xf32>
            %add3A_579 = arith.addf %add3A_570, %mul3A_578 : vector<16xf32>
            %add3A_580 = arith.constant 11 : i32
            %add3A_581 = arith.addi %mul3A_121, %add3A_580 : i32
            %get3A_582 = arith.index_cast %add3A_581 : i32 to index
            %get3A_583 = arith.index_cast %add3A_477 : i32 to index
            %get3A_584 = tpu.vector_load %arg6[%get3A_582, %get3A_583] {strides = array<i32>} : memref<32x1024xf32, #tpu.memory_space<vmem>>, vector<1x16xf32>,
            %get3A_585 = vector.shape_cast %get3A_584 : vector<1x16xf32> to vector<16xf32>
            %mul3A_586 = vector.broadcast %squeeze3A_146 : f32 to vector<16xf32>
            %mul3A_587 = arith.mulf %get3A_585, %mul3A_586 : vector<16xf32>
            %add3A_588 = arith.addf %add3A_579, %mul3A_587 : vector<16xf32>
            %add3A_589 = arith.constant 12 : i32
            %add3A_590 = arith.addi %mul3A_121, %add3A_589 : i32
            %get3A_591 = arith.index_cast %add3A_590 : i32 to index
            %get3A_592 = arith.index_cast %add3A_477 : i32 to index
            %get3A_593 = tpu.vector_load %arg6[%get3A_591, %get3A_592] {strides = array<i32>} : memref<32x1024xf32, #tpu.memory_space<vmem>>, vector<1x16xf32>,
            %get3A_594 = vector.shape_cast %get3A_593 : vector<1x16xf32> to vector<16xf32>
            %mul3A_595 = vector.broadcast %squeeze3A_148 : f32 to vector<16xf32>
            %mul3A_596 = arith.mulf %get3A_594, %mul3A_595 : vector<16xf32>
            %add3A_597 = arith.addf %add3A_588, %mul3A_596 : vector<16xf32>
            %add3A_598 = arith.constant 13 : i32
            %add3A_599 = arith.addi %mul3A_121, %add3A_598 : i32
            %get3A_600 = arith.index_cast %add3A_599 : i32 to index
            %get3A_601 = arith.index_cast %add3A_477 : i32 to index
            %get3A_602 = tpu.vector_load %arg6[%get3A_600, %get3A_601] {strides = array<i32>} : memref<32x1024xf32, #tpu.memory_space<vmem>>, vector<1x16xf32>,
            %get3A_603 = vector.shape_cast %get3A_602 : vector<1x16xf32> to vector<16xf32>
            %mul3A_604 = vector.broadcast %squeeze3A_150 : f32 to vector<16xf32>
            %mul3A_605 = arith.mulf %get3A_603, %mul3A_604 : vector<16xf32>
            %add3A_606 = arith.addf %add3A_597, %mul3A_605 : vector<16xf32>
            %add3A_607 = arith.constant 14 : i32
            %add3A_608 = arith.addi %mul3A_121, %add3A_607 : i32
            %get3A_609 = arith.index_cast %add3A_608 : i32 to index
            %get3A_610 = arith.index_cast %add3A_477 : i32 to index
            %get3A_611 = tpu.vector_load %arg6[%get3A_609, %get3A_610] {strides = array<i32>} : memref<32x1024xf32, #tpu.memory_space<vmem>>, vector<1x16xf32>,
            %get3A_612 = vector.shape_cast %get3A_611 : vector<1x16xf32> to vector<16xf32>
            %mul3A_613 = vector.broadcast %squeeze3A_152 : f32 to vector<16xf32>
            %mul3A_614 = arith.mulf %get3A_612, %mul3A_613 : vector<16xf32>
            %add3A_615 = arith.addf %add3A_606, %mul3A_614 : vector<16xf32>
            %add3A_616 = arith.constant 15 : i32
            %add3A_617 = arith.addi %mul3A_121, %add3A_616 : i32
            %get3A_618 = arith.index_cast %add3A_617 : i32 to index
            %get3A_619 = arith.index_cast %add3A_477 : i32 to index
            %get3A_620 = tpu.vector_load %arg6[%get3A_618, %get3A_619] {strides = array<i32>} : memref<32x1024xf32, #tpu.memory_space<vmem>>, vector<1x16xf32>,
            %get3A_621 = vector.shape_cast %get3A_620 : vector<1x16xf32> to vector<16xf32>
            %mul3A_622 = vector.broadcast %squeeze3A_154 : f32 to vector<16xf32>
            %mul3A_623 = arith.mulf %get3A_621, %mul3A_622 : vector<16xf32>
            %add3A_624 = arith.addf %add3A_615, %mul3A_623 : vector<16xf32>
            %swap3A_625 = arith.index_cast %add3A_477 : i32 to index
            %swap3A_626 = tpu.vector_load %arg8[%swap3A_625] {strides = array<i32>} : memref<1024xf32, #tpu.memory_space<vmem>>, vector<16xf32>,
            %swap3A_627 = vector.shape_cast %swap3A_626 : vector<16xf32> to vector<16xf32>
            %swap3A_628 = vector.shape_cast %add3A_624 : vector<16xf32> to vector<16xf32>
            tpu.vector_store %arg8[%swap3A_625], %swap3A_628 {strides = array<i32>} : memref<1024xf32, #tpu.memory_space<vmem>>, vector<16xf32>,
            %mul3A_629 = arith.constant 64 : i32
            %mul3A_630 = arith.muli %scan3A_163, %mul3A_629 : i32
            %add3A_631 = arith.constant 48 : i32
            %add3A_632 = arith.addi %mul3A_630, %add3A_631 : i32
            %get3A_633 = arith.index_cast %add3A_632 : i32 to index
            %get3A_634 = tpu.vector_load %arg8[%get3A_633] {strides = array<i32>} : memref<1024xf32, #tpu.memory_space<vmem>>, vector<16xf32>,
            %get3A_635 = vector.shape_cast %get3A_634 : vector<16xf32> to vector<16xf32>
            %add3A_636 = arith.constant 0 : i32
            %add3A_637 = arith.addi %mul3A_121, %add3A_636 : i32
            %get3A_638 = arith.index_cast %add3A_637 : i32 to index
            %get3A_639 = arith.index_cast %add3A_632 : i32 to index
            %get3A_640 = tpu.vector_load %arg6[%get3A_638, %get3A_639] {strides = array<i32>} : memref<32x1024xf32, #tpu.memory_space<vmem>>, vector<1x16xf32>,
            %get3A_641 = vector.shape_cast %get3A_640 : vector<1x16xf32> to vector<16xf32>
            %mul3A_642 = vector.broadcast %squeeze3A : f32 to vector<16xf32>
            %mul3A_643 = arith.mulf %get3A_641, %mul3A_642 : vector<16xf32>
            %add3A_644 = arith.addf %get3A_635, %mul3A_643 : vector<16xf32>
            %add3A_645 = arith.constant 1 : i32
            %add3A_646 = arith.addi %mul3A_121, %add3A_645 : i32
            %get3A_647 = arith.index_cast %add3A_646 : i32 to index
            %get3A_648 = arith.index_cast %add3A_632 : i32 to index
            %get3A_649 = tpu.vector_load %arg6[%get3A_647, %get3A_648] {strides = array<i32>} : memref<32x1024xf32, #tpu.memory_space<vmem>>, vector<1x16xf32>,
            %get3A_650 = vector.shape_cast %get3A_649 : vector<1x16xf32> to vector<16xf32>
            %mul3A_651 = vector.broadcast %squeeze3A_126 : f32 to vector<16xf32>
            %mul3A_652 = arith.mulf %get3A_650, %mul3A_651 : vector<16xf32>
            %add3A_653 = arith.addf %add3A_644, %mul3A_652 : vector<16xf32>
            %add3A_654 = arith.constant 2 : i32
            %add3A_655 = arith.addi %mul3A_121, %add3A_654 : i32
            %get3A_656 = arith.index_cast %add3A_655 : i32 to index
            %get3A_657 = arith.index_cast %add3A_632 : i32 to index
            %get3A_658 = tpu.vector_load %arg6[%get3A_656, %get3A_657] {strides = array<i32>} : memref<32x1024xf32, #tpu.memory_space<vmem>>, vector<1x16xf32>,
            %get3A_659 = vector.shape_cast %get3A_658 : vector<1x16xf32> to vector<16xf32>
            %mul3A_660 = vector.broadcast %squeeze3A_128 : f32 to vector<16xf32>
            %mul3A_661 = arith.mulf %get3A_659, %mul3A_660 : vector<16xf32>
            %add3A_662 = arith.addf %add3A_653, %mul3A_661 : vector<16xf32>
            %add3A_663 = arith.constant 3 : i32
            %add3A_664 = arith.addi %mul3A_121, %add3A_663 : i32
            %get3A_665 = arith.index_cast %add3A_664 : i32 to index
            %get3A_666 = arith.index_cast %add3A_632 : i32 to index
            %get3A_667 = tpu.vector_load %arg6[%get3A_665, %get3A_666] {strides = array<i32>} : memref<32x1024xf32, #tpu.memory_space<vmem>>, vector<1x16xf32>,
            %get3A_668 = vector.shape_cast %get3A_667 : vector<1x16xf32> to vector<16xf32>
            %mul3A_669 = vector.broadcast %squeeze3A_130 : f32 to vector<16xf32>
            %mul3A_670 = arith.mulf %get3A_668, %mul3A_669 : vector<16xf32>
            %add3A_671 = arith.addf %add3A_662, %mul3A_670 : vector<16xf32>
            %add3A_672 = arith.constant 4 : i32
            %add3A_673 = arith.addi %mul3A_121, %add3A_672 : i32
            %get3A_674 = arith.index_cast %add3A_673 : i32 to index
            %get3A_675 = arith.index_cast %add3A_632 : i32 to index
            %get3A_676 = tpu.vector_load %arg6[%get3A_674, %get3A_675] {strides = array<i32>} : memref<32x1024xf32, #tpu.memory_space<vmem>>, vector<1x16xf32>,
            %get3A_677 = vector.shape_cast %get3A_676 : vector<1x16xf32> to vector<16xf32>
            %mul3A_678 = vector.broadcast %squeeze3A_132 : f32 to vector<16xf32>
            %mul3A_679 = arith.mulf %get3A_677, %mul3A_678 : vector<16xf32>
            %add3A_680 = arith.addf %add3A_671, %mul3A_679 : vector<16xf32>
            %add3A_681 = arith.constant 5 : i32
            %add3A_682 = arith.addi %mul3A_121, %add3A_681 : i32
            %get3A_683 = arith.index_cast %add3A_682 : i32 to index
            %get3A_684 = arith.index_cast %add3A_632 : i32 to index
            %get3A_685 = tpu.vector_load %arg6[%get3A_683, %get3A_684] {strides = array<i32>} : memref<32x1024xf32, #tpu.memory_space<vmem>>, vector<1x16xf32>,
            %get3A_686 = vector.shape_cast %get3A_685 : vector<1x16xf32> to vector<16xf32>
            %mul3A_687 = vector.broadcast %squeeze3A_134 : f32 to vector<16xf32>
            %mul3A_688 = arith.mulf %get3A_686, %mul3A_687 : vector<16xf32>
            %add3A_689 = arith.addf %add3A_680, %mul3A_688 : vector<16xf32>
            %add3A_690 = arith.constant 6 : i32
            %add3A_691 = arith.addi %mul3A_121, %add3A_690 : i32
            %get3A_692 = arith.index_cast %add3A_691 : i32 to index
            %get3A_693 = arith.index_cast %add3A_632 : i32 to index
            %get3A_694 = tpu.vector_load %arg6[%get3A_692, %get3A_693] {strides = array<i32>} : memref<32x1024xf32, #tpu.memory_space<vmem>>, vector<1x16xf32>,
            %get3A_695 = vector.shape_cast %get3A_694 : vector<1x16xf32> to vector<16xf32>
            %mul3A_696 = vector.broadcast %squeeze3A_136 : f32 to vector<16xf32>
            %mul3A_697 = arith.mulf %get3A_695, %mul3A_696 : vector<16xf32>
            %add3A_698 = arith.addf %add3A_689, %mul3A_697 : vector<16xf32>
            %add3A_699 = arith.constant 7 : i32
            %add3A_700 = arith.addi %mul3A_121, %add3A_699 : i32
            %get3A_701 = arith.index_cast %add3A_700 : i32 to index
            %get3A_702 = arith.index_cast %add3A_632 : i32 to index
            %get3A_703 = tpu.vector_load %arg6[%get3A_701, %get3A_702] {strides = array<i32>} : memref<32x1024xf32, #tpu.memory_space<vmem>>, vector<1x16xf32>,
            %get3A_704 = vector.shape_cast %get3A_703 : vector<1x16xf32> to vector<16xf32>
            %mul3A_705 = vector.broadcast %squeeze3A_138 : f32 to vector<16xf32>
            %mul3A_706 = arith.mulf %get3A_704, %mul3A_705 : vector<16xf32>
            %add3A_707 = arith.addf %add3A_698, %mul3A_706 : vector<16xf32>
            %add3A_708 = arith.constant 8 : i32
            %add3A_709 = arith.addi %mul3A_121, %add3A_708 : i32
            %get3A_710 = arith.index_cast %add3A_709 : i32 to index
            %get3A_711 = arith.index_cast %add3A_632 : i32 to index
            %get3A_712 = tpu.vector_load %arg6[%get3A_710, %get3A_711] {strides = array<i32>} : memref<32x1024xf32, #tpu.memory_space<vmem>>, vector<1x16xf32>,
            %get3A_713 = vector.shape_cast %get3A_712 : vector<1x16xf32> to vector<16xf32>
            %mul3A_714 = vector.broadcast %squeeze3A_140 : f32 to vector<16xf32>
            %mul3A_715 = arith.mulf %get3A_713, %mul3A_714 : vector<16xf32>
            %add3A_716 = arith.addf %add3A_707, %mul3A_715 : vector<16xf32>
            %add3A_717 = arith.constant 9 : i32
            %add3A_718 = arith.addi %mul3A_121, %add3A_717 : i32
            %get3A_719 = arith.index_cast %add3A_718 : i32 to index
            %get3A_720 = arith.index_cast %add3A_632 : i32 to index
            %get3A_721 = tpu.vector_load %arg6[%get3A_719, %get3A_720] {strides = array<i32>} : memref<32x1024xf32, #tpu.memory_space<vmem>>, vector<1x16xf32>,
            %get3A_722 = vector.shape_cast %get3A_721 : vector<1x16xf32> to vector<16xf32>
            %mul3A_723 = vector.broadcast %squeeze3A_142 : f32 to vector<16xf32>
            %mul3A_724 = arith.mulf %get3A_722, %mul3A_723 : vector<16xf32>
            %add3A_725 = arith.addf %add3A_716, %mul3A_724 : vector<16xf32>
            %add3A_726 = arith.constant 10 : i32
            %add3A_727 = arith.addi %mul3A_121, %add3A_726 : i32
            %get3A_728 = arith.index_cast %add3A_727 : i32 to index
            %get3A_729 = arith.index_cast %add3A_632 : i32 to index
            %get3A_730 = tpu.vector_load %arg6[%get3A_728, %get3A_729] {strides = array<i32>} : memref<32x1024xf32, #tpu.memory_space<vmem>>, vector<1x16xf32>,
            %get3A_731 = vector.shape_cast %get3A_730 : vector<1x16xf32> to vector<16xf32>
            %mul3A_732 = vector.broadcast %squeeze3A_144 : f32 to vector<16xf32>
            %mul3A_733 = arith.mulf %get3A_731, %mul3A_732 : vector<16xf32>
            %add3A_734 = arith.addf %add3A_725, %mul3A_733 : vector<16xf32>
            %add3A_735 = arith.constant 11 : i32
            %add3A_736 = arith.addi %mul3A_121, %add3A_735 : i32
            %get3A_737 = arith.index_cast %add3A_736 : i32 to index
            %get3A_738 = arith.index_cast %add3A_632 : i32 to index
            %get3A_739 = tpu.vector_load %arg6[%get3A_737, %get3A_738] {strides = array<i32>} : memref<32x1024xf32, #tpu.memory_space<vmem>>, vector<1x16xf32>,
            %get3A_740 = vector.shape_cast %get3A_739 : vector<1x16xf32> to vector<16xf32>
            %mul3A_741 = vector.broadcast %squeeze3A_146 : f32 to vector<16xf32>
            %mul3A_742 = arith.mulf %get3A_740, %mul3A_741 : vector<16xf32>
            %add3A_743 = arith.addf %add3A_734, %mul3A_742 : vector<16xf32>
            %add3A_744 = arith.constant 12 : i32
            %add3A_745 = arith.addi %mul3A_121, %add3A_744 : i32
            %get3A_746 = arith.index_cast %add3A_745 : i32 to index
            %get3A_747 = arith.index_cast %add3A_632 : i32 to index
            %get3A_748 = tpu.vector_load %arg6[%get3A_746, %get3A_747] {strides = array<i32>} : memref<32x1024xf32, #tpu.memory_space<vmem>>, vector<1x16xf32>,
            %get3A_749 = vector.shape_cast %get3A_748 : vector<1x16xf32> to vector<16xf32>
            %mul3A_750 = vector.broadcast %squeeze3A_148 : f32 to vector<16xf32>
            %mul3A_751 = arith.mulf %get3A_749, %mul3A_750 : vector<16xf32>
            %add3A_752 = arith.addf %add3A_743, %mul3A_751 : vector<16xf32>
            %add3A_753 = arith.constant 13 : i32
            %add3A_754 = arith.addi %mul3A_121, %add3A_753 : i32
            %get3A_755 = arith.index_cast %add3A_754 : i32 to index
            %get3A_756 = arith.index_cast %add3A_632 : i32 to index
            %get3A_757 = tpu.vector_load %arg6[%get3A_755, %get3A_756] {strides = array<i32>} : memref<32x1024xf32, #tpu.memory_space<vmem>>, vector<1x16xf32>,
            %get3A_758 = vector.shape_cast %get3A_757 : vector<1x16xf32> to vector<16xf32>
            %mul3A_759 = vector.broadcast %squeeze3A_150 : f32 to vector<16xf32>
            %mul3A_760 = arith.mulf %get3A_758, %mul3A_759 : vector<16xf32>
            %add3A_761 = arith.addf %add3A_752, %mul3A_760 : vector<16xf32>
            %add3A_762 = arith.constant 14 : i32
            %add3A_763 = arith.addi %mul3A_121, %add3A_762 : i32
            %get3A_764 = arith.index_cast %add3A_763 : i32 to index
            %get3A_765 = arith.index_cast %add3A_632 : i32 to index
            %get3A_766 = tpu.vector_load %arg6[%get3A_764, %get3A_765] {strides = array<i32>} : memref<32x1024xf32, #tpu.memory_space<vmem>>, vector<1x16xf32>,
            %get3A_767 = vector.shape_cast %get3A_766 : vector<1x16xf32> to vector<16xf32>
            %mul3A_768 = vector.broadcast %squeeze3A_152 : f32 to vector<16xf32>
            %mul3A_769 = arith.mulf %get3A_767, %mul3A_768 : vector<16xf32>
            %add3A_770 = arith.addf %add3A_761, %mul3A_769 : vector<16xf32>
            %add3A_771 = arith.constant 15 : i32
            %add3A_772 = arith.addi %mul3A_121, %add3A_771 : i32
            %get3A_773 = arith.index_cast %add3A_772 : i32 to index
            %get3A_774 = arith.index_cast %add3A_632 : i32 to index
            %get3A_775 = tpu.vector_load %arg6[%get3A_773, %get3A_774] {strides = array<i32>} : memref<32x1024xf32, #tpu.memory_space<vmem>>, vector<1x16xf32>,
            %get3A_776 = vector.shape_cast %get3A_775 : vector<1x16xf32> to vector<16xf32>
            %mul3A_777 = vector.broadcast %squeeze3A_154 : f32 to vector<16xf32>
            %mul3A_778 = arith.mulf %get3A_776, %mul3A_777 : vector<16xf32>
            %add3A_779 = arith.addf %add3A_770, %mul3A_778 : vector<16xf32>
            %swap3A_780 = arith.index_cast %add3A_632 : i32 to index
            %swap3A_781 = tpu.vector_load %arg8[%swap3A_780] {strides = array<i32>} : memref<1024xf32, #tpu.memory_space<vmem>>, vector<16xf32>,
            %swap3A_782 = vector.shape_cast %swap3A_781 : vector<16xf32> to vector<16xf32>
            %swap3A_783 = vector.shape_cast %add3A_779 : vector<16xf32> to vector<16xf32>
            tpu.vector_store %arg8[%swap3A_780], %swap3A_783 {strides = array<i32>} : memref<1024xf32, #tpu.memory_space<vmem>>, vector<16xf32>,
            %scan3A_784 = arith.constant 0 : i32
            scf.yield %scan3A_784 : i32
          }
          %scan3A_161 = arith.constant 16 : i32
          %scan3A_162 = arith.constant 0 : i32
          scf.yield %scan3A_162 : i32
        }
        %scan3A_116 = arith.constant 2 : i32
        %scan3A_117 = arith.constant 0 : i32
        scf.yield %scan3A_117 : i32
      }
      %scan3A_54 = arith.constant 3 : i32
      %dma_wait3A = arith.constant 0 : i32
      %dma_wait3A_55 = arith.constant 0 : i32
      %dma_wait3A_56 = tpu.memref_slice %arg2[%dma_wait3A, %dma_wait3A_55] : memref<49152x1024xf32, #tpu.memory_space<hbm>> -> memref<32x1024xf32, #tpu.memory_space<hbm>>
      %dma_wait3A_57 = arith.constant 0 : i32
      %dma_wait3A_58 = arith.constant 0 : i32
      %dma_wait3A_59 = tpu.memref_slice %arg2[%dma_wait3A_57, %dma_wait3A_58] : memref<49152x1024xf32, #tpu.memory_space<hbm>> -> memref<32x1024xf32, #tpu.memory_space<hbm>>
      tpu.wait_dma2 semaphore(%arg9 : memref<!tpu.dma_semaphore, #tpu.memory_space<semaphore_mem>>) src(%dma_wait3A_59 : memref<32x1024xf32, #tpu.memory_space<hbm>>) dst(%arg5 : memref<32x1024xf32, #tpu.memory_space<vmem>>)
      %scan3A_60 = arith.constant 0 : i32
      %scan3A_61 = arith.constant 0 : i32
      %scan3A_62 = arith.constant 2 : i32
      %scan3A_63 = arith.addi %scan3A_61, %scan3A_62 : i32
      %scan3A_64 = arith.constant 1 : i32
      %scan3A_65 = scf.for %scan3A_68 = %scan3A_61 to %scan3A_63 step %scan3A_64 iter_args(%scan3A_69 = %scan3A_60) -> (i32)  : i32 {
        %mul3A_70 = arith.constant 16 : i32
        %mul3A_71 = arith.muli %scan3A_68, %mul3A_70 : i32
        %add3A_72 = arith.constant 192 : i32
        %add3A_73 = arith.addi %add3A_72, %mul3A_71 : i32
        %get3A = arith.index_cast %add3A_73 : i32 to index
        %get3A_74 = tpu.vector_load %arg7[%get3A] {strides = array<i32>} : memref<224xf32, #tpu.memory_space<vmem>>, vector<16xf32>,
        %get3A_75 = vector.shape_cast %get3A_74 : vector<16xf32> to vector<16xf32>
        %slice3A = vector.extract_strided_slice %get3A_75 {offsets = [0], sizes = [1], strides = [1]} : vector<16xf32> to vector<1xf32>
        %squeeze3A = vector.extract %slice3A[0] : f32 from vector<1xf32>
        %slice3A_76 = vector.extract_strided_slice %get3A_75 {offsets = [1], sizes = [1], strides = [1]} : vector<16xf32> to vector<1xf32>
        %squeeze3A_77 = vector.extract %slice3A_76[0] : f32 from vector<1xf32>
        %slice3A_78 = vector.extract_strided_slice %get3A_75 {offsets = [2], sizes = [1], strides = [1]} : vector<16xf32> to vector<1xf32>
        %squeeze3A_79 = vector.extract %slice3A_78[0] : f32 from vector<1xf32>
        %slice3A_80 = vector.extract_strided_slice %get3A_75 {offsets = [3], sizes = [1], strides = [1]} : vector<16xf32> to vector<1xf32>
        %squeeze3A_81 = vector.extract %slice3A_80[0] : f32 from vector<1xf32>
        %slice3A_82 = vector.extract_strided_slice %get3A_75 {offsets = [4], sizes = [1], strides = [1]} : vector<16xf32> to vector<1xf32>
        %squeeze3A_83 = vector.extract %slice3A_82[0] : f32 from vector<1xf32>
        %slice3A_84 = vector.extract_strided_slice %get3A_75 {offsets = [5], sizes = [1], strides = [1]} : vector<16xf32> to vector<1xf32>
        %squeeze3A_85 = vector.extract %slice3A_84[0] : f32 from vector<1xf32>
        %slice3A_86 = vector.extract_strided_slice %get3A_75 {offsets = [6], sizes = [1], strides = [1]} : vector<16xf32> to vector<1xf32>
        %squeeze3A_87 = vector.extract %slice3A_86[0] : f32 from vector<1xf32>
        %slice3A_88 = vector.extract_strided_slice %get3A_75 {offsets = [7], sizes = [1], strides = [1]} : vector<16xf32> to vector<1xf32>
        %squeeze3A_89 = vector.extract %slice3A_88[0] : f32 from vector<1xf32>
        %slice3A_90 = vector.extract_strided_slice %get3A_75 {offsets = [8], sizes = [1], strides = [1]} : vector<16xf32> to vector<1xf32>
        %squeeze3A_91 = vector.extract %slice3A_90[0] : f32 from vector<1xf32>
        %slice3A_92 = vector.extract_strided_slice %get3A_75 {offsets = [9], sizes = [1], strides = [1]} : vector<16xf32> to vector<1xf32>
        %squeeze3A_93 = vector.extract %slice3A_92[0] : f32 from vector<1xf32>
        %slice3A_94 = vector.extract_strided_slice %get3A_75 {offsets = [10], sizes = [1], strides = [1]} : vector<16xf32> to vector<1xf32>
        %squeeze3A_95 = vector.extract %slice3A_94[0] : f32 from vector<1xf32>
        %slice3A_96 = vector.extract_strided_slice %get3A_75 {offsets = [11], sizes = [1], strides = [1]} : vector<16xf32> to vector<1xf32>
        %squeeze3A_97 = vector.extract %slice3A_96[0] : f32 from vector<1xf32>
        %slice3A_98 = vector.extract_strided_slice %get3A_75 {offsets = [12], sizes = [1], strides = [1]} : vector<16xf32> to vector<1xf32>
        %squeeze3A_99 = vector.extract %slice3A_98[0] : f32 from vector<1xf32>
        %slice3A_100 = vector.extract_strided_slice %get3A_75 {offsets = [13], sizes = [1], strides = [1]} : vector<16xf32> to vector<1xf32>
        %squeeze3A_101 = vector.extract %slice3A_100[0] : f32 from vector<1xf32>
        %slice3A_102 = vector.extract_strided_slice %get3A_75 {offsets = [14], sizes = [1], strides = [1]} : vector<16xf32> to vector<1xf32>
        %squeeze3A_103 = vector.extract %slice3A_102[0] : f32 from vector<1xf32>
        %slice3A_104 = vector.extract_strided_slice %get3A_75 {offsets = [15], sizes = [1], strides = [1]} : vector<16xf32> to vector<1xf32>
        %squeeze3A_105 = vector.extract %slice3A_104[0] : f32 from vector<1xf32>
        %scan3A_106 = arith.constant 0 : i32
        %scan3A_107 = arith.constant 0 : i32
        %scan3A_108 = arith.constant 16 : i32
        %scan3A_109 = arith.addi %scan3A_107, %scan3A_108 : i32
        %scan3A_110 = arith.constant 1 : i32
        %scan3A_111 = scf.for %scan3A_114 = %scan3A_107 to %scan3A_109 step %scan3A_110 iter_args(%scan3A_115 = %scan3A_106) -> (i32)  : i32 {
          %mul3A_116 = arith.constant 64 : i32
          %mul3A_117 = arith.muli %scan3A_114, %mul3A_116 : i32
          %add3A_118 = arith.constant 0 : i32
          %add3A_119 = arith.addi %mul3A_117, %add3A_118 : i32
          %get3A_120 = arith.index_cast %add3A_119 : i32 to index
          %get3A_121 = tpu.vector_load %arg8[%get3A_120] {strides = array<i32>} : memref<1024xf32, #tpu.memory_space<vmem>>, vector<16xf32>,
          %get3A_122 = vector.shape_cast %get3A_121 : vector<16xf32> to vector<16xf32>
          %add3A_123 = arith.constant 0 : i32
          %add3A_124 = arith.addi %mul3A_71, %add3A_123 : i32
          %get3A_125 = arith.index_cast %add3A_124 : i32 to index
          %get3A_126 = arith.index_cast %add3A_119 : i32 to index
          %get3A_127 = tpu.vector_load %arg5[%get3A_125, %get3A_126] {strides = array<i32>} : memref<32x1024xf32, #tpu.memory_space<vmem>>, vector<1x16xf32>,
          %get3A_128 = vector.shape_cast %get3A_127 : vector<1x16xf32> to vector<16xf32>
          %mul3A_129 = vector.broadcast %squeeze3A : f32 to vector<16xf32>
          %mul3A_130 = arith.mulf %get3A_128, %mul3A_129 : vector<16xf32>
          %add3A_131 = arith.addf %get3A_122, %mul3A_130 : vector<16xf32>
          %add3A_132 = arith.constant 1 : i32
          %add3A_133 = arith.addi %mul3A_71, %add3A_132 : i32
          %get3A_134 = arith.index_cast %add3A_133 : i32 to index
          %get3A_135 = arith.index_cast %add3A_119 : i32 to index
          %get3A_136 = tpu.vector_load %arg5[%get3A_134, %get3A_135] {strides = array<i32>} : memref<32x1024xf32, #tpu.memory_space<vmem>>, vector<1x16xf32>,
          %get3A_137 = vector.shape_cast %get3A_136 : vector<1x16xf32> to vector<16xf32>
          %mul3A_138 = vector.broadcast %squeeze3A_77 : f32 to vector<16xf32>
          %mul3A_139 = arith.mulf %get3A_137, %mul3A_138 : vector<16xf32>
          %add3A_140 = arith.addf %add3A_131, %mul3A_139 : vector<16xf32>
          %add3A_141 = arith.constant 2 : i32
          %add3A_142 = arith.addi %mul3A_71, %add3A_141 : i32
          %get3A_143 = arith.index_cast %add3A_142 : i32 to index
          %get3A_144 = arith.index_cast %add3A_119 : i32 to index
          %get3A_145 = tpu.vector_load %arg5[%get3A_143, %get3A_144] {strides = array<i32>} : memref<32x1024xf32, #tpu.memory_space<vmem>>, vector<1x16xf32>,
          %get3A_146 = vector.shape_cast %get3A_145 : vector<1x16xf32> to vector<16xf32>
          %mul3A_147 = vector.broadcast %squeeze3A_79 : f32 to vector<16xf32>
          %mul3A_148 = arith.mulf %get3A_146, %mul3A_147 : vector<16xf32>
          %add3A_149 = arith.addf %add3A_140, %mul3A_148 : vector<16xf32>
          %add3A_150 = arith.constant 3 : i32
          %add3A_151 = arith.addi %mul3A_71, %add3A_150 : i32
          %get3A_152 = arith.index_cast %add3A_151 : i32 to index
          %get3A_153 = arith.index_cast %add3A_119 : i32 to index
          %get3A_154 = tpu.vector_load %arg5[%get3A_152, %get3A_153] {strides = array<i32>} : memref<32x1024xf32, #tpu.memory_space<vmem>>, vector<1x16xf32>,
          %get3A_155 = vector.shape_cast %get3A_154 : vector<1x16xf32> to vector<16xf32>
          %mul3A_156 = vector.broadcast %squeeze3A_81 : f32 to vector<16xf32>
          %mul3A_157 = arith.mulf %get3A_155, %mul3A_156 : vector<16xf32>
          %add3A_158 = arith.addf %add3A_149, %mul3A_157 : vector<16xf32>
          %add3A_159 = arith.constant 4 : i32
          %add3A_160 = arith.addi %mul3A_71, %add3A_159 : i32
          %get3A_161 = arith.index_cast %add3A_160 : i32 to index
          %get3A_162 = arith.index_cast %add3A_119 : i32 to index
          %get3A_163 = tpu.vector_load %arg5[%get3A_161, %get3A_162] {strides = array<i32>} : memref<32x1024xf32, #tpu.memory_space<vmem>>, vector<1x16xf32>,
          %get3A_164 = vector.shape_cast %get3A_163 : vector<1x16xf32> to vector<16xf32>
          %mul3A_165 = vector.broadcast %squeeze3A_83 : f32 to vector<16xf32>
          %mul3A_166 = arith.mulf %get3A_164, %mul3A_165 : vector<16xf32>
          %add3A_167 = arith.addf %add3A_158, %mul3A_166 : vector<16xf32>
          %add3A_168 = arith.constant 5 : i32
          %add3A_169 = arith.addi %mul3A_71, %add3A_168 : i32
          %get3A_170 = arith.index_cast %add3A_169 : i32 to index
          %get3A_171 = arith.index_cast %add3A_119 : i32 to index
          %get3A_172 = tpu.vector_load %arg5[%get3A_170, %get3A_171] {strides = array<i32>} : memref<32x1024xf32, #tpu.memory_space<vmem>>, vector<1x16xf32>,
          %get3A_173 = vector.shape_cast %get3A_172 : vector<1x16xf32> to vector<16xf32>
          %mul3A_174 = vector.broadcast %squeeze3A_85 : f32 to vector<16xf32>
          %mul3A_175 = arith.mulf %get3A_173, %mul3A_174 : vector<16xf32>
          %add3A_176 = arith.addf %add3A_167, %mul3A_175 : vector<16xf32>
          %add3A_177 = arith.constant 6 : i32
          %add3A_178 = arith.addi %mul3A_71, %add3A_177 : i32
          %get3A_179 = arith.index_cast %add3A_178 : i32 to index
          %get3A_180 = arith.index_cast %add3A_119 : i32 to index
          %get3A_181 = tpu.vector_load %arg5[%get3A_179, %get3A_180] {strides = array<i32>} : memref<32x1024xf32, #tpu.memory_space<vmem>>, vector<1x16xf32>,
          %get3A_182 = vector.shape_cast %get3A_181 : vector<1x16xf32> to vector<16xf32>
          %mul3A_183 = vector.broadcast %squeeze3A_87 : f32 to vector<16xf32>
          %mul3A_184 = arith.mulf %get3A_182, %mul3A_183 : vector<16xf32>
          %add3A_185 = arith.addf %add3A_176, %mul3A_184 : vector<16xf32>
          %add3A_186 = arith.constant 7 : i32
          %add3A_187 = arith.addi %mul3A_71, %add3A_186 : i32
          %get3A_188 = arith.index_cast %add3A_187 : i32 to index
          %get3A_189 = arith.index_cast %add3A_119 : i32 to index
          %get3A_190 = tpu.vector_load %arg5[%get3A_188, %get3A_189] {strides = array<i32>} : memref<32x1024xf32, #tpu.memory_space<vmem>>, vector<1x16xf32>,
          %get3A_191 = vector.shape_cast %get3A_190 : vector<1x16xf32> to vector<16xf32>
          %mul3A_192 = vector.broadcast %squeeze3A_89 : f32 to vector<16xf32>
          %mul3A_193 = arith.mulf %get3A_191, %mul3A_192 : vector<16xf32>
          %add3A_194 = arith.addf %add3A_185, %mul3A_193 : vector<16xf32>
          %add3A_195 = arith.constant 8 : i32
          %add3A_196 = arith.addi %mul3A_71, %add3A_195 : i32
          %get3A_197 = arith.index_cast %add3A_196 : i32 to index
          %get3A_198 = arith.index_cast %add3A_119 : i32 to index
          %get3A_199 = tpu.vector_load %arg5[%get3A_197, %get3A_198] {strides = array<i32>} : memref<32x1024xf32, #tpu.memory_space<vmem>>, vector<1x16xf32>,
          %get3A_200 = vector.shape_cast %get3A_199 : vector<1x16xf32> to vector<16xf32>
          %mul3A_201 = vector.broadcast %squeeze3A_91 : f32 to vector<16xf32>
          %mul3A_202 = arith.mulf %get3A_200, %mul3A_201 : vector<16xf32>
          %add3A_203 = arith.addf %add3A_194, %mul3A_202 : vector<16xf32>
          %add3A_204 = arith.constant 9 : i32
          %add3A_205 = arith.addi %mul3A_71, %add3A_204 : i32
          %get3A_206 = arith.index_cast %add3A_205 : i32 to index
          %get3A_207 = arith.index_cast %add3A_119 : i32 to index
          %get3A_208 = tpu.vector_load %arg5[%get3A_206, %get3A_207] {strides = array<i32>} : memref<32x1024xf32, #tpu.memory_space<vmem>>, vector<1x16xf32>,
          %get3A_209 = vector.shape_cast %get3A_208 : vector<1x16xf32> to vector<16xf32>
          %mul3A_210 = vector.broadcast %squeeze3A_93 : f32 to vector<16xf32>
          %mul3A_211 = arith.mulf %get3A_209, %mul3A_210 : vector<16xf32>
          %add3A_212 = arith.addf %add3A_203, %mul3A_211 : vector<16xf32>
          %add3A_213 = arith.constant 10 : i32
          %add3A_214 = arith.addi %mul3A_71, %add3A_213 : i32
          %get3A_215 = arith.index_cast %add3A_214 : i32 to index
          %get3A_216 = arith.index_cast %add3A_119 : i32 to index
          %get3A_217 = tpu.vector_load %arg5[%get3A_215, %get3A_216] {strides = array<i32>} : memref<32x1024xf32, #tpu.memory_space<vmem>>, vector<1x16xf32>,
          %get3A_218 = vector.shape_cast %get3A_217 : vector<1x16xf32> to vector<16xf32>
          %mul3A_219 = vector.broadcast %squeeze3A_95 : f32 to vector<16xf32>
          %mul3A_220 = arith.mulf %get3A_218, %mul3A_219 : vector<16xf32>
          %add3A_221 = arith.addf %add3A_212, %mul3A_220 : vector<16xf32>
          %add3A_222 = arith.constant 11 : i32
          %add3A_223 = arith.addi %mul3A_71, %add3A_222 : i32
          %get3A_224 = arith.index_cast %add3A_223 : i32 to index
          %get3A_225 = arith.index_cast %add3A_119 : i32 to index
          %get3A_226 = tpu.vector_load %arg5[%get3A_224, %get3A_225] {strides = array<i32>} : memref<32x1024xf32, #tpu.memory_space<vmem>>, vector<1x16xf32>,
          %get3A_227 = vector.shape_cast %get3A_226 : vector<1x16xf32> to vector<16xf32>
          %mul3A_228 = vector.broadcast %squeeze3A_97 : f32 to vector<16xf32>
          %mul3A_229 = arith.mulf %get3A_227, %mul3A_228 : vector<16xf32>
          %add3A_230 = arith.addf %add3A_221, %mul3A_229 : vector<16xf32>
          %add3A_231 = arith.constant 12 : i32
          %add3A_232 = arith.addi %mul3A_71, %add3A_231 : i32
          %get3A_233 = arith.index_cast %add3A_232 : i32 to index
          %get3A_234 = arith.index_cast %add3A_119 : i32 to index
          %get3A_235 = tpu.vector_load %arg5[%get3A_233, %get3A_234] {strides = array<i32>} : memref<32x1024xf32, #tpu.memory_space<vmem>>, vector<1x16xf32>,
          %get3A_236 = vector.shape_cast %get3A_235 : vector<1x16xf32> to vector<16xf32>
          %mul3A_237 = vector.broadcast %squeeze3A_99 : f32 to vector<16xf32>
          %mul3A_238 = arith.mulf %get3A_236, %mul3A_237 : vector<16xf32>
          %add3A_239 = arith.addf %add3A_230, %mul3A_238 : vector<16xf32>
          %add3A_240 = arith.constant 13 : i32
          %add3A_241 = arith.addi %mul3A_71, %add3A_240 : i32
          %get3A_242 = arith.index_cast %add3A_241 : i32 to index
          %get3A_243 = arith.index_cast %add3A_119 : i32 to index
          %get3A_244 = tpu.vector_load %arg5[%get3A_242, %get3A_243] {strides = array<i32>} : memref<32x1024xf32, #tpu.memory_space<vmem>>, vector<1x16xf32>,
          %get3A_245 = vector.shape_cast %get3A_244 : vector<1x16xf32> to vector<16xf32>
          %mul3A_246 = vector.broadcast %squeeze3A_101 : f32 to vector<16xf32>
          %mul3A_247 = arith.mulf %get3A_245, %mul3A_246 : vector<16xf32>
          %add3A_248 = arith.addf %add3A_239, %mul3A_247 : vector<16xf32>
          %add3A_249 = arith.constant 14 : i32
          %add3A_250 = arith.addi %mul3A_71, %add3A_249 : i32
          %get3A_251 = arith.index_cast %add3A_250 : i32 to index
          %get3A_252 = arith.index_cast %add3A_119 : i32 to index
          %get3A_253 = tpu.vector_load %arg5[%get3A_251, %get3A_252] {strides = array<i32>} : memref<32x1024xf32, #tpu.memory_space<vmem>>, vector<1x16xf32>,
          %get3A_254 = vector.shape_cast %get3A_253 : vector<1x16xf32> to vector<16xf32>
          %mul3A_255 = vector.broadcast %squeeze3A_103 : f32 to vector<16xf32>
          %mul3A_256 = arith.mulf %get3A_254, %mul3A_255 : vector<16xf32>
          %add3A_257 = arith.addf %add3A_248, %mul3A_256 : vector<16xf32>
          %add3A_258 = arith.constant 15 : i32
          %add3A_259 = arith.addi %mul3A_71, %add3A_258 : i32
          %get3A_260 = arith.index_cast %add3A_259 : i32 to index
          %get3A_261 = arith.index_cast %add3A_119 : i32 to index
          %get3A_262 = tpu.vector_load %arg5[%get3A_260, %get3A_261] {strides = array<i32>} : memref<32x1024xf32, #tpu.memory_space<vmem>>, vector<1x16xf32>,
          %get3A_263 = vector.shape_cast %get3A_262 : vector<1x16xf32> to vector<16xf32>
          %mul3A_264 = vector.broadcast %squeeze3A_105 : f32 to vector<16xf32>
          %mul3A_265 = arith.mulf %get3A_263, %mul3A_264 : vector<16xf32>
          %add3A_266 = arith.addf %add3A_257, %mul3A_265 : vector<16xf32>
          %swap3A = arith.index_cast %add3A_119 : i32 to index
          %swap3A_267 = tpu.vector_load %arg8[%swap3A] {strides = array<i32>} : memref<1024xf32, #tpu.memory_space<vmem>>, vector<16xf32>,
          %swap3A_268 = vector.shape_cast %swap3A_267 : vector<16xf32> to vector<16xf32>
          %swap3A_269 = vector.shape_cast %add3A_266 : vector<16xf32> to vector<16xf32>
          tpu.vector_store %arg8[%swap3A], %swap3A_269 {strides = array<i32>} : memref<1024xf32, #tpu.memory_space<vmem>>, vector<16xf32>,
          %mul3A_270 = arith.constant 64 : i32
          %mul3A_271 = arith.muli %scan3A_114, %mul3A_270 : i32
          %add3A_272 = arith.constant 16 : i32
          %add3A_273 = arith.addi %mul3A_271, %add3A_272 : i32
          %get3A_274 = arith.index_cast %add3A_273 : i32 to index
          %get3A_275 = tpu.vector_load %arg8[%get3A_274] {strides = array<i32>} : memref<1024xf32, #tpu.memory_space<vmem>>, vector<16xf32>,
          %get3A_276 = vector.shape_cast %get3A_275 : vector<16xf32> to vector<16xf32>
          %add3A_277 = arith.constant 0 : i32
          %add3A_278 = arith.addi %mul3A_71, %add3A_277 : i32
          %get3A_279 = arith.index_cast %add3A_278 : i32 to index
          %get3A_280 = arith.index_cast %add3A_273 : i32 to index
          %get3A_281 = tpu.vector_load %arg5[%get3A_279, %get3A_280] {strides = array<i32>} : memref<32x1024xf32, #tpu.memory_space<vmem>>, vector<1x16xf32>,
          %get3A_282 = vector.shape_cast %get3A_281 : vector<1x16xf32> to vector<16xf32>
          %mul3A_283 = vector.broadcast %squeeze3A : f32 to vector<16xf32>
          %mul3A_284 = arith.mulf %get3A_282, %mul3A_283 : vector<16xf32>
          %add3A_285 = arith.addf %get3A_276, %mul3A_284 : vector<16xf32>
          %add3A_286 = arith.constant 1 : i32
          %add3A_287 = arith.addi %mul3A_71, %add3A_286 : i32
          %get3A_288 = arith.index_cast %add3A_287 : i32 to index
          %get3A_289 = arith.index_cast %add3A_273 : i32 to index
          %get3A_290 = tpu.vector_load %arg5[%get3A_288, %get3A_289] {strides = array<i32>} : memref<32x1024xf32, #tpu.memory_space<vmem>>, vector<1x16xf32>,
          %get3A_291 = vector.shape_cast %get3A_290 : vector<1x16xf32> to vector<16xf32>
          %mul3A_292 = vector.broadcast %squeeze3A_77 : f32 to vector<16xf32>
          %mul3A_293 = arith.mulf %get3A_291, %mul3A_292 : vector<16xf32>
          %add3A_294 = arith.addf %add3A_285, %mul3A_293 : vector<16xf32>
          %add3A_295 = arith.constant 2 : i32
          %add3A_296 = arith.addi %mul3A_71, %add3A_295 : i32
          %get3A_297 = arith.index_cast %add3A_296 : i32 to index
          %get3A_298 = arith.index_cast %add3A_273 : i32 to index
          %get3A_299 = tpu.vector_load %arg5[%get3A_297, %get3A_298] {strides = array<i32>} : memref<32x1024xf32, #tpu.memory_space<vmem>>, vector<1x16xf32>,
          %get3A_300 = vector.shape_cast %get3A_299 : vector<1x16xf32> to vector<16xf32>
          %mul3A_301 = vector.broadcast %squeeze3A_79 : f32 to vector<16xf32>
          %mul3A_302 = arith.mulf %get3A_300, %mul3A_301 : vector<16xf32>
          %add3A_303 = arith.addf %add3A_294, %mul3A_302 : vector<16xf32>
          %add3A_304 = arith.constant 3 : i32
          %add3A_305 = arith.addi %mul3A_71, %add3A_304 : i32
          %get3A_306 = arith.index_cast %add3A_305 : i32 to index
          %get3A_307 = arith.index_cast %add3A_273 : i32 to index
          %get3A_308 = tpu.vector_load %arg5[%get3A_306, %get3A_307] {strides = array<i32>} : memref<32x1024xf32, #tpu.memory_space<vmem>>, vector<1x16xf32>,
          %get3A_309 = vector.shape_cast %get3A_308 : vector<1x16xf32> to vector<16xf32>
          %mul3A_310 = vector.broadcast %squeeze3A_81 : f32 to vector<16xf32>
          %mul3A_311 = arith.mulf %get3A_309, %mul3A_310 : vector<16xf32>
          %add3A_312 = arith.addf %add3A_303, %mul3A_311 : vector<16xf32>
          %add3A_313 = arith.constant 4 : i32
          %add3A_314 = arith.addi %mul3A_71, %add3A_313 : i32
          %get3A_315 = arith.index_cast %add3A_314 : i32 to index
          %get3A_316 = arith.index_cast %add3A_273 : i32 to index
          %get3A_317 = tpu.vector_load %arg5[%get3A_315, %get3A_316] {strides = array<i32>} : memref<32x1024xf32, #tpu.memory_space<vmem>>, vector<1x16xf32>,
          %get3A_318 = vector.shape_cast %get3A_317 : vector<1x16xf32> to vector<16xf32>
          %mul3A_319 = vector.broadcast %squeeze3A_83 : f32 to vector<16xf32>
          %mul3A_320 = arith.mulf %get3A_318, %mul3A_319 : vector<16xf32>
          %add3A_321 = arith.addf %add3A_312, %mul3A_320 : vector<16xf32>
          %add3A_322 = arith.constant 5 : i32
          %add3A_323 = arith.addi %mul3A_71, %add3A_322 : i32
          %get3A_324 = arith.index_cast %add3A_323 : i32 to index
          %get3A_325 = arith.index_cast %add3A_273 : i32 to index
          %get3A_326 = tpu.vector_load %arg5[%get3A_324, %get3A_325] {strides = array<i32>} : memref<32x1024xf32, #tpu.memory_space<vmem>>, vector<1x16xf32>,
          %get3A_327 = vector.shape_cast %get3A_326 : vector<1x16xf32> to vector<16xf32>
          %mul3A_328 = vector.broadcast %squeeze3A_85 : f32 to vector<16xf32>
          %mul3A_329 = arith.mulf %get3A_327, %mul3A_328 : vector<16xf32>
          %add3A_330 = arith.addf %add3A_321, %mul3A_329 : vector<16xf32>
          %add3A_331 = arith.constant 6 : i32
          %add3A_332 = arith.addi %mul3A_71, %add3A_331 : i32
          %get3A_333 = arith.index_cast %add3A_332 : i32 to index
          %get3A_334 = arith.index_cast %add3A_273 : i32 to index
          %get3A_335 = tpu.vector_load %arg5[%get3A_333, %get3A_334] {strides = array<i32>} : memref<32x1024xf32, #tpu.memory_space<vmem>>, vector<1x16xf32>,
          %get3A_336 = vector.shape_cast %get3A_335 : vector<1x16xf32> to vector<16xf32>
          %mul3A_337 = vector.broadcast %squeeze3A_87 : f32 to vector<16xf32>
          %mul3A_338 = arith.mulf %get3A_336, %mul3A_337 : vector<16xf32>
          %add3A_339 = arith.addf %add3A_330, %mul3A_338 : vector<16xf32>
          %add3A_340 = arith.constant 7 : i32
          %add3A_341 = arith.addi %mul3A_71, %add3A_340 : i32
          %get3A_342 = arith.index_cast %add3A_341 : i32 to index
          %get3A_343 = arith.index_cast %add3A_273 : i32 to index
          %get3A_344 = tpu.vector_load %arg5[%get3A_342, %get3A_343] {strides = array<i32>} : memref<32x1024xf32, #tpu.memory_space<vmem>>, vector<1x16xf32>,
          %get3A_345 = vector.shape_cast %get3A_344 : vector<1x16xf32> to vector<16xf32>
          %mul3A_346 = vector.broadcast %squeeze3A_89 : f32 to vector<16xf32>
          %mul3A_347 = arith.mulf %get3A_345, %mul3A_346 : vector<16xf32>
          %add3A_348 = arith.addf %add3A_339, %mul3A_347 : vector<16xf32>
          %add3A_349 = arith.constant 8 : i32
          %add3A_350 = arith.addi %mul3A_71, %add3A_349 : i32
          %get3A_351 = arith.index_cast %add3A_350 : i32 to index
          %get3A_352 = arith.index_cast %add3A_273 : i32 to index
          %get3A_353 = tpu.vector_load %arg5[%get3A_351, %get3A_352] {strides = array<i32>} : memref<32x1024xf32, #tpu.memory_space<vmem>>, vector<1x16xf32>,
          %get3A_354 = vector.shape_cast %get3A_353 : vector<1x16xf32> to vector<16xf32>
          %mul3A_355 = vector.broadcast %squeeze3A_91 : f32 to vector<16xf32>
          %mul3A_356 = arith.mulf %get3A_354, %mul3A_355 : vector<16xf32>
          %add3A_357 = arith.addf %add3A_348, %mul3A_356 : vector<16xf32>
          %add3A_358 = arith.constant 9 : i32
          %add3A_359 = arith.addi %mul3A_71, %add3A_358 : i32
          %get3A_360 = arith.index_cast %add3A_359 : i32 to index
          %get3A_361 = arith.index_cast %add3A_273 : i32 to index
          %get3A_362 = tpu.vector_load %arg5[%get3A_360, %get3A_361] {strides = array<i32>} : memref<32x1024xf32, #tpu.memory_space<vmem>>, vector<1x16xf32>,
          %get3A_363 = vector.shape_cast %get3A_362 : vector<1x16xf32> to vector<16xf32>
          %mul3A_364 = vector.broadcast %squeeze3A_93 : f32 to vector<16xf32>
          %mul3A_365 = arith.mulf %get3A_363, %mul3A_364 : vector<16xf32>
          %add3A_366 = arith.addf %add3A_357, %mul3A_365 : vector<16xf32>
          %add3A_367 = arith.constant 10 : i32
          %add3A_368 = arith.addi %mul3A_71, %add3A_367 : i32
          %get3A_369 = arith.index_cast %add3A_368 : i32 to index
          %get3A_370 = arith.index_cast %add3A_273 : i32 to index
          %get3A_371 = tpu.vector_load %arg5[%get3A_369, %get3A_370] {strides = array<i32>} : memref<32x1024xf32, #tpu.memory_space<vmem>>, vector<1x16xf32>,
          %get3A_372 = vector.shape_cast %get3A_371 : vector<1x16xf32> to vector<16xf32>
          %mul3A_373 = vector.broadcast %squeeze3A_95 : f32 to vector<16xf32>
          %mul3A_374 = arith.mulf %get3A_372, %mul3A_373 : vector<16xf32>
          %add3A_375 = arith.addf %add3A_366, %mul3A_374 : vector<16xf32>
          %add3A_376 = arith.constant 11 : i32
          %add3A_377 = arith.addi %mul3A_71, %add3A_376 : i32
          %get3A_378 = arith.index_cast %add3A_377 : i32 to index
          %get3A_379 = arith.index_cast %add3A_273 : i32 to index
          %get3A_380 = tpu.vector_load %arg5[%get3A_378, %get3A_379] {strides = array<i32>} : memref<32x1024xf32, #tpu.memory_space<vmem>>, vector<1x16xf32>,
          %get3A_381 = vector.shape_cast %get3A_380 : vector<1x16xf32> to vector<16xf32>
          %mul3A_382 = vector.broadcast %squeeze3A_97 : f32 to vector<16xf32>
          %mul3A_383 = arith.mulf %get3A_381, %mul3A_382 : vector<16xf32>
          %add3A_384 = arith.addf %add3A_375, %mul3A_383 : vector<16xf32>
          %add3A_385 = arith.constant 12 : i32
          %add3A_386 = arith.addi %mul3A_71, %add3A_385 : i32
          %get3A_387 = arith.index_cast %add3A_386 : i32 to index
          %get3A_388 = arith.index_cast %add3A_273 : i32 to index
          %get3A_389 = tpu.vector_load %arg5[%get3A_387, %get3A_388] {strides = array<i32>} : memref<32x1024xf32, #tpu.memory_space<vmem>>, vector<1x16xf32>,
          %get3A_390 = vector.shape_cast %get3A_389 : vector<1x16xf32> to vector<16xf32>
          %mul3A_391 = vector.broadcast %squeeze3A_99 : f32 to vector<16xf32>
          %mul3A_392 = arith.mulf %get3A_390, %mul3A_391 : vector<16xf32>
          %add3A_393 = arith.addf %add3A_384, %mul3A_392 : vector<16xf32>
          %add3A_394 = arith.constant 13 : i32
          %add3A_395 = arith.addi %mul3A_71, %add3A_394 : i32
          %get3A_396 = arith.index_cast %add3A_395 : i32 to index
          %get3A_397 = arith.index_cast %add3A_273 : i32 to index
          %get3A_398 = tpu.vector_load %arg5[%get3A_396, %get3A_397] {strides = array<i32>} : memref<32x1024xf32, #tpu.memory_space<vmem>>, vector<1x16xf32>,
          %get3A_399 = vector.shape_cast %get3A_398 : vector<1x16xf32> to vector<16xf32>
          %mul3A_400 = vector.broadcast %squeeze3A_101 : f32 to vector<16xf32>
          %mul3A_401 = arith.mulf %get3A_399, %mul3A_400 : vector<16xf32>
          %add3A_402 = arith.addf %add3A_393, %mul3A_401 : vector<16xf32>
          %add3A_403 = arith.constant 14 : i32
          %add3A_404 = arith.addi %mul3A_71, %add3A_403 : i32
          %get3A_405 = arith.index_cast %add3A_404 : i32 to index
          %get3A_406 = arith.index_cast %add3A_273 : i32 to index
          %get3A_407 = tpu.vector_load %arg5[%get3A_405, %get3A_406] {strides = array<i32>} : memref<32x1024xf32, #tpu.memory_space<vmem>>, vector<1x16xf32>,
          %get3A_408 = vector.shape_cast %get3A_407 : vector<1x16xf32> to vector<16xf32>
          %mul3A_409 = vector.broadcast %squeeze3A_103 : f32 to vector<16xf32>
          %mul3A_410 = arith.mulf %get3A_408, %mul3A_409 : vector<16xf32>
          %add3A_411 = arith.addf %add3A_402, %mul3A_410 : vector<16xf32>
          %add3A_412 = arith.constant 15 : i32
          %add3A_413 = arith.addi %mul3A_71, %add3A_412 : i32
          %get3A_414 = arith.index_cast %add3A_413 : i32 to index
          %get3A_415 = arith.index_cast %add3A_273 : i32 to index
          %get3A_416 = tpu.vector_load %arg5[%get3A_414, %get3A_415] {strides = array<i32>} : memref<32x1024xf32, #tpu.memory_space<vmem>>, vector<1x16xf32>,
          %get3A_417 = vector.shape_cast %get3A_416 : vector<1x16xf32> to vector<16xf32>
          %mul3A_418 = vector.broadcast %squeeze3A_105 : f32 to vector<16xf32>
          %mul3A_419 = arith.mulf %get3A_417, %mul3A_418 : vector<16xf32>
          %add3A_420 = arith.addf %add3A_411, %mul3A_419 : vector<16xf32>
          %swap3A_421 = arith.index_cast %add3A_273 : i32 to index
          %swap3A_422 = tpu.vector_load %arg8[%swap3A_421] {strides = array<i32>} : memref<1024xf32, #tpu.memory_space<vmem>>, vector<16xf32>,
          %swap3A_423 = vector.shape_cast %swap3A_422 : vector<16xf32> to vector<16xf32>
          %swap3A_424 = vector.shape_cast %add3A_420 : vector<16xf32> to vector<16xf32>
          tpu.vector_store %arg8[%swap3A_421], %swap3A_424 {strides = array<i32>} : memref<1024xf32, #tpu.memory_space<vmem>>, vector<16xf32>,
          %mul3A_425 = arith.constant 64 : i32
          %mul3A_426 = arith.muli %scan3A_114, %mul3A_425 : i32
          %add3A_427 = arith.constant 32 : i32
          %add3A_428 = arith.addi %mul3A_426, %add3A_427 : i32
          %get3A_429 = arith.index_cast %add3A_428 : i32 to index
          %get3A_430 = tpu.vector_load %arg8[%get3A_429] {strides = array<i32>} : memref<1024xf32, #tpu.memory_space<vmem>>, vector<16xf32>,
          %get3A_431 = vector.shape_cast %get3A_430 : vector<16xf32> to vector<16xf32>
          %add3A_432 = arith.constant 0 : i32
          %add3A_433 = arith.addi %mul3A_71, %add3A_432 : i32
          %get3A_434 = arith.index_cast %add3A_433 : i32 to index
          %get3A_435 = arith.index_cast %add3A_428 : i32 to index
          %get3A_436 = tpu.vector_load %arg5[%get3A_434, %get3A_435] {strides = array<i32>} : memref<32x1024xf32, #tpu.memory_space<vmem>>, vector<1x16xf32>,
          %get3A_437 = vector.shape_cast %get3A_436 : vector<1x16xf32> to vector<16xf32>
          %mul3A_438 = vector.broadcast %squeeze3A : f32 to vector<16xf32>
          %mul3A_439 = arith.mulf %get3A_437, %mul3A_438 : vector<16xf32>
          %add3A_440 = arith.addf %get3A_431, %mul3A_439 : vector<16xf32>
          %add3A_441 = arith.constant 1 : i32
          %add3A_442 = arith.addi %mul3A_71, %add3A_441 : i32
          %get3A_443 = arith.index_cast %add3A_442 : i32 to index
          %get3A_444 = arith.index_cast %add3A_428 : i32 to index
          %get3A_445 = tpu.vector_load %arg5[%get3A_443, %get3A_444] {strides = array<i32>} : memref<32x1024xf32, #tpu.memory_space<vmem>>, vector<1x16xf32>,
          %get3A_446 = vector.shape_cast %get3A_445 : vector<1x16xf32> to vector<16xf32>
          %mul3A_447 = vector.broadcast %squeeze3A_77 : f32 to vector<16xf32>
          %mul3A_448 = arith.mulf %get3A_446, %mul3A_447 : vector<16xf32>
          %add3A_449 = arith.addf %add3A_440, %mul3A_448 : vector<16xf32>
          %add3A_450 = arith.constant 2 : i32
          %add3A_451 = arith.addi %mul3A_71, %add3A_450 : i32
          %get3A_452 = arith.index_cast %add3A_451 : i32 to index
          %get3A_453 = arith.index_cast %add3A_428 : i32 to index
          %get3A_454 = tpu.vector_load %arg5[%get3A_452, %get3A_453] {strides = array<i32>} : memref<32x1024xf32, #tpu.memory_space<vmem>>, vector<1x16xf32>,
          %get3A_455 = vector.shape_cast %get3A_454 : vector<1x16xf32> to vector<16xf32>
          %mul3A_456 = vector.broadcast %squeeze3A_79 : f32 to vector<16xf32>
          %mul3A_457 = arith.mulf %get3A_455, %mul3A_456 : vector<16xf32>
          %add3A_458 = arith.addf %add3A_449, %mul3A_457 : vector<16xf32>
          %add3A_459 = arith.constant 3 : i32
          %add3A_460 = arith.addi %mul3A_71, %add3A_459 : i32
          %get3A_461 = arith.index_cast %add3A_460 : i32 to index
          %get3A_462 = arith.index_cast %add3A_428 : i32 to index
          %get3A_463 = tpu.vector_load %arg5[%get3A_461, %get3A_462] {strides = array<i32>} : memref<32x1024xf32, #tpu.memory_space<vmem>>, vector<1x16xf32>,
          %get3A_464 = vector.shape_cast %get3A_463 : vector<1x16xf32> to vector<16xf32>
          %mul3A_465 = vector.broadcast %squeeze3A_81 : f32 to vector<16xf32>
          %mul3A_466 = arith.mulf %get3A_464, %mul3A_465 : vector<16xf32>
          %add3A_467 = arith.addf %add3A_458, %mul3A_466 : vector<16xf32>
          %add3A_468 = arith.constant 4 : i32
          %add3A_469 = arith.addi %mul3A_71, %add3A_468 : i32
          %get3A_470 = arith.index_cast %add3A_469 : i32 to index
          %get3A_471 = arith.index_cast %add3A_428 : i32 to index
          %get3A_472 = tpu.vector_load %arg5[%get3A_470, %get3A_471] {strides = array<i32>} : memref<32x1024xf32, #tpu.memory_space<vmem>>, vector<1x16xf32>,
          %get3A_473 = vector.shape_cast %get3A_472 : vector<1x16xf32> to vector<16xf32>
          %mul3A_474 = vector.broadcast %squeeze3A_83 : f32 to vector<16xf32>
          %mul3A_475 = arith.mulf %get3A_473, %mul3A_474 : vector<16xf32>
          %add3A_476 = arith.addf %add3A_467, %mul3A_475 : vector<16xf32>
          %add3A_477 = arith.constant 5 : i32
          %add3A_478 = arith.addi %mul3A_71, %add3A_477 : i32
          %get3A_479 = arith.index_cast %add3A_478 : i32 to index
          %get3A_480 = arith.index_cast %add3A_428 : i32 to index
          %get3A_481 = tpu.vector_load %arg5[%get3A_479, %get3A_480] {strides = array<i32>} : memref<32x1024xf32, #tpu.memory_space<vmem>>, vector<1x16xf32>,
          %get3A_482 = vector.shape_cast %get3A_481 : vector<1x16xf32> to vector<16xf32>
          %mul3A_483 = vector.broadcast %squeeze3A_85 : f32 to vector<16xf32>
          %mul3A_484 = arith.mulf %get3A_482, %mul3A_483 : vector<16xf32>
          %add3A_485 = arith.addf %add3A_476, %mul3A_484 : vector<16xf32>
          %add3A_486 = arith.constant 6 : i32
          %add3A_487 = arith.addi %mul3A_71, %add3A_486 : i32
          %get3A_488 = arith.index_cast %add3A_487 : i32 to index
          %get3A_489 = arith.index_cast %add3A_428 : i32 to index
          %get3A_490 = tpu.vector_load %arg5[%get3A_488, %get3A_489] {strides = array<i32>} : memref<32x1024xf32, #tpu.memory_space<vmem>>, vector<1x16xf32>,
          %get3A_491 = vector.shape_cast %get3A_490 : vector<1x16xf32> to vector<16xf32>
          %mul3A_492 = vector.broadcast %squeeze3A_87 : f32 to vector<16xf32>
          %mul3A_493 = arith.mulf %get3A_491, %mul3A_492 : vector<16xf32>
          %add3A_494 = arith.addf %add3A_485, %mul3A_493 : vector<16xf32>
          %add3A_495 = arith.constant 7 : i32
          %add3A_496 = arith.addi %mul3A_71, %add3A_495 : i32
          %get3A_497 = arith.index_cast %add3A_496 : i32 to index
          %get3A_498 = arith.index_cast %add3A_428 : i32 to index
          %get3A_499 = tpu.vector_load %arg5[%get3A_497, %get3A_498] {strides = array<i32>} : memref<32x1024xf32, #tpu.memory_space<vmem>>, vector<1x16xf32>,
          %get3A_500 = vector.shape_cast %get3A_499 : vector<1x16xf32> to vector<16xf32>
          %mul3A_501 = vector.broadcast %squeeze3A_89 : f32 to vector<16xf32>
          %mul3A_502 = arith.mulf %get3A_500, %mul3A_501 : vector<16xf32>
          %add3A_503 = arith.addf %add3A_494, %mul3A_502 : vector<16xf32>
          %add3A_504 = arith.constant 8 : i32
          %add3A_505 = arith.addi %mul3A_71, %add3A_504 : i32
          %get3A_506 = arith.index_cast %add3A_505 : i32 to index
          %get3A_507 = arith.index_cast %add3A_428 : i32 to index
          %get3A_508 = tpu.vector_load %arg5[%get3A_506, %get3A_507] {strides = array<i32>} : memref<32x1024xf32, #tpu.memory_space<vmem>>, vector<1x16xf32>,
          %get3A_509 = vector.shape_cast %get3A_508 : vector<1x16xf32> to vector<16xf32>
          %mul3A_510 = vector.broadcast %squeeze3A_91 : f32 to vector<16xf32>
          %mul3A_511 = arith.mulf %get3A_509, %mul3A_510 : vector<16xf32>
          %add3A_512 = arith.addf %add3A_503, %mul3A_511 : vector<16xf32>
          %add3A_513 = arith.constant 9 : i32
          %add3A_514 = arith.addi %mul3A_71, %add3A_513 : i32
          %get3A_515 = arith.index_cast %add3A_514 : i32 to index
          %get3A_516 = arith.index_cast %add3A_428 : i32 to index
          %get3A_517 = tpu.vector_load %arg5[%get3A_515, %get3A_516] {strides = array<i32>} : memref<32x1024xf32, #tpu.memory_space<vmem>>, vector<1x16xf32>,
          %get3A_518 = vector.shape_cast %get3A_517 : vector<1x16xf32> to vector<16xf32>
          %mul3A_519 = vector.broadcast %squeeze3A_93 : f32 to vector<16xf32>
          %mul3A_520 = arith.mulf %get3A_518, %mul3A_519 : vector<16xf32>
          %add3A_521 = arith.addf %add3A_512, %mul3A_520 : vector<16xf32>
          %add3A_522 = arith.constant 10 : i32
          %add3A_523 = arith.addi %mul3A_71, %add3A_522 : i32
          %get3A_524 = arith.index_cast %add3A_523 : i32 to index
          %get3A_525 = arith.index_cast %add3A_428 : i32 to index
          %get3A_526 = tpu.vector_load %arg5[%get3A_524, %get3A_525] {strides = array<i32>} : memref<32x1024xf32, #tpu.memory_space<vmem>>, vector<1x16xf32>,
          %get3A_527 = vector.shape_cast %get3A_526 : vector<1x16xf32> to vector<16xf32>
          %mul3A_528 = vector.broadcast %squeeze3A_95 : f32 to vector<16xf32>
          %mul3A_529 = arith.mulf %get3A_527, %mul3A_528 : vector<16xf32>
          %add3A_530 = arith.addf %add3A_521, %mul3A_529 : vector<16xf32>
          %add3A_531 = arith.constant 11 : i32
          %add3A_532 = arith.addi %mul3A_71, %add3A_531 : i32
          %get3A_533 = arith.index_cast %add3A_532 : i32 to index
          %get3A_534 = arith.index_cast %add3A_428 : i32 to index
          %get3A_535 = tpu.vector_load %arg5[%get3A_533, %get3A_534] {strides = array<i32>} : memref<32x1024xf32, #tpu.memory_space<vmem>>, vector<1x16xf32>,
          %get3A_536 = vector.shape_cast %get3A_535 : vector<1x16xf32> to vector<16xf32>
          %mul3A_537 = vector.broadcast %squeeze3A_97 : f32 to vector<16xf32>
          %mul3A_538 = arith.mulf %get3A_536, %mul3A_537 : vector<16xf32>
          %add3A_539 = arith.addf %add3A_530, %mul3A_538 : vector<16xf32>
          %add3A_540 = arith.constant 12 : i32
          %add3A_541 = arith.addi %mul3A_71, %add3A_540 : i32
          %get3A_542 = arith.index_cast %add3A_541 : i32 to index
          %get3A_543 = arith.index_cast %add3A_428 : i32 to index
          %get3A_544 = tpu.vector_load %arg5[%get3A_542, %get3A_543] {strides = array<i32>} : memref<32x1024xf32, #tpu.memory_space<vmem>>, vector<1x16xf32>,
          %get3A_545 = vector.shape_cast %get3A_544 : vector<1x16xf32> to vector<16xf32>
          %mul3A_546 = vector.broadcast %squeeze3A_99 : f32 to vector<16xf32>
          %mul3A_547 = arith.mulf %get3A_545, %mul3A_546 : vector<16xf32>
          %add3A_548 = arith.addf %add3A_539, %mul3A_547 : vector<16xf32>
          %add3A_549 = arith.constant 13 : i32
          %add3A_550 = arith.addi %mul3A_71, %add3A_549 : i32
          %get3A_551 = arith.index_cast %add3A_550 : i32 to index
          %get3A_552 = arith.index_cast %add3A_428 : i32 to index
          %get3A_553 = tpu.vector_load %arg5[%get3A_551, %get3A_552] {strides = array<i32>} : memref<32x1024xf32, #tpu.memory_space<vmem>>, vector<1x16xf32>,
          %get3A_554 = vector.shape_cast %get3A_553 : vector<1x16xf32> to vector<16xf32>
          %mul3A_555 = vector.broadcast %squeeze3A_101 : f32 to vector<16xf32>
          %mul3A_556 = arith.mulf %get3A_554, %mul3A_555 : vector<16xf32>
          %add3A_557 = arith.addf %add3A_548, %mul3A_556 : vector<16xf32>
          %add3A_558 = arith.constant 14 : i32
          %add3A_559 = arith.addi %mul3A_71, %add3A_558 : i32
          %get3A_560 = arith.index_cast %add3A_559 : i32 to index
          %get3A_561 = arith.index_cast %add3A_428 : i32 to index
          %get3A_562 = tpu.vector_load %arg5[%get3A_560, %get3A_561] {strides = array<i32>} : memref<32x1024xf32, #tpu.memory_space<vmem>>, vector<1x16xf32>,
          %get3A_563 = vector.shape_cast %get3A_562 : vector<1x16xf32> to vector<16xf32>
          %mul3A_564 = vector.broadcast %squeeze3A_103 : f32 to vector<16xf32>
          %mul3A_565 = arith.mulf %get3A_563, %mul3A_564 : vector<16xf32>
          %add3A_566 = arith.addf %add3A_557, %mul3A_565 : vector<16xf32>
          %add3A_567 = arith.constant 15 : i32
          %add3A_568 = arith.addi %mul3A_71, %add3A_567 : i32
          %get3A_569 = arith.index_cast %add3A_568 : i32 to index
          %get3A_570 = arith.index_cast %add3A_428 : i32 to index
          %get3A_571 = tpu.vector_load %arg5[%get3A_569, %get3A_570] {strides = array<i32>} : memref<32x1024xf32, #tpu.memory_space<vmem>>, vector<1x16xf32>,
          %get3A_572 = vector.shape_cast %get3A_571 : vector<1x16xf32> to vector<16xf32>
          %mul3A_573 = vector.broadcast %squeeze3A_105 : f32 to vector<16xf32>
          %mul3A_574 = arith.mulf %get3A_572, %mul3A_573 : vector<16xf32>
          %add3A_575 = arith.addf %add3A_566, %mul3A_574 : vector<16xf32>
          %swap3A_576 = arith.index_cast %add3A_428 : i32 to index
          %swap3A_577 = tpu.vector_load %arg8[%swap3A_576] {strides = array<i32>} : memref<1024xf32, #tpu.memory_space<vmem>>, vector<16xf32>,
          %swap3A_578 = vector.shape_cast %swap3A_577 : vector<16xf32> to vector<16xf32>
          %swap3A_579 = vector.shape_cast %add3A_575 : vector<16xf32> to vector<16xf32>
          tpu.vector_store %arg8[%swap3A_576], %swap3A_579 {strides = array<i32>} : memref<1024xf32, #tpu.memory_space<vmem>>, vector<16xf32>,
          %mul3A_580 = arith.constant 64 : i32
          %mul3A_581 = arith.muli %scan3A_114, %mul3A_580 : i32
          %add3A_582 = arith.constant 48 : i32
          %add3A_583 = arith.addi %mul3A_581, %add3A_582 : i32
          %get3A_584 = arith.index_cast %add3A_583 : i32 to index
          %get3A_585 = tpu.vector_load %arg8[%get3A_584] {strides = array<i32>} : memref<1024xf32, #tpu.memory_space<vmem>>, vector<16xf32>,
          %get3A_586 = vector.shape_cast %get3A_585 : vector<16xf32> to vector<16xf32>
          %add3A_587 = arith.constant 0 : i32
          %add3A_588 = arith.addi %mul3A_71, %add3A_587 : i32
          %get3A_589 = arith.index_cast %add3A_588 : i32 to index
          %get3A_590 = arith.index_cast %add3A_583 : i32 to index
          %get3A_591 = tpu.vector_load %arg5[%get3A_589, %get3A_590] {strides = array<i32>} : memref<32x1024xf32, #tpu.memory_space<vmem>>, vector<1x16xf32>,
          %get3A_592 = vector.shape_cast %get3A_591 : vector<1x16xf32> to vector<16xf32>
          %mul3A_593 = vector.broadcast %squeeze3A : f32 to vector<16xf32>
          %mul3A_594 = arith.mulf %get3A_592, %mul3A_593 : vector<16xf32>
          %add3A_595 = arith.addf %get3A_586, %mul3A_594 : vector<16xf32>
          %add3A_596 = arith.constant 1 : i32
          %add3A_597 = arith.addi %mul3A_71, %add3A_596 : i32
          %get3A_598 = arith.index_cast %add3A_597 : i32 to index
          %get3A_599 = arith.index_cast %add3A_583 : i32 to index
          %get3A_600 = tpu.vector_load %arg5[%get3A_598, %get3A_599] {strides = array<i32>} : memref<32x1024xf32, #tpu.memory_space<vmem>>, vector<1x16xf32>,
          %get3A_601 = vector.shape_cast %get3A_600 : vector<1x16xf32> to vector<16xf32>
          %mul3A_602 = vector.broadcast %squeeze3A_77 : f32 to vector<16xf32>
          %mul3A_603 = arith.mulf %get3A_601, %mul3A_602 : vector<16xf32>
          %add3A_604 = arith.addf %add3A_595, %mul3A_603 : vector<16xf32>
          %add3A_605 = arith.constant 2 : i32
          %add3A_606 = arith.addi %mul3A_71, %add3A_605 : i32
          %get3A_607 = arith.index_cast %add3A_606 : i32 to index
          %get3A_608 = arith.index_cast %add3A_583 : i32 to index
          %get3A_609 = tpu.vector_load %arg5[%get3A_607, %get3A_608] {strides = array<i32>} : memref<32x1024xf32, #tpu.memory_space<vmem>>, vector<1x16xf32>,
          %get3A_610 = vector.shape_cast %get3A_609 : vector<1x16xf32> to vector<16xf32>
          %mul3A_611 = vector.broadcast %squeeze3A_79 : f32 to vector<16xf32>
          %mul3A_612 = arith.mulf %get3A_610, %mul3A_611 : vector<16xf32>
          %add3A_613 = arith.addf %add3A_604, %mul3A_612 : vector<16xf32>
          %add3A_614 = arith.constant 3 : i32
          %add3A_615 = arith.addi %mul3A_71, %add3A_614 : i32
          %get3A_616 = arith.index_cast %add3A_615 : i32 to index
          %get3A_617 = arith.index_cast %add3A_583 : i32 to index
          %get3A_618 = tpu.vector_load %arg5[%get3A_616, %get3A_617] {strides = array<i32>} : memref<32x1024xf32, #tpu.memory_space<vmem>>, vector<1x16xf32>,
          %get3A_619 = vector.shape_cast %get3A_618 : vector<1x16xf32> to vector<16xf32>
          %mul3A_620 = vector.broadcast %squeeze3A_81 : f32 to vector<16xf32>
          %mul3A_621 = arith.mulf %get3A_619, %mul3A_620 : vector<16xf32>
          %add3A_622 = arith.addf %add3A_613, %mul3A_621 : vector<16xf32>
          %add3A_623 = arith.constant 4 : i32
          %add3A_624 = arith.addi %mul3A_71, %add3A_623 : i32
          %get3A_625 = arith.index_cast %add3A_624 : i32 to index
          %get3A_626 = arith.index_cast %add3A_583 : i32 to index
          %get3A_627 = tpu.vector_load %arg5[%get3A_625, %get3A_626] {strides = array<i32>} : memref<32x1024xf32, #tpu.memory_space<vmem>>, vector<1x16xf32>,
          %get3A_628 = vector.shape_cast %get3A_627 : vector<1x16xf32> to vector<16xf32>
          %mul3A_629 = vector.broadcast %squeeze3A_83 : f32 to vector<16xf32>
          %mul3A_630 = arith.mulf %get3A_628, %mul3A_629 : vector<16xf32>
          %add3A_631 = arith.addf %add3A_622, %mul3A_630 : vector<16xf32>
          %add3A_632 = arith.constant 5 : i32
          %add3A_633 = arith.addi %mul3A_71, %add3A_632 : i32
          %get3A_634 = arith.index_cast %add3A_633 : i32 to index
          %get3A_635 = arith.index_cast %add3A_583 : i32 to index
          %get3A_636 = tpu.vector_load %arg5[%get3A_634, %get3A_635] {strides = array<i32>} : memref<32x1024xf32, #tpu.memory_space<vmem>>, vector<1x16xf32>,
          %get3A_637 = vector.shape_cast %get3A_636 : vector<1x16xf32> to vector<16xf32>
          %mul3A_638 = vector.broadcast %squeeze3A_85 : f32 to vector<16xf32>
          %mul3A_639 = arith.mulf %get3A_637, %mul3A_638 : vector<16xf32>
          %add3A_640 = arith.addf %add3A_631, %mul3A_639 : vector<16xf32>
          %add3A_641 = arith.constant 6 : i32
          %add3A_642 = arith.addi %mul3A_71, %add3A_641 : i32
          %get3A_643 = arith.index_cast %add3A_642 : i32 to index
          %get3A_644 = arith.index_cast %add3A_583 : i32 to index
          %get3A_645 = tpu.vector_load %arg5[%get3A_643, %get3A_644] {strides = array<i32>} : memref<32x1024xf32, #tpu.memory_space<vmem>>, vector<1x16xf32>,
          %get3A_646 = vector.shape_cast %get3A_645 : vector<1x16xf32> to vector<16xf32>
          %mul3A_647 = vector.broadcast %squeeze3A_87 : f32 to vector<16xf32>
          %mul3A_648 = arith.mulf %get3A_646, %mul3A_647 : vector<16xf32>
          %add3A_649 = arith.addf %add3A_640, %mul3A_648 : vector<16xf32>
          %add3A_650 = arith.constant 7 : i32
          %add3A_651 = arith.addi %mul3A_71, %add3A_650 : i32
          %get3A_652 = arith.index_cast %add3A_651 : i32 to index
          %get3A_653 = arith.index_cast %add3A_583 : i32 to index
          %get3A_654 = tpu.vector_load %arg5[%get3A_652, %get3A_653] {strides = array<i32>} : memref<32x1024xf32, #tpu.memory_space<vmem>>, vector<1x16xf32>,
          %get3A_655 = vector.shape_cast %get3A_654 : vector<1x16xf32> to vector<16xf32>
          %mul3A_656 = vector.broadcast %squeeze3A_89 : f32 to vector<16xf32>
          %mul3A_657 = arith.mulf %get3A_655, %mul3A_656 : vector<16xf32>
          %add3A_658 = arith.addf %add3A_649, %mul3A_657 : vector<16xf32>
          %add3A_659 = arith.constant 8 : i32
          %add3A_660 = arith.addi %mul3A_71, %add3A_659 : i32
          %get3A_661 = arith.index_cast %add3A_660 : i32 to index
          %get3A_662 = arith.index_cast %add3A_583 : i32 to index
          %get3A_663 = tpu.vector_load %arg5[%get3A_661, %get3A_662] {strides = array<i32>} : memref<32x1024xf32, #tpu.memory_space<vmem>>, vector<1x16xf32>,
          %get3A_664 = vector.shape_cast %get3A_663 : vector<1x16xf32> to vector<16xf32>
          %mul3A_665 = vector.broadcast %squeeze3A_91 : f32 to vector<16xf32>
          %mul3A_666 = arith.mulf %get3A_664, %mul3A_665 : vector<16xf32>
          %add3A_667 = arith.addf %add3A_658, %mul3A_666 : vector<16xf32>
          %add3A_668 = arith.constant 9 : i32
          %add3A_669 = arith.addi %mul3A_71, %add3A_668 : i32
          %get3A_670 = arith.index_cast %add3A_669 : i32 to index
          %get3A_671 = arith.index_cast %add3A_583 : i32 to index
          %get3A_672 = tpu.vector_load %arg5[%get3A_670, %get3A_671] {strides = array<i32>} : memref<32x1024xf32, #tpu.memory_space<vmem>>, vector<1x16xf32>,
          %get3A_673 = vector.shape_cast %get3A_672 : vector<1x16xf32> to vector<16xf32>
          %mul3A_674 = vector.broadcast %squeeze3A_93 : f32 to vector<16xf32>
          %mul3A_675 = arith.mulf %get3A_673, %mul3A_674 : vector<16xf32>
          %add3A_676 = arith.addf %add3A_667, %mul3A_675 : vector<16xf32>
          %add3A_677 = arith.constant 10 : i32
          %add3A_678 = arith.addi %mul3A_71, %add3A_677 : i32
          %get3A_679 = arith.index_cast %add3A_678 : i32 to index
          %get3A_680 = arith.index_cast %add3A_583 : i32 to index
          %get3A_681 = tpu.vector_load %arg5[%get3A_679, %get3A_680] {strides = array<i32>} : memref<32x1024xf32, #tpu.memory_space<vmem>>, vector<1x16xf32>,
          %get3A_682 = vector.shape_cast %get3A_681 : vector<1x16xf32> to vector<16xf32>
          %mul3A_683 = vector.broadcast %squeeze3A_95 : f32 to vector<16xf32>
          %mul3A_684 = arith.mulf %get3A_682, %mul3A_683 : vector<16xf32>
          %add3A_685 = arith.addf %add3A_676, %mul3A_684 : vector<16xf32>
          %add3A_686 = arith.constant 11 : i32
          %add3A_687 = arith.addi %mul3A_71, %add3A_686 : i32
          %get3A_688 = arith.index_cast %add3A_687 : i32 to index
          %get3A_689 = arith.index_cast %add3A_583 : i32 to index
          %get3A_690 = tpu.vector_load %arg5[%get3A_688, %get3A_689] {strides = array<i32>} : memref<32x1024xf32, #tpu.memory_space<vmem>>, vector<1x16xf32>,
          %get3A_691 = vector.shape_cast %get3A_690 : vector<1x16xf32> to vector<16xf32>
          %mul3A_692 = vector.broadcast %squeeze3A_97 : f32 to vector<16xf32>
          %mul3A_693 = arith.mulf %get3A_691, %mul3A_692 : vector<16xf32>
          %add3A_694 = arith.addf %add3A_685, %mul3A_693 : vector<16xf32>
          %add3A_695 = arith.constant 12 : i32
          %add3A_696 = arith.addi %mul3A_71, %add3A_695 : i32
          %get3A_697 = arith.index_cast %add3A_696 : i32 to index
          %get3A_698 = arith.index_cast %add3A_583 : i32 to index
          %get3A_699 = tpu.vector_load %arg5[%get3A_697, %get3A_698] {strides = array<i32>} : memref<32x1024xf32, #tpu.memory_space<vmem>>, vector<1x16xf32>,
          %get3A_700 = vector.shape_cast %get3A_699 : vector<1x16xf32> to vector<16xf32>
          %mul3A_701 = vector.broadcast %squeeze3A_99 : f32 to vector<16xf32>
          %mul3A_702 = arith.mulf %get3A_700, %mul3A_701 : vector<16xf32>
          %add3A_703 = arith.addf %add3A_694, %mul3A_702 : vector<16xf32>
          %add3A_704 = arith.constant 13 : i32
          %add3A_705 = arith.addi %mul3A_71, %add3A_704 : i32
          %get3A_706 = arith.index_cast %add3A_705 : i32 to index
          %get3A_707 = arith.index_cast %add3A_583 : i32 to index
          %get3A_708 = tpu.vector_load %arg5[%get3A_706, %get3A_707] {strides = array<i32>} : memref<32x1024xf32, #tpu.memory_space<vmem>>, vector<1x16xf32>,
          %get3A_709 = vector.shape_cast %get3A_708 : vector<1x16xf32> to vector<16xf32>
          %mul3A_710 = vector.broadcast %squeeze3A_101 : f32 to vector<16xf32>
          %mul3A_711 = arith.mulf %get3A_709, %mul3A_710 : vector<16xf32>
          %add3A_712 = arith.addf %add3A_703, %mul3A_711 : vector<16xf32>
          %add3A_713 = arith.constant 14 : i32
          %add3A_714 = arith.addi %mul3A_71, %add3A_713 : i32
          %get3A_715 = arith.index_cast %add3A_714 : i32 to index
          %get3A_716 = arith.index_cast %add3A_583 : i32 to index
          %get3A_717 = tpu.vector_load %arg5[%get3A_715, %get3A_716] {strides = array<i32>} : memref<32x1024xf32, #tpu.memory_space<vmem>>, vector<1x16xf32>,
          %get3A_718 = vector.shape_cast %get3A_717 : vector<1x16xf32> to vector<16xf32>
          %mul3A_719 = vector.broadcast %squeeze3A_103 : f32 to vector<16xf32>
          %mul3A_720 = arith.mulf %get3A_718, %mul3A_719 : vector<16xf32>
          %add3A_721 = arith.addf %add3A_712, %mul3A_720 : vector<16xf32>
          %add3A_722 = arith.constant 15 : i32
          %add3A_723 = arith.addi %mul3A_71, %add3A_722 : i32
          %get3A_724 = arith.index_cast %add3A_723 : i32 to index
          %get3A_725 = arith.index_cast %add3A_583 : i32 to index
          %get3A_726 = tpu.vector_load %arg5[%get3A_724, %get3A_725] {strides = array<i32>} : memref<32x1024xf32, #tpu.memory_space<vmem>>, vector<1x16xf32>,
          %get3A_727 = vector.shape_cast %get3A_726 : vector<1x16xf32> to vector<16xf32>
          %mul3A_728 = vector.broadcast %squeeze3A_105 : f32 to vector<16xf32>
          %mul3A_729 = arith.mulf %get3A_727, %mul3A_728 : vector<16xf32>
          %add3A_730 = arith.addf %add3A_721, %mul3A_729 : vector<16xf32>
          %swap3A_731 = arith.index_cast %add3A_583 : i32 to index
          %swap3A_732 = tpu.vector_load %arg8[%swap3A_731] {strides = array<i32>} : memref<1024xf32, #tpu.memory_space<vmem>>, vector<16xf32>,
          %swap3A_733 = vector.shape_cast %swap3A_732 : vector<16xf32> to vector<16xf32>
          %swap3A_734 = vector.shape_cast %add3A_730 : vector<16xf32> to vector<16xf32>
          tpu.vector_store %arg8[%swap3A_731], %swap3A_734 {strides = array<i32>} : memref<1024xf32, #tpu.memory_space<vmem>>, vector<16xf32>,
          %scan3A_735 = arith.constant 0 : i32
          scf.yield %scan3A_735 : i32
        }
        %scan3A_112 = arith.constant 16 : i32
        %scan3A_113 = arith.constant 0 : i32
        scf.yield %scan3A_113 : i32
      }
      %scan3A_66 = arith.constant 2 : i32
      "tpu.region"() ({
        %run_scoped3A = tpu.sem_alloc : memref<!tpu.dma_semaphore, #tpu.memory_space<semaphore_mem>>
        %dma_start3A_68 = arith.constant 0 : i32
        %dma_start3A_69 = tpu.memref_slice %arg4[%sub3A_30, %select_n3A, %dma_start3A_68] : memref<4x24x1024xf32, #tpu.memory_space<hbm>> -> memref<1x1x1024xf32, #tpu.memory_space<hbm>>
        %dma_start3A_70 = tpu.memref_squeeze %dma_start3A_69 : memref<1x1x1024xf32, #tpu.memory_space<hbm>> -> memref<1024xf32, #tpu.memory_space<hbm>>
        %dma_start3A_71 = arith.constant 0 : i32
        %dma_start3A_72 = tpu.memref_slice %arg4[%sub3A_30, %select_n3A, %dma_start3A_71] : memref<4x24x1024xf32, #tpu.memory_space<hbm>> -> memref<1x1x1024xf32, #tpu.memory_space<hbm>>
        %dma_start3A_73 = tpu.memref_squeeze %dma_start3A_72 : memref<1x1x1024xf32, #tpu.memory_space<hbm>> -> memref<1024xf32, #tpu.memory_space<hbm>>
        tpu.enqueue_dma source(%arg8 : memref<1024xf32, #tpu.memory_space<vmem>>) target(%dma_start3A_73 : memref<1024xf32, #tpu.memory_space<hbm>>) target_semaphore(%run_scoped3A : memref<!tpu.dma_semaphore, #tpu.memory_space<semaphore_mem>>)
        %dma_wait3A_74 = arith.constant 0 : i32
        %dma_wait3A_75 = tpu.memref_slice %arg4[%sub3A_30, %select_n3A, %dma_wait3A_74] : memref<4x24x1024xf32, #tpu.memory_space<hbm>> -> memref<1x1x1024xf32, #tpu.memory_space<hbm>>
        %dma_wait3A_76 = tpu.memref_squeeze %dma_wait3A_75 : memref<1x1x1024xf32, #tpu.memory_space<hbm>> -> memref<1024xf32, #tpu.memory_space<hbm>>
        %dma_wait3A_77 = arith.constant 0 : i32
        %dma_wait3A_78 = tpu.memref_slice %arg4[%sub3A_30, %select_n3A, %dma_wait3A_77] : memref<4x24x1024xf32, #tpu.memory_space<hbm>> -> memref<1x1x1024xf32, #tpu.memory_space<hbm>>
        %dma_wait3A_79 = tpu.memref_squeeze %dma_wait3A_78 : memref<1x1x1024xf32, #tpu.memory_space<hbm>> -> memref<1024xf32, #tpu.memory_space<hbm>>
        tpu.wait_dma2 semaphore(%run_scoped3A : memref<!tpu.dma_semaphore, #tpu.memory_space<semaphore_mem>>) src(%arg8 : memref<1024xf32, #tpu.memory_space<vmem>>) dst(%dma_wait3A_79 : memref<1024xf32, #tpu.memory_space<hbm>>)
        tpu.yield
      }) : () -> ()
      %scan3A_67 = arith.constant 0 : i32
      scf.yield %scan3A_67 : i32
    }
    %scan3A_6 = arith.constant 3 : i32
    return
  }
}

module attributes {stable_mosaic.version = 14 : i64} {
  func.func @body(%arg0: i32, %arg1: i32, %arg2: memref<1x1x2048xf32, #tpu.memory_space<vmem>>, %arg3: memref<1x288x1024xf32, #tpu.memory_space<vmem>>, %arg4: memref<1x288x1024xf32, #tpu.memory_space<vmem>>, %arg5: memref<1x1x1024xf32, #tpu.memory_space<vmem>>) attributes {dimension_semantics = [#tpu.dimension_semantics<arbitrary>, #tpu.dimension_semantics<arbitrary>], iteration_bounds = array<i64: 24, 2>, scalar_prefetch = 0 : i64, scratch_operands = 0 : i64, tpu.core_type = #tpu.core_type<tc>, window_params = [{transform_indices = @transform_0, window_bounds = array<i64: 1, 1, 2048>}, {transform_indices = @transform_1, window_bounds = array<i64: 1, 288, 1024>}, {transform_indices = @transform_2, window_bounds = array<i64: 1, 288, 1024>}, {transform_indices = @transform_3, window_bounds = array<i64: 1, 1, 1024>}]} {
    %eq3A = arith.constant 0 : i32
    %eq3A_0 = arith.cmpi eq, %arg1, %eq3A : i32
    %convert_element_type3A = arith.extui %eq3A_0 : i1 to i32
    %cond3A = arith.constant 0 : i32
    %cond3A_1 = arith.cmpi ne, %convert_element_type3A, %cond3A : i32
    scf.if %cond3A_1 {
      %broadcast_in_dim3A_33 = arith.constant 0.000000e+00 : f32
      %broadcast_in_dim3A_34 = vector.broadcast %broadcast_in_dim3A_33 : f32 to vector<1x1x1024xf32>
      %swap3A_35 = arith.constant 0 : index
      %swap3A_36 = arith.constant 0 : index
      %swap3A_37 = arith.constant 0 : index
      %swap3A_38 = vector.load %arg5[%swap3A_35, %swap3A_36, %swap3A_37] : memref<1x1x1024xf32, #tpu.memory_space<vmem>>, vector<1x1x1024xf32>
      tpu.vector_store %arg5[%swap3A_35, %swap3A_36, %swap3A_37], %broadcast_in_dim3A_34 {strides = array<i32>} : memref<1x1x1024xf32, #tpu.memory_space<vmem>>, vector<1x1x1024xf32>,
    } else {
    }
    %get3A = arith.constant 0 : index
    %get3A_2 = arith.constant 0 : index
    %get3A_3 = arith.constant 0 : index
    %get3A_4 = vector.load %arg2[%get3A, %get3A_2, %get3A_3] : memref<1x1x2048xf32, #tpu.memory_space<vmem>>, vector<1x1x2048xf32>
    %get3A_5 = vector.shape_cast %get3A_4 : vector<1x1x2048xf32> to vector<1x2048xf32>
    %slice3A = vector.extract_strided_slice %get3A_5 {offsets = [0, 0], sizes = [1, 576], strides = [1, 1]} : vector<1x2048xf32> to vector<1x576xf32>
    %eq3A_6 = arith.constant 1 : i32
    %eq3A_7 = arith.cmpi eq, %arg1, %eq3A_6 : i32
    %slice3A_8 = vector.extract_strided_slice %get3A_5 {offsets = [0, 576], sizes = [1, 576], strides = [1, 1]} : vector<1x2048xf32> to vector<1x576xf32>
    %select_n3A = arith.select %eq3A_7, %slice3A_8, %slice3A : vector<1x576xf32>
    %get3A_9 = arith.constant 0 : index
    %get3A_10 = arith.constant 0 : index
    %get3A_11 = arith.constant 0 : index
    %get3A_12 = vector.load %arg5[%get3A_9, %get3A_10, %get3A_11] : memref<1x1x1024xf32, #tpu.memory_space<vmem>>, vector<1x1x1024xf32>
    %slice3A_13 = vector.extract_strided_slice %select_n3A {offsets = [0, 0], sizes = [1, 288], strides = [1, 1]} : vector<1x576xf32> to vector<1x288xf32>
    %get3A_14 = arith.constant 0 : index
    %get3A_15 = arith.constant 0 : index
    %get3A_16 = arith.constant 0 : index
    %get3A_17 = vector.load %arg3[%get3A_14, %get3A_15, %get3A_16] : memref<1x288x1024xf32, #tpu.memory_space<vmem>>, vector<1x288x1024xf32>
    %get3A_18 = vector.shape_cast %get3A_17 : vector<1x288x1024xf32> to vector<288x1024xf32>
    %dot_general3A = arith.constant dense<0.000000e+00> : vector<1x1024xf32>
    %dot_general3A_19 = tpu.matmul %slice3A_13, %get3A_18, %dot_general3A {dimension_numbers = #tpu.dot_dimension_numbers<[1], [0], [0], [1], [0, 0, 1, 1], [], []>, precision = #tpu.contract_precision<fp32>, transpose_lhs_hint = false} : vector<1x288xf32>, vector<288x1024xf32>, vector<1x1024xf32> -> vector<1x1024xf32>
    %broadcast_in_dim3A = vector.shape_cast %dot_general3A_19 : vector<1x1024xf32> to vector<1x1x1024xf32>
    %add3A = arith.addf %get3A_12, %broadcast_in_dim3A : vector<1x1x1024xf32>
    %slice3A_20 = vector.extract_strided_slice %select_n3A {offsets = [0, 288], sizes = [1, 288], strides = [1, 1]} : vector<1x576xf32> to vector<1x288xf32>
    %get3A_21 = arith.constant 0 : index
    %get3A_22 = arith.constant 0 : index
    %get3A_23 = arith.constant 0 : index
    %get3A_24 = vector.load %arg4[%get3A_21, %get3A_22, %get3A_23] : memref<1x288x1024xf32, #tpu.memory_space<vmem>>, vector<1x288x1024xf32>
    %get3A_25 = vector.shape_cast %get3A_24 : vector<1x288x1024xf32> to vector<288x1024xf32>
    %dot_general3A_26 = arith.constant dense<0.000000e+00> : vector<1x1024xf32>
    %dot_general3A_27 = tpu.matmul %slice3A_20, %get3A_25, %dot_general3A_26 {dimension_numbers = #tpu.dot_dimension_numbers<[1], [0], [0], [1], [0, 0, 1, 1], [], []>, precision = #tpu.contract_precision<fp32>, transpose_lhs_hint = false} : vector<1x288xf32>, vector<288x1024xf32>, vector<1x1024xf32> -> vector<1x1024xf32>
    %broadcast_in_dim3A_28 = vector.shape_cast %dot_general3A_27 : vector<1x1024xf32> to vector<1x1x1024xf32>
    %add3A_29 = arith.addf %add3A, %broadcast_in_dim3A_28 : vector<1x1x1024xf32>
    %swap3A = arith.constant 0 : index
    %swap3A_30 = arith.constant 0 : index
    %swap3A_31 = arith.constant 0 : index
    %swap3A_32 = vector.load %arg5[%swap3A, %swap3A_30, %swap3A_31] : memref<1x1x1024xf32, #tpu.memory_space<vmem>>, vector<1x1x1024xf32>
    tpu.vector_store %arg5[%swap3A, %swap3A_30, %swap3A_31], %add3A_29 {strides = array<i32>} : memref<1x1x1024xf32, #tpu.memory_space<vmem>>, vector<1x1x1024xf32>,
    return
  }
  func.func @transform_0(%arg0: i32, %arg1: i32) -> (i32, i32, i32) {
    %c0_i32 = arith.constant 0 : i32
    %c0_i32_0 = arith.constant 0 : i32
    %c0_i32_1 = arith.constant 0 : i32
    return %arg0, %c0_i32, %c0_i32_0 : i32, i32, i32
  }
  func.func @transform_1(%arg0: i32, %arg1: i32) -> (i32, i32, i32) {
    %mul3A = arith.constant 2 : i32
    %mul3A_0 = arith.muli %mul3A, %arg1 : i32
    %add3A = arith.constant 0 : i32
    %add3A_1 = arith.addi %mul3A_0, %add3A : i32
    %c0_i32 = arith.constant 0 : i32
    %c0_i32_2 = arith.constant 0 : i32
    return %arg0, %add3A_1, %c0_i32 : i32, i32, i32
  }
  func.func @transform_2(%arg0: i32, %arg1: i32) -> (i32, i32, i32) {
    %mul3A = arith.constant 2 : i32
    %mul3A_0 = arith.muli %mul3A, %arg1 : i32
    %add3A = arith.constant 1 : i32
    %add3A_1 = arith.addi %mul3A_0, %add3A : i32
    %c0_i32 = arith.constant 0 : i32
    %c0_i32_2 = arith.constant 0 : i32
    return %arg0, %add3A_1, %c0_i32 : i32, i32, i32
  }
  func.func @transform_3(%arg0: i32, %arg1: i32) -> (i32, i32, i32) {
    %c0_i32 = arith.constant 0 : i32
    %c0_i32_0 = arith.constant 0 : i32
    %c0_i32_1 = arith.constant 0 : i32
    return %arg0, %c0_i32, %c0_i32_0 : i32, i32, i32
  }
}

module attributes {stable_mosaic.version = 14 : i64} {
  func.func @body(%arg0: memref<4x24x1024xf32, #tpu.memory_space<vmem>>, %arg1: memref<24x1x1024xf32, #tpu.memory_space<vmem>>, %arg2: memref<24x2048xf32, #tpu.memory_space<vmem>>, %arg3: memref<1024x1xf32, #tpu.memory_space<vmem>>, %arg4: memref<1024x1024xf32, #tpu.memory_space<vmem>>, %arg5: memref<1x1024xf32, #tpu.memory_space<vmem>>, %arg6: memref<24x1024xf32, #tpu.memory_space<vmem>>, %arg7: memref<24x1xf32, #tpu.memory_space<vmem>>, %arg8: memref<8x1024xf32, #tpu.memory_space<vmem>>) attributes {dimension_semantics = [], scalar_prefetch = 0 : i64, scratch_operands = 0 : i64, tpu.core_type = #tpu.core_type<tc>} {
    %get3A = arith.constant 0 : index
    %get3A_0 = arith.constant 0 : index
    %get3A_1 = arith.constant 0 : index
    %get3A_2 = vector.load %arg0[%get3A, %get3A_0, %get3A_1] : memref<4x24x1024xf32, #tpu.memory_space<vmem>>, vector<1x24x1024xf32>
    %get3A_3 = vector.shape_cast %get3A_2 : vector<1x24x1024xf32> to vector<24x1024xf32>
    %get3A_4 = arith.constant 1 : index
    %get3A_5 = arith.constant 0 : index
    %get3A_6 = arith.constant 0 : index
    %get3A_7 = vector.load %arg0[%get3A_4, %get3A_5, %get3A_6] : memref<4x24x1024xf32, #tpu.memory_space<vmem>>, vector<1x24x1024xf32>
    %get3A_8 = vector.shape_cast %get3A_7 : vector<1x24x1024xf32> to vector<24x1024xf32>
    %add3A = arith.addf %get3A_3, %get3A_8 : vector<24x1024xf32>
    %get3A_9 = arith.constant 2 : index
    %get3A_10 = arith.constant 0 : index
    %get3A_11 = arith.constant 0 : index
    %get3A_12 = vector.load %arg0[%get3A_9, %get3A_10, %get3A_11] : memref<4x24x1024xf32, #tpu.memory_space<vmem>>, vector<1x24x1024xf32>
    %get3A_13 = vector.shape_cast %get3A_12 : vector<1x24x1024xf32> to vector<24x1024xf32>
    %add3A_14 = arith.addf %add3A, %get3A_13 : vector<24x1024xf32>
    %get3A_15 = arith.constant 3 : index
    %get3A_16 = arith.constant 0 : index
    %get3A_17 = arith.constant 0 : index
    %get3A_18 = vector.load %arg0[%get3A_15, %get3A_16, %get3A_17] : memref<4x24x1024xf32, #tpu.memory_space<vmem>>, vector<1x24x1024xf32>
    %get3A_19 = vector.shape_cast %get3A_18 : vector<1x24x1024xf32> to vector<24x1024xf32>
    %add3A_20 = arith.addf %add3A_14, %get3A_19 : vector<24x1024xf32>
    %get3A_21 = arith.constant 0 : index
    %get3A_22 = arith.constant 0 : index
    %get3A_23 = arith.constant 0 : index
    %get3A_24 = vector.load %arg1[%get3A_21, %get3A_22, %get3A_23] : memref<24x1x1024xf32, #tpu.memory_space<vmem>>, vector<24x1x1024xf32>
    %get3A_25 = vector.shape_cast %get3A_24 : vector<24x1x1024xf32> to vector<24x1024xf32>
    %add3A_26 = arith.addf %add3A_20, %get3A_25 : vector<24x1024xf32>
    %get3A_27 = arith.constant 0 : index
    %get3A_28 = arith.constant 0 : index
    %get3A_29 = vector.load %arg2[%get3A_27, %get3A_28] : memref<24x2048xf32, #tpu.memory_space<vmem>>, vector<24x2048xf32>
    %reduce_sum3A = arith.constant dense<0.000000e+00> : vector<24xf32>
    %reduce_sum3A_30 = vector.multi_reduction <add>, %get3A_29, %reduce_sum3A [1] : vector<24x2048xf32> to vector<24xf32>
    %broadcast_in_dim3A = vector.shape_cast %reduce_sum3A_30 : vector<24xf32> to vector<24x1xf32>
    %get3A_31 = arith.constant 0 : index
    %get3A_32 = arith.constant 0 : index
    %get3A_33 = vector.load %arg6[%get3A_31, %get3A_32] : memref<24x1024xf32, #tpu.memory_space<vmem>>, vector<24x1024xf32>
    %get3A_34 = arith.constant 0 : index
    %get3A_35 = arith.constant 0 : index
    %get3A_36 = vector.load %arg3[%get3A_34, %get3A_35] : memref<1024x1xf32, #tpu.memory_space<vmem>>, vector<1024x1xf32>
    %dot_general3A = arith.constant dense<0.000000e+00> : vector<24x1xf32>
    %dot_general3A_37 = tpu.matmul %get3A_33, %get3A_36, %dot_general3A {dimension_numbers = #tpu.dot_dimension_numbers<[1], [0], [0], [1], [0, 0, 1, 1], [], []>, precision = #tpu.contract_precision<fp32>, transpose_lhs_hint = false} : vector<24x1024xf32>, vector<1024x1xf32>, vector<24x1xf32> -> vector<24x1xf32>
    %get3A_38 = arith.constant 0 : index
    %get3A_39 = arith.constant 0 : index
    %get3A_40 = vector.load %arg7[%get3A_38, %get3A_39] : memref<24x1xf32, #tpu.memory_space<vmem>>, vector<24x1xf32>
    %add3A_41 = arith.addf %dot_general3A_37, %get3A_40 : vector<24x1xf32>
    %reduce_max3A = arith.constant dense<0xFF800000> : vector<1xf32>
    %reduce_max3A_42 = vector.multi_reduction <maximumf>, %add3A_41, %reduce_max3A [0] : vector<24x1xf32> to vector<1xf32>
    %broadcast_in_dim3A_43 = vector.shape_cast %reduce_max3A_42 : vector<1xf32> to vector<1x1xf32>
    %sub3A = vector.broadcast %broadcast_in_dim3A_43 : vector<1x1xf32> to vector<24x1xf32>
    %sub3A_44 = arith.subf %add3A_41, %sub3A : vector<24x1xf32>
    %exp3A = math.exp %sub3A_44 : vector<24x1xf32>
    %reduce_sum3A_45 = arith.constant dense<0.000000e+00> : vector<1xf32>
    %reduce_sum3A_46 = vector.multi_reduction <add>, %exp3A, %reduce_sum3A_45 [0] : vector<24x1xf32> to vector<1xf32>
    %broadcast_in_dim3A_47 = vector.shape_cast %reduce_sum3A_46 : vector<1xf32> to vector<1x1xf32>
    %div3A = arith.constant 8.000000e+00 : f32
    %div3A_48 = vector.broadcast %div3A : f32 to vector<1x1xf32>
    %div3A_49 = arith.divf %broadcast_in_dim3A_47, %div3A_48 : vector<1x1xf32>
    %div3A_50 = vector.broadcast %div3A_49 : vector<1x1xf32> to vector<24x1xf32>
    %div3A_51 = arith.divf %exp3A, %div3A_50 : vector<24x1xf32>
    %div3A_52 = arith.divf %div3A_51, %broadcast_in_dim3A : vector<24x1xf32>
    %mul3A = vector.broadcast %div3A_52 : vector<24x1xf32> to vector<24x1024xf32>
    %mul3A_53 = arith.mulf %add3A_26, %mul3A : vector<24x1024xf32>
    %iota3A = tpu.iota {dimensions = array<i32: 0>} : vector<8x24xi32>
    %iota3A_54 = tpu.iota {dimensions = array<i32: 1>} : vector<8x24xi32>
    %mul3A_55 = arith.constant 3 : i32
    %mul3A_56 = vector.broadcast %mul3A_55 : i32 to vector<8x24xi32>
    %mul3A_57 = arith.muli %mul3A_56, %iota3A : vector<8x24xi32>
    %ge3A = arith.cmpi sge, %iota3A_54, %mul3A_57 : vector<8x24xi32>
    %mul3A_58 = arith.constant 3 : i32
    %mul3A_59 = vector.broadcast %mul3A_58 : i32 to vector<8x24xi32>
    %mul3A_60 = arith.muli %mul3A_59, %iota3A : vector<8x24xi32>
    %add3A_61 = arith.constant 3 : i32
    %add3A_62 = vector.broadcast %add3A_61 : i32 to vector<8x24xi32>
    %add3A_63 = arith.addi %mul3A_60, %add3A_62 : vector<8x24xi32>
    %lt3A = arith.cmpi slt, %iota3A_54, %add3A_63 : vector<8x24xi32>
    %and3A = arith.andi %ge3A, %lt3A : vector<8x24xi1>
    %jit3A = arith.constant 1.000000e+00 : f32
    %jit3A_64 = arith.constant 0.000000e+00 : f32
    %broadcast_in_dim3A_65 = vector.broadcast %jit3A : f32 to vector<8x24xf32>
    %broadcast_in_dim3A_66 = vector.broadcast %jit3A_64 : f32 to vector<8x24xf32>
    %select_n3A = arith.select %and3A, %broadcast_in_dim3A_65, %broadcast_in_dim3A_66 : vector<8x24xi1>, vector<8x24xf32>
    %dot_general3A_67 = arith.constant dense<0.000000e+00> : vector<8x1024xf32>
    %dot_general3A_68 = tpu.matmul %select_n3A, %mul3A_53, %dot_general3A_67 {dimension_numbers = #tpu.dot_dimension_numbers<[1], [0], [0], [1], [0, 0, 1, 1], [], []>, precision = #tpu.contract_precision<fp32>, transpose_lhs_hint = false} : vector<8x24xf32>, vector<24x1024xf32>, vector<8x1024xf32> -> vector<8x1024xf32>
    %get3A_69 = arith.constant 0 : index
    %get3A_70 = arith.constant 0 : index
    %get3A_71 = vector.load %arg4[%get3A_69, %get3A_70] : memref<1024x1024xf32, #tpu.memory_space<vmem>>, vector<1024x1024xf32>
    %dot_general3A_72 = arith.constant dense<0.000000e+00> : vector<8x1024xf32>
    %dot_general3A_73 = tpu.matmul %dot_general3A_68, %get3A_71, %dot_general3A_72 {dimension_numbers = #tpu.dot_dimension_numbers<[1], [1], [0], [0], [0, 0, 1, 0], [], []>, precision = #tpu.contract_precision<fp32>, transpose_lhs_hint = false} : vector<8x1024xf32>, vector<1024x1024xf32>, vector<8x1024xf32> -> vector<8x1024xf32>
    %get3A_74 = arith.constant 0 : index
    %get3A_75 = arith.constant 0 : index
    %get3A_76 = vector.load %arg5[%get3A_74, %get3A_75] : memref<1x1024xf32, #tpu.memory_space<vmem>>, vector<1x1024xf32>
    %add3A_77 = vector.broadcast %get3A_76 : vector<1x1024xf32> to vector<8x1024xf32>
    %add3A_78 = arith.addf %dot_general3A_73, %add3A_77 : vector<8x1024xf32>
    %swap3A = arith.constant 0 : index
    %swap3A_79 = arith.constant 0 : index
    %swap3A_80 = vector.load %arg8[%swap3A, %swap3A_79] : memref<8x1024xf32, #tpu.memory_space<vmem>>, vector<8x1024xf32>
    tpu.vector_store %arg8[%swap3A, %swap3A_79], %add3A_78 {strides = array<i32>} : memref<8x1024xf32, #tpu.memory_space<vmem>>, vector<8x1024xf32>,
    return
  }
}

</mosaic_0001>

<sc_bundles>
// kernel: kernel.5.cloned.1.call-start
scs
__scs_entry_jumppad:
0x0: {  	(pc) =	sbr.rel $0x88, $3  }
0x1: {  	(tag) =	ssettag $0x0;
	lr =	simm.s32 $0x1  }
0x2: {  	[smem:$0x3F9A] =	sst lr;
	_ =	strace $0xD0000000  }
0x3: {  	_ = 	snop  }
0x4: {  	_ = 	snop  }
0x5: {  	_ = 	snop  }
0x6: {  	_ = 	snop  }
0x7: {  	_ = 	snop  }
__scs_overlays_trampoline_lowered:
0x8: {  	[smem:$0x3FA9] =	sst s0  }
0x9: {  	[smem:$0x3FAA] =	sst s1  }
0xa: {  	[smem:$0x3FAB] =	sst s2  }
0xb: {  	[smem:$0x3FAC] =	sst s3  }
0xc: {  	[smem:$0x3FAD] =	sst s4  }
0xd: {  	[smem:$0x3FAE] =	sst s5  }
0xe: {  	[smem:$0x3FAF] =	sst s6  }
0xf: {  	[smem:$0x3FB0] =	sst s7  }
0x10: {  	[smem:$0x3FB1] =	sst s8  }
0x11: {  	[smem:$0x3FB2] =	sst s9;
	s0 =	simm.s32 @!p0 $0x0  }
0x12: {  	s1 =	sld [smem:$0x3F98];
	s0 =	simm.s32 @p0 $0x1  }
0x13: {  	[smem:$0x3FB3] =	sst s0;
	s0 =	simm.s32 @!p1 $0x0  }
0x14: {  	s2 =	sld [smem:$0x3F97];
	s0 =	simm.s32 @p1 $0x1  }
0x15: {  	[smem:$0x3FB4] =	sst s0;
	s0 =	simm.s32 @!p2 $0x0  }
0x16: {  	s3 =	sld [smem:$0x3FDB];
	s0 =	simm.s32 @p2 $0x1  }
0x17: {  	s4 =	simm.s32 $0x1BF5;
	[smem:$0x3FB6] =	sst s0  }
0x18: {  	s0 =	sld [smem:$0x3F99];
	_ =	swait.ge [sflag:s4], $0x0  }
0x19: {  	s7 =	sld [smem:$0x3F9A]  }
0x1a: {  	s8 =	sadd.s32 $0xFFFFE003, lr  }
0x1b: {  	s9 =	sadd.s32 $0xFFFFFEF7, lr;
	s5 =	simm.s32 $0xFFFFFFFF;
	p2 =	slt.u32 s8, $0xFFFFF086  }
0x1c: {  	p1 =	slt.u32 s9, $0xF7A;
	s5 =	simm.s32 @!p2 $0x0  }
0x1d: {  	s5 =	simm.s32 @p1 $0x1;
	p0 =	seq.s32 s7, s2  }
0x1e: {  	s7 =	smul.u32 @!p0 $0xF7A, s2;
	p2 =	seq.s32 @!p0 s5, $0x0  }
0x1f: {  	s9 =	smul.u32 $0xF7A, s1;
	s8 =	simm.s32 @!p0 $0x1BF5;
	p2 =	por !p2, p0  }
0x20: {  	[sflag:s8] =	ssyncset.s32 @!p0 $0xFFFFF086;
	s6 =	sadd.s32 @!p0 s3, s7;
	s7 =	simm.s32 @!p0 $0x108  }
0x21: {  	s3 =	sadd.s32 s3, s9;
	s6 =	sadd.s32 @!p0 $0x88, s6;
	s7 =	simm.s32 @p2 $0x1082  }
0x22: {  	[simem:s7], [sflag:s8] =	dma.local @!p0 [hbm:s6], $0xF7A  }
0x23: {  	s9 =	sor.u32 $0xD0000000, s2;
	s6 =	simm.s32 $0x108;
	_ =	swait.ge @!p0 [sflag:s8], $0x0  }
0x24: {  	s3 =	sadd.s32 $0x88, s3;
	s6 =	simm.s32 @!p1 $0x1082;
	[sflag:s4] =	ssyncset.s32 $0xFFFFF086  }
0x25: {  	[simem:s6], [sflag:s4] =	dma.local [hbm:s3], $0xF7A  }
0x26: {  	[smem:$0x3F9A] =	sst s1;
	(tag) =	ssettag s2;
	_ =	strace s9  }
0x27: {  	s1 =	sld [smem:$0x3FAA]  }
0x28: {  	s2 =	sld [smem:$0x3FAB]  }
0x29: {  	s4 =	sld [smem:$0x3FAD]  }
0x2a: {  	p0 =	seq.s32 s5, $0x0;
	s5 =	sld [smem:$0x3FAE]  }
0x2b: {  	s6 =	sld [smem:$0x3FAF]  }
0x2c: {  	s7 =	sld [smem:$0x3FB0]  }
0x2d: {  	s3 =	simm.s32 $0x108;
	s8 =	sld [smem:$0x3FB1]  }
0x2e: {  	s3 =	simm.s32 @!p0 $0x1082;
	s9 =	sld [smem:$0x3FB2]  }
0x2f: {  	lr =	sadd.s32 s0, s3;
	s0 =	sld [smem:$0x3FA9]  }
0x30: {  	s3 =	sld [smem:$0x3FAC]  }
0x31: {  	[smem:$0x3FB5] =	sst s10  }
0x32: {  	s10 =	sld [smem:$0x3FB3];
	_ =	sdelay $0x3  }
0x33: {  	p0 =	seq.s32 s10, $0x1;
	s10 =	sld [smem:$0x3FB5];
	_ =	sdelay $0x3  }
0x34: {  	[smem:$0x3FB5] =	sst s10  }
0x35: {  	s10 =	sld [smem:$0x3FB4];
	_ =	sdelay $0x3  }
0x36: {  	p1 =	seq.s32 s10, $0x1;
	s10 =	sld [smem:$0x3FB5];
	_ =	sdelay $0x3  }
0x37: {  	[smem:$0x3FB5] =	sst s10  }
0x38: {  	s10 =	sld [smem:$0x3FB6]  }
0x39: {  	_ = 	snop;
	(pc) =	sbr.ind lr, $3  }
0x3a: {  	_ = 	snop  }
0x3b: {  	_ = 	snop  }
0x3c: {  	p2 =	seq.s32 s10, $0x1;
	s10 =	sld [smem:$0x3FB5]  }
0x3d: {  	_ =	shalt  }
0x3e: {  	_ =	shalt  }
0x3f: {  	_ =	shalt  }
0x40: {  	_ =	shalt  }
0x41: {  	_ =	shalt  }
0x42: {  	_ =	shalt  }
0x43: {  	_ =	shalt  }
0x44: {  	_ =	shalt  }
0x45: {  	_ =	shalt  }
0x46: {  	_ =	shalt  }
0x47: {  	_ =	shalt  }
0x48: {  	_ =	shalt  }
0x49: {  	_ =	shalt  }
0x4a: {  	_ =	shalt  }
0x4b: {  	_ =	shalt  }
0x4c: {  	_ =	shalt  }
0x4d: {  	_ =	shalt  }
0x4e: {  	_ =	shalt  }
0x4f: {  	_ =	shalt  }
0x50: {  	_ =	shalt  }
0x51: {  	_ =	shalt  }
0x52: {  	_ =	shalt  }
0x53: {  	_ =	shalt  }
0x54: {  	_ =	shalt  }
0x55: {  	_ =	shalt  }
0x56: {  	_ =	shalt  }
0x57: {  	_ =	shalt  }
0x58: {  	_ =	shalt  }
0x59: {  	_ =	shalt  }
0x5a: {  	_ =	shalt  }
0x5b: {  	_ =	shalt  }
0x5c: {  	_ =	shalt  }
0x5d: {  	_ =	shalt  }
0x5e: {  	_ =	shalt  }
0x5f: {  	_ =	shalt  }
0x60: {  	_ =	shalt  }
0x61: {  	_ =	shalt  }
0x62: {  	_ =	shalt  }
0x63: {  	_ =	shalt  }
0x64: {  	_ =	shalt  }
0x65: {  	_ =	shalt  }
0x66: {  	_ =	shalt  }
0x67: {  	_ =	shalt  }
0x68: {  	_ =	shalt  }
0x69: {  	_ =	shalt  }
0x6a: {  	_ =	shalt  }
0x6b: {  	_ =	shalt  }
0x6c: {  	_ =	shalt  }
0x6d: {  	_ =	shalt  }
0x6e: {  	_ =	shalt  }
0x6f: {  	_ =	shalt  }
0x70: {  	_ =	shalt  }
0x71: {  	_ =	shalt  }
0x72: {  	_ =	shalt  }
0x73: {  	_ =	shalt  }
0x74: {  	_ =	shalt  }
0x75: {  	_ =	shalt  }
0x76: {  	_ =	shalt  }
0x77: {  	_ =	shalt  }
0x78: {  	_ =	shalt  }
0x79: {  	_ =	shalt  }
0x7a: {  	_ =	shalt  }
0x7b: {  	_ =	shalt  }
0x7c: {  	_ =	shalt  }
0x7d: {  	_ =	shalt  }
0x7e: {  	_ =	shalt  }
0x7f: {  	_ =	shalt  }
0x80: {  	_ =	shalt  }
0x81: {  	_ =	shalt  }
0x82: {  	_ =	shalt  }
0x83: {  	_ =	shalt  }
0x84: {  	_ =	shalt  }
0x85: {  	_ =	shalt  }
0x86: {  	_ =	shalt  }
0x87: {  	_ =	shalt  }
.Lfunc_end0:
.L_simem_size_0:
called_computation_lowered:
.L_overlay_start_0:
0x88: {  	s2 =	sld [smem:$0x3FD9]  }
0x89: {  	s3 =	sld [smem:$0x3FFE];
	_ =	sdelay $0x1  }
0x8a: {  	s1 =	srdreg.scid  }
0x8b: {  	s0 =	sand.u32 $0x1, s1  }
0x8c: {  	s17 =	sshll.u32 s0, $0xA;
	s2 =	sadd.s32 s3, s2  }
0x8d: {  	s2 =	sadd.s32 s2, s17  }
0x8e: {  	[smem:$0x3FC1] =	sst s2  }
0x8f: {  	_ = 	snop  }
0x90: {  	s2 =	sld [smem:$0x3FC8];
	(tm) =	ssettm $0x1  }
0x91: {  	s18 =	sld [smem:$0x3FFB];
	_ =	sdelay $0x3  }
0x92: {  	_ =	strace s18  }
0x93: {  	s3 =	sld [smem:$0x3FFC];
	_ =	sdelay $0x3  }
0x94: {  	_ =	strace s3  }
0x95: {  	s3 =	sld [smem:$0x3FFD];
	_ =	sdelay $0x3  }
0x96: {  	_ =	strace s3  }
0x97: {  	_ =	strace $0x8FFFFFFF  }
0x98: {  	s19 =	sld [smem:$0x3FDB];
	_ =	sdelay $0x1  }
0x99: {  	s4 =	simm.s32 $_scs_section_size  }
0x9a: {  	s5 =	simm.s32 $_size__tile_overlayer_lowered;
	s6 =	simm.s32 $_tile_overlayer_lowered  }
0x9b: {  	s22 =	simm.s32 $0x1BFF;
	s21 =	sshll.u32 s6, $0x1;
	s3 =	sadd.s32 s4, s19  }
0x9c: {  	s7 =	simm.s32 $0x0;
	s20 =	sshll.u32 s5, $0x1;
	s5 =	sadd.s32 s21, s3  }
0x9d: {  	[timem:s7], [sflag:s22] =	dma.local [hbm:s5], s20  }
0x9e: {  	_ =	swait.ge [sflag:s22], s20  }
0x9f: {  	s4 =	ssub.s32 $0x0, s20;
	[sflag:s22] =	ssyncset.done $0x0  }
0xa0: {  	[sflag:s22] =	ssyncadd.s32 s4;
	_ =	sdelay $0x1  }
0xa1: {  	s23 =	simm.s32 $0x1B8B  }
0xa2: {  	_ =	swait.ge [sflag:s23], $0x1  }
0xa3: {  	[sflag:s23] =	ssyncset.done $0x0  }
0xa4: {  	s25 =	simm.s32 $0x1B8E;
	s24 =	sld [smem:$0x3FFE];
	[sflag:s23] =	ssyncadd.s32 $0xFFFFFFFF  }
0xa5: {  	s26 =	simm.s32 $execute0_lowered;
	[smem:$0x3FD2] =	sst s25  }
0xa6: {  	s5 =	sshll.u32 s26, $0x1;
	_ =	strace $0x80000046;
	[dreg:$0x1] =	wrdreg $0xFFFFFFFF  }
0xa7: {  	s28 =	simm.s32 $_size_execute0_lowered;
	s3 =	sadd.s32 s3, s5;
	[dreg:$0x0] =	wrdreg $0x0  }
0xa8: {  	s5 =	sshll.u32 s28, $0x1;
	[dreg:$0x2] =	wrdreg s3  }
0xa9: {  	[dreg:$0x3] =	wrdreg s5  }
0xaa: {  	[dreg:$0x4] =	wrdreg $0xC0  }
0xab: {  	_ =	task [dreg:s7], $0x5FFFF  }
0xac: {  	[dreg:$0x1] =	wrdreg $0xFFFFFFFF  }
0xad: {  	[dreg:$0x0] =	wrdreg $0x60  }
0xae: {  	[dreg:$0x2] =	wrdreg s2  }
0xaf: {  	[dreg:$0x3] =	wrdreg s24  }
0xb0: {  	[dreg:$0x4] =	wrdreg $0x9  }
0xb1: {  	_ =	task.clear_ibuf [dreg:s7], $0x5FFFF;
	_ =	strace $0x90000046  }
0xb2: {  	s29 =	simm.s32 $0x9;
	_ =	strace $0x80000048  }
0xb3: {  	_ =	swait.ge [sflag:s29], $0x1  }
0xb4: {  	[sflag:s29] =	ssyncadd.s32 $0xFFFFFFFF  }
0xb5: {  	_ =	strace $0x90000048  }
0xb6: {  	_ =	sfence  }
0xb7: {  	s30 =	sld [smem:$0x0];
	_ =	sdelay $0x2  }
0xb8: {  	s31 =	sshll.u32 s1, $0xD;
	s1 =	sshrl.u32 s1, $0x2  }
0xb9: {  	s3 =	sand.u32 $0x4000, s31;
	s1 =	sadd.s32 s1, s30  }
0xba: {  	s0 =	sor.u32 s3, s0;
	s1 =	sshll.u32 s1, $0x11  }
0xbb: {  	s0 =	sor.u32 s1, s0  }
0xbc: {  	s0 =	sadd.s32 $0x8F2B, s0  }
0xbd: {  	[sflag:s0] =	ssyncadd.remote.s32 $0x1  }
0xbe: {  	_ =	sfence.sel $0xFFFF  }
0xbf: {  	[dreg:$0x0] =	wrdreg $0xFFFFFFFF;
	(pc) =	sbr.abs _section_cstart, $3  }
0xc0: {  	[dreg:$0x1] =	wrdreg $0xFFFFFFFF  }
0xc1: {  	_ =	task.clear_ibuf [dreg:s7], $0x2FFFF;
	_ =	strace $0x9FFFFFFF  }
0xc2: {  	(tm) =	ssettm $0x7FFFFFFF  }
0xc3: {  	_ =	shalt  }
tec
execute0_lowered:
.L_overlay_start_1:
0x0: {  	(tag) =	ssettag $0x1  }
0x1: {  	s1 =	rddreg [dreg:$0x0]  }
0x2: {  	s0 =	rddreg [dreg:$0x1];
	s7 =	simm.s32 $0x0  }
0x3: {  	s2 =	srdreg.scid;
	s4 =	stileid.u32;
	s8 =	simm.s32 $0x80  }
0x4: {  	s9 =	simm.s32 $0x400;
	s11 =	simm.s32 $0x3;
	s2 =	sand.u32 $0x1, s2  }
0x5: {  	s12 =	simm.s32 $0x8000;
	s13 =	simm.s32 $0x1;
	s3 =	ssub.s32 $0x2, s2  }
0x6: {  	s14 =	simm.s32 $0x2;
	[smem:$0x7FF] =	sst s7;
	s6 =	sshrl.u32 s3, $0x1  }
0x7: {  	s5 =	sshll.u32 s4, $0x1;
	s4 =	sadd.s32 $0x4E00, s0;
	s31 =	ssub.s32 s3, s6  }
0x8: {  	s2 =	sor.u32 s2, s5;
	s5 =	sadd.s32 $0x5A00, s0;
	s0 =	smax.u32 s31, $0x1  }
0x9: {  	v0 =	vimm.f32 $0.0e+00;
	_ =	strace $0x80000047;
	s6 =	smul.u32 $0x3, s2;
	[dreg:$0x4] =	wrdreg s0  }
.LBB2_1:
0xa: {  	[dreg:$0x3] =	wrdreg s7;
	s16 =	simm.s32 $0x0  }
.LBB2_2:
0xb: {  	s0 =	sadd.s32 s6, s16  }
0xc: {  	s2 =	sshll.u32 s0, $0x4  }
0xd: {  	s3 =	sshll.u32 s0, $0x5;
	s2 =	sand.u32 $0x70, s2  }
0xe: {  	s3 =	sand.u32 $0xFFFFF00, s3;
	s2 =	sadd.s32 s4, s2  }
0xf: {  	s31 =	simm.s32 $0x10000;
	s2 =	sadd.s32 s3, s2  }
0x10: {  	[tilespmem:s31], [sflag:$0x3] =	stream.strided.gather [hbm4b:s2+s8], $0x100, s9, s8, $0x38;
	[tilespmem:$0x10500] =	vst v63  }
0x11: {  	_ =	swait.ge [sflag:s11], $0x100  }
0x12: {  	[sflag:s11] =	ssyncset.done $0x0  }
0x13: {  	s3 =	simm.s32 $0x0;
	s2 =	simm.s32 $0x40;
	[sflag:s11] =	ssyncadd.s32 $0xFFFFFF00  }
.LBB2_3:
0x14: {  	p0 =	sne.s32 s2, $0xFC0;
	[tilespmem:s3+$0x10100] =	vst v0;
	s3 =	smov.u32 s2;
	s2 =	sadd.s32 $0x40, s2  }
.Ltmp0:
0x15: {  	(pc) =	sbr.rel @p0 .LBB2_3-.Ltmp0, $2  }
0x16: {  	_ =	sdelay $0x2  }
0x17: {  	s3 =	sshra.s32 s3, $0x2  }
0x18: {  	s18 =	sand.u32 $0x3, s0  }
0x19: {  	s17 =	sshrl.u32 s0, $0x2;
	s30 =	smul.u32 $0xE0, s18  }
0x1a: {  	s2 =	sshll.u32 s17, $0xB  }
0x1b: {  	s0 =	sor.u32 s2, s30  }
0x1c: {  	s19 =	sadd.s32 $0x480, s0  }
0x1d: {  	s20 =	simm.s32 $0x0;
	s0 =	sshll.u32 s19, $0x7;
	s31 =	sshll.u32 s19, $0xA  }
0x1e: {  	[tilespmem:s3+$0x10100] =	vst v0;
	s22 =	simm.s32 $0x0;
	s0 =	sadd.s32 s1, s0;
	s21 =	sadd.s32 $0x10000, s31  }
0x1f: {  	[tilespmem:s20], [sflag:$0x1] =	stream.linear.gather [hbm4b:s0+s20], $0x8000, $0x38;
	[tilespmem:$0x10500] =	vst v63  }
.LBB2_5:
0x20: {  	s0 =	sshll.u32 s22, $0x6  }
0x21: {  	s23 =	sor.u32 $0x20, s0  }
0x22: {  	s2 =	sadd.s32 s19, s23  }
0x23: {  	s2 =	sshll.u32 s2, $0x7  }
0x24: {  	s2 =	sadd.s32 s1, s2  }
0x25: {  	[tilespmem:s12], [sflag:$0x2] =	stream.linear.gather [hbm4b:s2+s20], $0x8000, $0x38;
	[tilespmem:$0x10500] =	vst v63  }
0x26: {  	s0 =	sand.u32 $0x3FFFFFC0, s0;
	_ =	swait.ge [sflag:s13], $0x8000  }
0x27: {  	s0 =	sadd.s32 $0x10000, s0;
	[sflag:s13] =	ssyncset.done $0x0  }
0x28: {  	p1 =	por $0x1, $0x1;
	v1 =	vmov s0;
	s0 =	simm.s32 $0x0;
	[sflag:s13] =	ssyncadd.s32 $0xFFFF8000  }
.LBB2_6:
0x29: {  	_ =	sdelay $0x1  }
0x2a: {  	s2 =	sshll.u32 s0, $0x4;
	s10 =	sshll.u32 s0, $0xE;
	s3 =	simm.s32 $0x0  }
0x2b: {  	s2 =	sand.u32 $0x3FFFFFF0, s2;
	s24 =	sand.u32 $0x3FFFC000, s10;
	s7 =	sand.u32 $0x1C00, s3  }
0x2c: {  	s15 =	sand.u32 $0x40, s3;
	v17 =	vld.idx.msk [tilespmem:v1+s2+$0x0 ss:$0x1], $0xffff;
	s0 =	sadd.s32 s7, s24  }
0x2d: {  	s28 =	sadd.s32 s15, s0  }
0x2e: {  	s25 =	simm.s32 $0x10100;
	v3 =	vld [tilespmem:s28+$0x0]  }
0x2f: {  	v6 =	vld [tilespmem:s25+$0x0]  }
0x30: {  	v5 =	vld [tilespmem:s28+$0x80]  }
0x31: {  	v4 =	vbroadcast v17, $0x0  }
0x32: {  	v7 =	vld [tilespmem:s28+$0x100]  }
0x33: {  	v2 =	vbroadcast v17, $0x1;
	v8 =	vmul.f32 v3, v4  }
0x34: {  	v9 =	vld [tilespmem:s28+$0x180]  }
0x35: {  	v3 =	vbroadcast v17, $0x2;
	v6 =	vadd.f32 v8, v6;
	v8 =	vmul.f32 v5, v2  }
0x36: {  	v10 =	vld [tilespmem:s28+$0x200]  }
0x37: {  	v5 =	vbroadcast v17, $0x3;
	v7 =	vmul.f32 v7, v3;
	v8 =	vadd.f32 v8, v6  }
0x38: {  	v11 =	vld [tilespmem:s28+$0x280]  }
0x39: {  	v6 =	vbroadcast v17, $0x4;
	v9 =	vmul.f32 v9, v5;
	v8 =	vadd.f32 v7, v8  }
0x3a: {  	v12 =	vld [tilespmem:s28+$0x300]  }
0x3b: {  	s26 =	sor.u32 $0x2000, s24;
	v7 =	vbroadcast v17, $0x5;
	v10 =	vmul.f32 v10, v6;
	v9 =	vadd.f32 v9, v8  }
0x3c: {  	s7 =	sadd.s32 s7, s26;
	v13 =	vld [tilespmem:s28+$0x380]  }
0x3d: {  	s28 =	sadd.s32 s15, s7;
	v8 =	vbroadcast v17, $0x6;
	v11 =	vmul.f32 v11, v7;
	v10 =	vadd.f32 v10, v9  }
0x3e: {  	v14 =	vld [tilespmem:s28+$0x0]  }
0x3f: {  	v9 =	vbroadcast v17, $0x7;
	v12 =	vmul.f32 v12, v8;
	v11 =	vadd.f32 v11, v10  }
0x40: {  	v15 =	vld [tilespmem:s28+$0x80]  }
0x41: {  	v10 =	vbroadcast v17, $0x8;
	v13 =	vmul.f32 v13, v9;
	v12 =	vadd.f32 v12, v11  }
0x42: {  	v16 =	vld [tilespmem:s28+$0x100]  }
0x43: {  	v11 =	vbroadcast v17, $0x9;
	v14 =	vmul.f32 v14, v10;
	v13 =	vadd.f32 v13, v12  }
0x44: {  	v18 =	vld [tilespmem:s28+$0x180]  }
0x45: {  	v12 =	vbroadcast v17, $0xA;
	v15 =	vmul.f32 v15, v11;
	v14 =	vadd.f32 v14, v13  }
0x46: {  	v19 =	vld [tilespmem:s28+$0x200]  }
0x47: {  	v13 =	vbroadcast v17, $0xB;
	v16 =	vmul.f32 v16, v12;
	v15 =	vadd.f32 v15, v14  }
0x48: {  	v20 =	vld [tilespmem:s28+$0x280]  }
0x49: {  	v14 =	vbroadcast v17, $0xC;
	v18 =	vmul.f32 v18, v13;
	v16 =	vadd.f32 v16, v15  }
0x4a: {  	v21 =	vld [tilespmem:s28+$0x300]  }
0x4b: {  	v15 =	vbroadcast v17, $0xD;
	v19 =	vmul.f32 v19, v14;
	v18 =	vadd.f32 v18, v16  }
0x4c: {  	v22 =	vld [tilespmem:s28+$0x380]  }
0x4d: {  	v16 =	vbroadcast v17, $0xE;
	v18 =	vadd.f32 v19, v18;
	v19 =	vmul.f32 v20, v15;
	_ =	sdelay $0x1  }
0x4e: {  	v17 =	vbroadcast v17, $0xF;
	v18 =	vadd.f32 v19, v18;
	v19 =	vmul.f32 v21, v16;
	_ =	sdelay $0x1  }
0x4f: {  	v18 =	vadd.f32 v19, v18;
	v19 =	vmul.f32 v22, v17;
	_ =	sdelay $0x1  }
0x50: {  	v18 =	vadd.f32 v19, v18  }
0x51: {  	s28 =	sor.u32 $0x10, s15  }
0x52: {  	s3 =	sand.u32 $0x380, s3;
	s29 =	sadd.s32 s28, s0;
	[tilespmem:s25+$0x0] =	vst v18  }
0x53: {  	s3 =	sadd.s32 $0x10100, s3;
	v18 =	vld [tilespmem:s29+$0x0]  }
0x54: {  	s30 =	sor.u32 s28, s3;
	v19 =	vld [tilespmem:s29+$0x80]  }
0x55: {  	v20 =	vld [tilespmem:s30+$0x0];
	_ =	sdelay $0x1  }
0x56: {  	v34 =	vld [tilespmem:s29+$0x100]  }
0x57: {  	v18 =	vmul.f32 v18, v4  }
0x58: {  	v35 =	vld [tilespmem:s29+$0x180]  }
0x59: {  	v19 =	vmul.f32 v19, v2;
	v18 =	vadd.f32 v18, v20  }
0x5a: {  	v20 =	vld [tilespmem:s29+$0x200]  }
0x5b: {  	v18 =	vadd.f32 v19, v18;
	v19 =	vmul.f32 v34, v3  }
0x5c: {  	v36 =	vld [tilespmem:s29+$0x280]  }
0x5d: {  	v18 =	vadd.f32 v19, v18;
	v19 =	vmul.f32 v35, v5  }
0x5e: {  	v37 =	vld [tilespmem:s29+$0x300]  }
0x5f: {  	v18 =	vadd.f32 v19, v18;
	v19 =	vmul.f32 v20, v6  }
0x60: {  	v20 =	vld [tilespmem:s29+$0x380]  }
0x61: {  	s28 =	sadd.s32 s28, s7;
	v18 =	vadd.f32 v19, v18;
	v19 =	vmul.f32 v36, v7  }
0x62: {  	v38 =	vld [tilespmem:s28+$0x0]  }
0x63: {  	v18 =	vadd.f32 v19, v18;
	v19 =	vmul.f32 v37, v8  }
0x64: {  	v39 =	vld [tilespmem:s28+$0x80]  }
0x65: {  	v18 =	vadd.f32 v19, v18;
	v19 =	vmul.f32 v20, v9  }
0x66: {  	v20 =	vld [tilespmem:s28+$0x100]  }
0x67: {  	v18 =	vadd.f32 v19, v18;
	v19 =	vmul.f32 v38, v10  }
0x68: {  	v40 =	vld [tilespmem:s28+$0x180]  }
0x69: {  	v18 =	vadd.f32 v19, v18;
	v19 =	vmul.f32 v39, v11  }
0x6a: {  	v41 =	vld [tilespmem:s28+$0x200]  }
0x6b: {  	v18 =	vadd.f32 v19, v18;
	v19 =	vmul.f32 v20, v12  }
0x6c: {  	v20 =	vld [tilespmem:s28+$0x280]  }
0x6d: {  	v18 =	vadd.f32 v19, v18;
	v19 =	vmul.f32 v40, v13  }
0x6e: {  	v42 =	vld [tilespmem:s28+$0x300]  }
0x6f: {  	v18 =	vadd.f32 v19, v18;
	v19 =	vmul.f32 v41, v14  }
0x70: {  	v43 =	vld [tilespmem:s28+$0x380]  }
0x71: {  	v18 =	vadd.f32 v19, v18;
	v19 =	vmul.f32 v20, v15;
	_ =	sdelay $0x1  }
0x72: {  	v18 =	vadd.f32 v19, v18;
	v19 =	vmul.f32 v42, v16;
	_ =	sdelay $0x1  }
0x73: {  	v18 =	vadd.f32 v19, v18;
	v19 =	vmul.f32 v43, v17;
	_ =	sdelay $0x1  }
0x74: {  	v18 =	vadd.f32 v19, v18  }
0x75: {  	s28 =	sor.u32 $0x20, s15  }
0x76: {  	s29 =	sadd.s32 s28, s0;
	[tilespmem:s30+$0x0] =	vst v18  }
0x77: {  	v18 =	vld [tilespmem:s29+$0x0]  }
0x78: {  	s30 =	sor.u32 s28, s3;
	v19 =	vld [tilespmem:s29+$0x80]  }
0x79: {  	v20 =	vld [tilespmem:s30+$0x0];
	_ =	sdelay $0x1  }
0x7a: {  	v44 =	vld [tilespmem:s29+$0x100]  }
0x7b: {  	v18 =	vmul.f32 v18, v4  }
0x7c: {  	v45 =	vld [tilespmem:s29+$0x180]  }
0x7d: {  	v19 =	vmul.f32 v19, v2;
	v18 =	vadd.f32 v18, v20  }
0x7e: {  	v20 =	vld [tilespmem:s29+$0x200]  }
0x7f: {  	v18 =	vadd.f32 v19, v18;
	v19 =	vmul.f32 v44, v3  }
0x80: {  	v46 =	vld [tilespmem:s29+$0x280]  }
0x81: {  	v18 =	vadd.f32 v19, v18;
	v19 =	vmul.f32 v45, v5  }
0x82: {  	v47 =	vld [tilespmem:s29+$0x300]  }
0x83: {  	v18 =	vadd.f32 v19, v18;
	v19 =	vmul.f32 v20, v6  }
0x84: {  	v20 =	vld [tilespmem:s29+$0x380]  }
0x85: {  	s28 =	sadd.s32 s28, s7;
	v18 =	vadd.f32 v19, v18;
	v19 =	vmul.f32 v46, v7  }
0x86: {  	v48 =	vld [tilespmem:s28+$0x0]  }
0x87: {  	v18 =	vadd.f32 v19, v18;
	v19 =	vmul.f32 v47, v8  }
0x88: {  	v49 =	vld [tilespmem:s28+$0x80]  }
0x89: {  	v18 =	vadd.f32 v19, v18;
	v19 =	vmul.f32 v20, v9  }
0x8a: {  	v20 =	vld [tilespmem:s28+$0x100]  }
0x8b: {  	v18 =	vadd.f32 v19, v18;
	v19 =	vmul.f32 v48, v10  }
0x8c: {  	v50 =	vld [tilespmem:s28+$0x180]  }
0x8d: {  	v18 =	vadd.f32 v19, v18;
	v19 =	vmul.f32 v49, v11  }
0x8e: {  	v51 =	vld [tilespmem:s28+$0x200]  }
0x8f: {  	v18 =	vadd.f32 v19, v18;
	v19 =	vmul.f32 v20, v12  }
0x90: {  	v20 =	vld [tilespmem:s28+$0x280]  }
0x91: {  	v18 =	vadd.f32 v19, v18;
	v19 =	vmul.f32 v50, v13  }
0x92: {  	v52 =	vld [tilespmem:s28+$0x300]  }
0x93: {  	v18 =	vadd.f32 v19, v18;
	v19 =	vmul.f32 v51, v14  }
0x94: {  	v53 =	vld [tilespmem:s28+$0x380]  }
0x95: {  	v18 =	vadd.f32 v19, v18;
	v19 =	vmul.f32 v20, v15;
	_ =	sdelay $0x1  }
0x96: {  	v18 =	vadd.f32 v19, v18;
	v19 =	vmul.f32 v52, v16;
	_ =	sdelay $0x1  }
0x97: {  	v18 =	vadd.f32 v19, v18;
	v19 =	vmul.f32 v53, v17;
	_ =	sdelay $0x1  }
0x98: {  	v18 =	vadd.f32 v19, v18  }
0x99: {  	s2 =	sor.u32 $0x30, s15  }
0x9a: {  	s0 =	sadd.s32 s2, s0;
	[tilespmem:s30+$0x0] =	vst v18  }
0x9b: {  	s3 =	sor.u32 s2, s3;
	v18 =	vld [tilespmem:s0+$0x0]  }
0x9c: {  	v19 =	vld [tilespmem:s3+$0x0]  }
0x9d: {  	v20 =	vld [tilespmem:s0+$0x80];
	_ =	sdelay $0x1  }
0x9e: {  	v54 =	vld [tilespmem:s0+$0x100]  }
0x9f: {  	v18 =	vmul.f32 v18, v4  }
0xa0: {  	v55 =	vld [tilespmem:s0+$0x180]  }
0xa1: {  	v18 =	vadd.f32 v18, v19;
	v19 =	vmul.f32 v20, v2  }
0xa2: {  	v20 =	vld [tilespmem:s0+$0x200]  }
0xa3: {  	v18 =	vadd.f32 v19, v18;
	v19 =	vmul.f32 v54, v3  }
0xa4: {  	v56 =	vld [tilespmem:s0+$0x280]  }
0xa5: {  	v18 =	vadd.f32 v19, v18;
	v19 =	vmul.f32 v55, v5  }
0xa6: {  	v57 =	vld [tilespmem:s0+$0x300]  }
0xa7: {  	v18 =	vadd.f32 v19, v18;
	v19 =	vmul.f32 v20, v6  }
0xa8: {  	v20 =	vld [tilespmem:s0+$0x380]  }
0xa9: {  	s10 =	sadd.s32 s2, s7;
	v18 =	vadd.f32 v19, v18;
	v19 =	vmul.f32 v56, v7  }
0xaa: {  	v58 =	vld [tilespmem:s10+$0x0]  }
0xab: {  	v18 =	vadd.f32 v19, v18;
	v19 =	vmul.f32 v57, v8  }
0xac: {  	v59 =	vld [tilespmem:s10+$0x80]  }
0xad: {  	v18 =	vadd.f32 v19, v18;
	v19 =	vmul.f32 v20, v9  }
0xae: {  	v20 =	vld [tilespmem:s10+$0x100]  }
0xaf: {  	v18 =	vadd.f32 v19, v18;
	v19 =	vmul.f32 v58, v10  }
0xb0: {  	v60 =	vld [tilespmem:s10+$0x180]  }
0xb1: {  	v18 =	vadd.f32 v19, v18;
	v19 =	vmul.f32 v59, v11  }
0xb2: {  	v61 =	vld [tilespmem:s10+$0x200]  }
0xb3: {  	v18 =	vadd.f32 v19, v18;
	v19 =	vmul.f32 v20, v12  }
0xb4: {  	v20 =	vld [tilespmem:s10+$0x280]  }
0xb5: {  	v18 =	vadd.f32 v19, v18;
	v19 =	vmul.f32 v60, v13  }
0xb6: {  	v62 =	vld [tilespmem:s10+$0x300]  }
0xb7: {  	v18 =	vadd.f32 v19, v18;
	v19 =	vmul.f32 v61, v14  }
0xb8: {  	v63 =	vld [tilespmem:s10+$0x380]  }
0xb9: {  	v18 =	vadd.f32 v19, v18;
	v19 =	vmul.f32 v20, v15;
	_ =	sdelay $0x1  }
0xba: {  	v18 =	vadd.f32 v19, v18;
	v19 =	vmul.f32 v62, v16;
	_ =	sdelay $0x1  }
0xbb: {  	s31 =	simm.s32 $0x40;
	s0 =	simm.s32 $0x200;
	v18 =	vadd.f32 v19, v18;
	v19 =	vmul.f32 v63, v17  }
0xbc: {  	p0 =	por p1, p1;
	s7 =	simm.s32 $0x80;
	s15 =	sand.u32 $0x1C00, s0  }
0xbd: {  	s30 =	sand.u32 $0x40, s31;
	s29 =	sadd.s32 s15, s24;
	s28 =	sadd.s32 s15, s26;
	v18 =	vadd.f32 v19, v18  }
.LBB2_7:
0xbe: {  	s10 =	sadd.s32 s30, s29  }
0xbf: {  	[tilespmem:s3+$0x0] =	vst v18;
	s25 =	sadd.s32 $0x40, s25;
	s3 =	smov.u32 s7;
	s2 =	sadd.s32 $0x40, s7  }
0xc0: {  	p1 =	sne.s32 s7, $0x3C0;
	v18 =	vld [tilespmem:s10+$0x0]  }
0xc1: {  	v19 =	vld [tilespmem:s10+$0x80]  }
0xc2: {  	v20 =	vld [tilespmem:s25+$0x0];
	_ =	sdelay $0x1  }
0xc3: {  	v21 =	vld [tilespmem:s10+$0x100]  }
0xc4: {  	v18 =	vmul.f32 v18, v4  }
0xc5: {  	v22 =	vld [tilespmem:s10+$0x180]  }
0xc6: {  	v19 =	vmul.f32 v19, v2;
	v18 =	vadd.f32 v18, v20  }
0xc7: {  	v20 =	vld [tilespmem:s10+$0x200]  }
0xc8: {  	v18 =	vadd.f32 v19, v18;
	v19 =	vmul.f32 v21, v3  }
0xc9: {  	v21 =	vld [tilespmem:s10+$0x280]  }
0xca: {  	v18 =	vadd.f32 v19, v18;
	v19 =	vmul.f32 v22, v5  }
0xcb: {  	v22 =	vld [tilespmem:s10+$0x300]  }
0xcc: {  	v18 =	vadd.f32 v19, v18;
	v19 =	vmul.f32 v20, v6  }
0xcd: {  	v20 =	vld [tilespmem:s10+$0x380]  }
0xce: {  	s7 =	sadd.s32 s30, s28;
	v18 =	vadd.f32 v19, v18;
	v19 =	vmul.f32 v21, v7  }
0xcf: {  	v21 =	vld [tilespmem:s7+$0x0]  }
0xd0: {  	v18 =	vadd.f32 v19, v18;
	v19 =	vmul.f32 v22, v8  }
0xd1: {  	v22 =	vld [tilespmem:s7+$0x80]  }
0xd2: {  	v18 =	vadd.f32 v19, v18;
	v19 =	vmul.f32 v20, v9  }
0xd3: {  	v20 =	vld [tilespmem:s7+$0x100]  }
0xd4: {  	v18 =	vadd.f32 v19, v18;
	v19 =	vmul.f32 v21, v10  }
0xd5: {  	v21 =	vld [tilespmem:s7+$0x180]  }
0xd6: {  	v18 =	vadd.f32 v19, v18;
	v19 =	vmul.f32 v22, v11  }
0xd7: {  	v22 =	vld [tilespmem:s7+$0x200]  }
0xd8: {  	v18 =	vadd.f32 v19, v18;
	v19 =	vmul.f32 v20, v12  }
0xd9: {  	v20 =	vld [tilespmem:s7+$0x280]  }
0xda: {  	v18 =	vadd.f32 v19, v18;
	v19 =	vmul.f32 v21, v13  }
0xdb: {  	v21 =	vld [tilespmem:s7+$0x300]  }
0xdc: {  	v18 =	vadd.f32 v19, v18;
	v19 =	vmul.f32 v22, v14  }
0xdd: {  	v22 =	vld [tilespmem:s7+$0x380]  }
0xde: {  	v18 =	vadd.f32 v19, v18;
	v19 =	vmul.f32 v20, v15;
	_ =	sdelay $0x1  }
0xdf: {  	v18 =	vadd.f32 v19, v18;
	v19 =	vmul.f32 v21, v16;
	_ =	sdelay $0x1  }
0xe0: {  	v18 =	vadd.f32 v19, v18;
	v19 =	vmul.f32 v22, v17;
	_ =	sdelay $0x1  }
0xe1: {  	v18 =	vadd.f32 v19, v18  }
0xe2: {  	s10 =	sor.u32 $0x10, s30  }
0xe3: {  	s15 =	sadd.s32 s10, s29;
	s7 =	sand.u32 $0x380, s31;
	s31 =	smov.u32 s3;
	[tilespmem:s25+$0x0] =	vst v18  }
0xe4: {  	s7 =	sadd.s32 $0x10100, s7;
	v18 =	vld [tilespmem:s15+$0x0]  }
0xe5: {  	s3 =	sor.u32 s10, s7;
	v19 =	vld [tilespmem:s15+$0x80]  }
0xe6: {  	v20 =	vld [tilespmem:s3+$0x0];
	_ =	sdelay $0x1  }
0xe7: {  	v21 =	vld [tilespmem:s15+$0x100]  }
0xe8: {  	v18 =	vmul.f32 v18, v4  }
0xe9: {  	v22 =	vld [tilespmem:s15+$0x180]  }
0xea: {  	v19 =	vmul.f32 v19, v2;
	v18 =	vadd.f32 v18, v20  }
0xeb: {  	v20 =	vld [tilespmem:s15+$0x200]  }
0xec: {  	v18 =	vadd.f32 v19, v18;
	v19 =	vmul.f32 v21, v3  }
0xed: {  	v21 =	vld [tilespmem:s15+$0x280]  }
0xee: {  	v18 =	vadd.f32 v19, v18;
	v19 =	vmul.f32 v22, v5  }
0xef: {  	v22 =	vld [tilespmem:s15+$0x300]  }
0xf0: {  	v18 =	vadd.f32 v19, v18;
	v19 =	vmul.f32 v20, v6  }
0xf1: {  	v20 =	vld [tilespmem:s15+$0x380]  }
0xf2: {  	s10 =	sadd.s32 s10, s28;
	v18 =	vadd.f32 v19, v18;
	v19 =	vmul.f32 v21, v7  }
0xf3: {  	v21 =	vld [tilespmem:s10+$0x0]  }
0xf4: {  	v18 =	vadd.f32 v19, v18;
	v19 =	vmul.f32 v22, v8  }
0xf5: {  	v22 =	vld [tilespmem:s10+$0x80]  }
0xf6: {  	v18 =	vadd.f32 v19, v18;
	v19 =	vmul.f32 v20, v9  }
0xf7: {  	v20 =	vld [tilespmem:s10+$0x100]  }
0xf8: {  	v18 =	vadd.f32 v19, v18;
	v19 =	vmul.f32 v21, v10  }
0xf9: {  	v21 =	vld [tilespmem:s10+$0x180]  }
0xfa: {  	v18 =	vadd.f32 v19, v18;
	v19 =	vmul.f32 v22, v11  }
0xfb: {  	v22 =	vld [tilespmem:s10+$0x200]  }
0xfc: {  	v18 =	vadd.f32 v19, v18;
	v19 =	vmul.f32 v20, v12  }
0xfd: {  	v20 =	vld [tilespmem:s10+$0x280]  }
0xfe: {  	v18 =	vadd.f32 v19, v18;
	v19 =	vmul.f32 v21, v13  }
0xff: {  	v21 =	vld [tilespmem:s10+$0x300]  }
0x100: {  	v18 =	vadd.f32 v19, v18;
	v19 =	vmul.f32 v22, v14  }
0x101: {  	v22 =	vld [tilespmem:s10+$0x380]  }
0x102: {  	v18 =	vadd.f32 v19, v18;
	v19 =	vmul.f32 v20, v15;
	_ =	sdelay $0x1  }
0x103: {  	v18 =	vadd.f32 v19, v18;
	v19 =	vmul.f32 v21, v16;
	_ =	sdelay $0x1  }
0x104: {  	v18 =	vadd.f32 v19, v18;
	v19 =	vmul.f32 v22, v17;
	_ =	sdelay $0x1  }
0x105: {  	v18 =	vadd.f32 v19, v18  }
0x106: {  	s10 =	sor.u32 $0x20, s30  }
0x107: {  	s15 =	sadd.s32 s10, s29;
	[tilespmem:s3+$0x0] =	vst v18  }
0x108: {  	v18 =	vld [tilespmem:s15+$0x0]  }
0x109: {  	s3 =	sor.u32 s10, s7;
	v19 =	vld [tilespmem:s15+$0x80]  }
0x10a: {  	v20 =	vld [tilespmem:s3+$0x0];
	_ =	sdelay $0x1  }
0x10b: {  	v21 =	vld [tilespmem:s15+$0x100]  }
0x10c: {  	v18 =	vmul.f32 v18, v4  }
0x10d: {  	v22 =	vld [tilespmem:s15+$0x180]  }
0x10e: {  	v19 =	vmul.f32 v19, v2;
	v18 =	vadd.f32 v18, v20  }
0x10f: {  	v20 =	vld [tilespmem:s15+$0x200]  }
0x110: {  	v18 =	vadd.f32 v19, v18;
	v19 =	vmul.f32 v21, v3  }
0x111: {  	v21 =	vld [tilespmem:s15+$0x280]  }
0x112: {  	v18 =	vadd.f32 v19, v18;
	v19 =	vmul.f32 v22, v5  }
0x113: {  	v22 =	vld [tilespmem:s15+$0x300]  }
0x114: {  	v18 =	vadd.f32 v19, v18;
	v19 =	vmul.f32 v20, v6  }
0x115: {  	v20 =	vld [tilespmem:s15+$0x380]  }
0x116: {  	s10 =	sadd.s32 s10, s28;
	v18 =	vadd.f32 v19, v18;
	v19 =	vmul.f32 v21, v7  }
0x117: {  	v21 =	vld [tilespmem:s10+$0x0]  }
0x118: {  	v18 =	vadd.f32 v19, v18;
	v19 =	vmul.f32 v22, v8  }
0x119: {  	v22 =	vld [tilespmem:s10+$0x80]  }
0x11a: {  	v18 =	vadd.f32 v19, v18;
	v19 =	vmul.f32 v20, v9  }
0x11b: {  	v20 =	vld [tilespmem:s10+$0x100]  }
0x11c: {  	v18 =	vadd.f32 v19, v18;
	v19 =	vmul.f32 v21, v10  }
0x11d: {  	v21 =	vld [tilespmem:s10+$0x180]  }
0x11e: {  	v18 =	vadd.f32 v19, v18;
	v19 =	vmul.f32 v22, v11  }
0x11f: {  	v22 =	vld [tilespmem:s10+$0x200]  }
0x120: {  	v18 =	vadd.f32 v19, v18;
	v19 =	vmul.f32 v20, v12  }
0x121: {  	v20 =	vld [tilespmem:s10+$0x280]  }
0x122: {  	v18 =	vadd.f32 v19, v18;
	v19 =	vmul.f32 v21, v13  }
0x123: {  	v21 =	vld [tilespmem:s10+$0x300]  }
0x124: {  	v18 =	vadd.f32 v19, v18;
	v19 =	vmul.f32 v22, v14  }
0x125: {  	v22 =	vld [tilespmem:s10+$0x380]  }
0x126: {  	v18 =	vadd.f32 v19, v18;
	v19 =	vmul.f32 v20, v15;
	_ =	sdelay $0x1  }
0x127: {  	v18 =	vadd.f32 v19, v18;
	v19 =	vmul.f32 v21, v16;
	_ =	sdelay $0x1  }
0x128: {  	v18 =	vadd.f32 v19, v18;
	v19 =	vmul.f32 v22, v17;
	_ =	sdelay $0x1  }
0x129: {  	v18 =	vadd.f32 v19, v18  }
0x12a: {  	s10 =	sor.u32 $0x30, s30  }
0x12b: {  	s15 =	sadd.s32 s10, s29;
	[tilespmem:s3+$0x0] =	vst v18  }
0x12c: {  	s3 =	sor.u32 s10, s7;
	v18 =	vld [tilespmem:s15+$0x0]  }
0x12d: {  	v19 =	vld [tilespmem:s3+$0x0]  }
0x12e: {  	v20 =	vld [tilespmem:s15+$0x80]  }
0x12f: {  	v21 =	vld [tilespmem:s15+$0x100]  }
0x130: {  	v22 =	vld [tilespmem:s15+$0x180]  }
0x131: {  	v18 =	vmul.f32 v18, v4;
	v23 =	vld [tilespmem:s15+$0x200]  }
0x132: {  	v24 =	vld [tilespmem:s15+$0x280]  }
0x133: {  	v18 =	vadd.f32 v18, v19;
	v19 =	vmul.f32 v20, v2;
	v20 =	vld [tilespmem:s15+$0x300]  }
0x134: {  	s7 =	sadd.s32 s10, s28;
	v25 =	vld [tilespmem:s15+$0x380]  }
0x135: {  	v18 =	vadd.f32 v19, v18;
	v19 =	vmul.f32 v21, v3;
	v21 =	vld [tilespmem:s7+$0x0]  }
0x136: {  	v26 =	vld [tilespmem:s7+$0x80]  }
0x137: {  	v18 =	vadd.f32 v19, v18;
	v19 =	vmul.f32 v22, v5;
	v22 =	vld [tilespmem:s7+$0x100]  }
0x138: {  	v27 =	vld [tilespmem:s7+$0x180]  }
0x139: {  	v18 =	vadd.f32 v19, v18;
	v19 =	vmul.f32 v23, v6;
	v23 =	vld [tilespmem:s7+$0x200]  }
0x13a: {  	v28 =	vld [tilespmem:s7+$0x280]  }
0x13b: {  	v18 =	vadd.f32 v19, v18;
	v19 =	vmul.f32 v24, v7;
	v24 =	vld [tilespmem:s7+$0x300]  }
0x13c: {  	v29 =	vld [tilespmem:s7+$0x380]  }
0x13d: {  	v18 =	vadd.f32 v19, v18;
	v19 =	vmul.f32 v20, v8;
	_ =	sdelay $0x1  }
0x13e: {  	v18 =	vadd.f32 v19, v18;
	v19 =	vmul.f32 v25, v9;
	_ =	sdelay $0x1  }
0x13f: {  	v18 =	vadd.f32 v19, v18;
	v19 =	vmul.f32 v21, v10;
	_ =	sdelay $0x1  }
0x140: {  	v18 =	vadd.f32 v19, v18;
	v19 =	vmul.f32 v26, v11;
	_ =	sdelay $0x1  }
0x141: {  	v18 =	vadd.f32 v19, v18;
	v19 =	vmul.f32 v22, v12;
	_ =	sdelay $0x1  }
0x142: {  	v18 =	vadd.f32 v19, v18;
	v19 =	vmul.f32 v27, v13;
	_ =	sdelay $0x1  }
0x143: {  	v18 =	vadd.f32 v19, v18;
	v19 =	vmul.f32 v23, v14;
	_ =	sdelay $0x1  }
0x144: {  	v18 =	vadd.f32 v19, v18;
	v19 =	vmul.f32 v28, v15;
	_ =	sdelay $0x1  }
0x145: {  	v18 =	vadd.f32 v19, v18;
	v19 =	vmul.f32 v24, v16  }
.Ltmp1:
0x146: {  	(pc) =	sbr.rel @p1 .LBB2_7-.Ltmp1, $4  }
0x147: {  	v18 =	vadd.f32 v19, v18;
	v19 =	vmul.f32 v29, v17  }
0x148: {  	s0 =	sadd.s32 $0x200, s0  }
0x149: {  	s30 =	sand.u32 $0x40, s31;
	s7 =	sand.u32 $0x1C00, s0;
	v18 =	vadd.f32 v19, v18  }
0x14a: {  	s29 =	sadd.s32 s7, s24;
	s28 =	sadd.s32 s7, s26;
	s7 =	smov.u32 s2  }
0x14b: {  	s0 =	sadd.s32 s30, s29;
	[tilespmem:s3+$0x0] =	vst v18  }
0x14c: {  	v18 =	vld [tilespmem:s0+$0x0]  }
0x14d: {  	s2 =	sadd.s32 $0x40, s25;
	v19 =	vld [tilespmem:s0+$0x80]  }
0x14e: {  	v20 =	vld [tilespmem:s2+$0x0];
	_ =	sdelay $0x1  }
0x14f: {  	v21 =	vld [tilespmem:s0+$0x100]  }
0x150: {  	v18 =	vmul.f32 v18, v4  }
0x151: {  	v22 =	vld [tilespmem:s0+$0x180]  }
0x152: {  	v19 =	vmul.f32 v19, v2;
	v18 =	vadd.f32 v18, v20  }
0x153: {  	v41 =	vld [tilespmem:s0+$0x200]  }
0x154: {  	v42 =	vmul.f32 v21, v3;
	v18 =	vadd.f32 v19, v18  }
0x155: {  	v43 =	vld [tilespmem:s0+$0x280]  }
0x156: {  	v44 =	vmul.f32 v22, v5;
	v18 =	vadd.f32 v42, v18  }
0x157: {  	v45 =	vld [tilespmem:s0+$0x300]  }
0x158: {  	v46 =	vmul.f32 v41, v6;
	v18 =	vadd.f32 v44, v18  }
0x159: {  	v47 =	vld [tilespmem:s0+$0x380]  }
0x15a: {  	s25 =	sadd.s32 s30, s28;
	v48 =	vmul.f32 v43, v7;
	v18 =	vadd.f32 v46, v18  }
0x15b: {  	v49 =	vld [tilespmem:s25+$0x0]  }
0x15c: {  	v50 =	vmul.f32 v45, v8;
	v18 =	vadd.f32 v48, v18  }
0x15d: {  	v51 =	vld [tilespmem:s25+$0x80]  }
0x15e: {  	v52 =	vmul.f32 v47, v9;
	v18 =	vadd.f32 v50, v18  }
0x15f: {  	v53 =	vld [tilespmem:s25+$0x100]  }
0x160: {  	v54 =	vmul.f32 v49, v10;
	v18 =	vadd.f32 v52, v18  }
0x161: {  	v55 =	vld [tilespmem:s25+$0x180]  }
0x162: {  	v56 =	vmul.f32 v51, v11;
	v18 =	vadd.f32 v54, v18  }
0x163: {  	v57 =	vld [tilespmem:s25+$0x200]  }
0x164: {  	v58 =	vmul.f32 v53, v12;
	v18 =	vadd.f32 v56, v18  }
0x165: {  	v59 =	vld [tilespmem:s25+$0x280]  }
0x166: {  	v60 =	vmul.f32 v55, v13;
	v18 =	vadd.f32 v58, v18  }
0x167: {  	v61 =	vld [tilespmem:s25+$0x300]  }
0x168: {  	v62 =	vmul.f32 v57, v14;
	v18 =	vadd.f32 v60, v18  }
0x169: {  	v63 =	vld [tilespmem:s25+$0x380]  }
0x16a: {  	v24 =	vmul.f32 v59, v15;
	v18 =	vadd.f32 v62, v18;
	_ =	sdelay $0x1  }
0x16b: {  	v25 =	vmul.f32 v61, v16;
	v18 =	vadd.f32 v24, v18;
	_ =	sdelay $0x1  }
0x16c: {  	v26 =	vmul.f32 v63, v17;
	v18 =	vadd.f32 v25, v18;
	_ =	sdelay $0x1  }
0x16d: {  	v18 =	vadd.f32 v26, v18  }
0x16e: {  	s26 =	sor.u32 $0x10, s30  }
0x16f: {  	s7 =	sand.u32 $0x380, s31;
	s10 =	sadd.s32 s26, s29;
	[tilespmem:s2+$0x0] =	vst v18  }
0x170: {  	s0 =	sadd.s32 $0x10100, s7;
	v18 =	vld [tilespmem:s10+$0x0]  }
0x171: {  	s7 =	sor.u32 s26, s0;
	v27 =	vld [tilespmem:s10+$0x80]  }
0x172: {  	v28 =	vld [tilespmem:s7+$0x0];
	_ =	sdelay $0x1  }
0x173: {  	v29 =	vld [tilespmem:s10+$0x100]  }
0x174: {  	v18 =	vmul.f32 v18, v4  }
0x175: {  	v30 =	vld [tilespmem:s10+$0x180]  }
0x176: {  	v19 =	vmul.f32 v27, v2;
	v18 =	vadd.f32 v18, v28  }
0x177: {  	v31 =	vld [tilespmem:s10+$0x200]  }
0x178: {  	v32 =	vmul.f32 v29, v3;
	v18 =	vadd.f32 v19, v18  }
0x179: {  	v33 =	vld [tilespmem:s10+$0x280]  }
0x17a: {  	v34 =	vmul.f32 v30, v5;
	v18 =	vadd.f32 v32, v18  }
0x17b: {  	v35 =	vld [tilespmem:s10+$0x300]  }
0x17c: {  	v36 =	vmul.f32 v31, v6;
	v18 =	vadd.f32 v34, v18  }
0x17d: {  	v37 =	vld [tilespmem:s10+$0x380]  }
0x17e: {  	s15 =	sadd.s32 s26, s28;
	v38 =	vmul.f32 v33, v7;
	v18 =	vadd.f32 v36, v18  }
0x17f: {  	v39 =	vld [tilespmem:s15+$0x0]  }
0x180: {  	v40 =	vmul.f32 v35, v8;
	v18 =	vadd.f32 v38, v18  }
0x181: {  	v41 =	vld [tilespmem:s15+$0x80]  }
0x182: {  	v42 =	vmul.f32 v37, v9;
	v18 =	vadd.f32 v40, v18  }
0x183: {  	v43 =	vld [tilespmem:s15+$0x100]  }
0x184: {  	v44 =	vmul.f32 v39, v10;
	v18 =	vadd.f32 v42, v18  }
0x185: {  	v45 =	vld [tilespmem:s15+$0x180]  }
0x186: {  	v46 =	vmul.f32 v41, v11;
	v18 =	vadd.f32 v44, v18  }
0x187: {  	v47 =	vld [tilespmem:s15+$0x200]  }
0x188: {  	v48 =	vmul.f32 v43, v12;
	v18 =	vadd.f32 v46, v18  }
0x189: {  	v49 =	vld [tilespmem:s15+$0x280]  }
0x18a: {  	v50 =	vmul.f32 v45, v13;
	v18 =	vadd.f32 v48, v18  }
0x18b: {  	v51 =	vld [tilespmem:s15+$0x300]  }
0x18c: {  	v52 =	vmul.f32 v47, v14;
	v18 =	vadd.f32 v50, v18  }
0x18d: {  	v53 =	vld [tilespmem:s15+$0x380]  }
0x18e: {  	v54 =	vmul.f32 v49, v15;
	v18 =	vadd.f32 v52, v18;
	_ =	sdelay $0x1  }
0x18f: {  	v55 =	vmul.f32 v51, v16;
	v18 =	vadd.f32 v54, v18;
	_ =	sdelay $0x1  }
0x190: {  	v56 =	vmul.f32 v53, v17;
	v18 =	vadd.f32 v55, v18;
	_ =	sdelay $0x1  }
0x191: {  	v18 =	vadd.f32 v56, v18  }
0x192: {  	s24 =	sor.u32 $0x20, s30  }
0x193: {  	s25 =	sadd.s32 s24, s29;
	[tilespmem:s7+$0x0] =	vst v18  }
0x194: {  	v18 =	vld [tilespmem:s25+$0x0]  }
0x195: {  	s26 =	sor.u32 s24, s0;
	v57 =	vld [tilespmem:s25+$0x80]  }
0x196: {  	v58 =	vld [tilespmem:s26+$0x0];
	_ =	sdelay $0x1  }
0x197: {  	v59 =	vld [tilespmem:s25+$0x100]  }
0x198: {  	v18 =	vmul.f32 v18, v4  }
0x199: {  	v60 =	vld [tilespmem:s25+$0x180]  }
0x19a: {  	v19 =	vmul.f32 v57, v2;
	v18 =	vadd.f32 v18, v58  }
0x19b: {  	v61 =	vld [tilespmem:s25+$0x200]  }
0x19c: {  	v62 =	vmul.f32 v59, v3;
	v18 =	vadd.f32 v19, v18  }
0x19d: {  	v63 =	vld [tilespmem:s25+$0x280]  }
0x19e: {  	v24 =	vmul.f32 v60, v5;
	v18 =	vadd.f32 v62, v18  }
0x19f: {  	v25 =	vld [tilespmem:s25+$0x300]  }
0x1a0: {  	v26 =	vmul.f32 v61, v6;
	v18 =	vadd.f32 v24, v18  }
0x1a1: {  	v27 =	vld [tilespmem:s25+$0x380]  }
0x1a2: {  	s2 =	sadd.s32 s24, s28;
	v28 =	vmul.f32 v63, v7;
	v18 =	vadd.f32 v26, v18  }
0x1a3: {  	v29 =	vld [tilespmem:s2+$0x0]  }
0x1a4: {  	v30 =	vmul.f32 v25, v8;
	v18 =	vadd.f32 v28, v18  }
0x1a5: {  	v31 =	vld [tilespmem:s2+$0x80]  }
0x1a6: {  	v32 =	vmul.f32 v27, v9;
	v18 =	vadd.f32 v30, v18  }
0x1a7: {  	v33 =	vld [tilespmem:s2+$0x100]  }
0x1a8: {  	v34 =	vmul.f32 v29, v10;
	v18 =	vadd.f32 v32, v18  }
0x1a9: {  	v35 =	vld [tilespmem:s2+$0x180]  }
0x1aa: {  	v36 =	vmul.f32 v31, v11;
	v18 =	vadd.f32 v34, v18  }
0x1ab: {  	v37 =	vld [tilespmem:s2+$0x200]  }
0x1ac: {  	v38 =	vmul.f32 v33, v12;
	v18 =	vadd.f32 v36, v18  }
0x1ad: {  	v39 =	vld [tilespmem:s2+$0x280]  }
0x1ae: {  	v40 =	vmul.f32 v35, v13;
	v18 =	vadd.f32 v38, v18  }
0x1af: {  	v41 =	vld [tilespmem:s2+$0x300]  }
0x1b0: {  	v42 =	vmul.f32 v37, v14;
	v18 =	vadd.f32 v40, v18  }
0x1b1: {  	v43 =	vld [tilespmem:s2+$0x380]  }
0x1b2: {  	v44 =	vmul.f32 v39, v15;
	v18 =	vadd.f32 v42, v18;
	_ =	sdelay $0x1  }
0x1b3: {  	v45 =	vmul.f32 v41, v16;
	v18 =	vadd.f32 v44, v18;
	_ =	sdelay $0x1  }
0x1b4: {  	v46 =	vmul.f32 v43, v17;
	v18 =	vadd.f32 v45, v18;
	_ =	sdelay $0x1  }
0x1b5: {  	v18 =	vadd.f32 v46, v18  }
0x1b6: {  	s30 =	sor.u32 $0x30, s30  }
0x1b7: {  	s31 =	sadd.s32 s30, s29;
	[tilespmem:s26+$0x0] =	vst v18  }
0x1b8: {  	s0 =	sor.u32 s30, s0;
	v18 =	vld [tilespmem:s31+$0x0]  }
0x1b9: {  	v47 =	vld [tilespmem:s0+$0x0]  }
0x1ba: {  	v48 =	vld [tilespmem:s31+$0x80];
	_ =	sdelay $0x1  }
0x1bb: {  	v49 =	vld [tilespmem:s31+$0x100]  }
0x1bc: {  	v50 =	vmul.f32 v18, v4  }
0x1bd: {  	v51 =	vld [tilespmem:s31+$0x180]  }
0x1be: {  	v2 =	vmul.f32 v48, v2;
	v4 =	vadd.f32 v50, v47  }
0x1bf: {  	v52 =	vld [tilespmem:s31+$0x200]  }
0x1c0: {  	v3 =	vmul.f32 v49, v3;
	v2 =	vadd.f32 v2, v4  }
0x1c1: {  	v53 =	vld [tilespmem:s31+$0x280]  }
0x1c2: {  	v2 =	vadd.f32 v3, v2;
	v3 =	vmul.f32 v51, v5  }
0x1c3: {  	v54 =	vld [tilespmem:s31+$0x300]  }
0x1c4: {  	v2 =	vadd.f32 v3, v2;
	v3 =	vmul.f32 v52, v6  }
0x1c5: {  	v55 =	vld [tilespmem:s31+$0x380]  }
0x1c6: {  	s2 =	sadd.s32 s30, s28;
	v2 =	vadd.f32 v3, v2;
	v3 =	vmul.f32 v53, v7  }
0x1c7: {  	v56 =	vld [tilespmem:s2+$0x0]  }
0x1c8: {  	v2 =	vadd.f32 v3, v2;
	v3 =	vmul.f32 v54, v8  }
0x1c9: {  	v57 =	vld [tilespmem:s2+$0x80]  }
0x1ca: {  	v2 =	vadd.f32 v3, v2;
	v3 =	vmul.f32 v55, v9  }
0x1cb: {  	v58 =	vld [tilespmem:s2+$0x100]  }
0x1cc: {  	v2 =	vadd.f32 v3, v2;
	v3 =	vmul.f32 v56, v10  }
0x1cd: {  	v59 =	vld [tilespmem:s2+$0x180]  }
0x1ce: {  	v2 =	vadd.f32 v3, v2;
	v3 =	vmul.f32 v57, v11  }
0x1cf: {  	v60 =	vld [tilespmem:s2+$0x200]  }
0x1d0: {  	v2 =	vadd.f32 v3, v2;
	v3 =	vmul.f32 v58, v12  }
0x1d1: {  	v61 =	vld [tilespmem:s2+$0x280]  }
0x1d2: {  	v2 =	vadd.f32 v3, v2;
	v3 =	vmul.f32 v59, v13  }
0x1d3: {  	v62 =	vld [tilespmem:s2+$0x300]  }
0x1d4: {  	v2 =	vadd.f32 v3, v2;
	v3 =	vmul.f32 v60, v14  }
0x1d5: {  	v63 =	vld [tilespmem:s2+$0x380]  }
0x1d6: {  	v2 =	vadd.f32 v3, v2;
	v3 =	vmul.f32 v61, v15;
	_ =	sdelay $0x1  }
0x1d7: {  	v2 =	vadd.f32 v3, v2;
	v3 =	vmul.f32 v62, v16;
	_ =	sdelay $0x1  }
.Ltmp2:
0x1d8: {  	v2 =	vadd.f32 v3, v2;
	v3 =	vmul.f32 v63, v17;
	(pc) =	sbr.rel @p0 .LBB2_6-.Ltmp2, $3  }
0x1d9: {  	_ = 	snop  }
0x1da: {  	v2 =	vadd.f32 v3, v2;
	_ =	sdelay $0x1  }
0x1db: {  	p1 =	por $0x0, $0x0;
	[tilespmem:s0+$0x0] =	vst v2;
	s0 =	simm.s32 $0x1  }
0x1dc: {  	s0 =	sshll.u32 s22, $0x10  }
0x1dd: {  	s0 =	sadd.s32 s0, s21  }
0x1de: {  	s0 =	sshrl.u32 s0, $0x3  }
0x1df: {  	s24 =	simm.s32 $0x0;
	s0 =	sadd.s32 s1, s0  }
0x1e0: {  	[tilespmem:s24], [sflag:$0x1] =	stream.linear.gather [hbm4b:s0+s24], $0x8000, $0x38;
	[tilespmem:$0x10500] =	vst v63  }
0x1e1: {  	_ =	swait.ge [sflag:s14], $0x8000  }
0x1e2: {  	s31 =	sadd.s32 $0x10000, s23;
	[sflag:s14] =	ssyncset.done $0x0  }
0x1e3: {  	p1 =	por $0x1, $0x1;
	v1 =	vmov s31;
	s0 =	simm.s32 $0x0;
	[sflag:s14] =	ssyncadd.s32 $0xFFFF8000  }
.LBB2_10:
0x1e4: {  	_ = 	snop  }
0x1e5: {  	s2 =	sshll.u32 s0, $0xE  }
0x1e6: {  	s10 =	sshll.u32 s0, $0x4;
	s3 =	sand.u32 $0x3FFFC000, s2  }
0x1e7: {  	s7 =	sand.u32 $0x1C00, s24;
	s0 =	sand.u32 $0x3FFFFFF0, s10;
	s23 =	sadd.s32 $0x8000, s3  }
0x1e8: {  	s2 =	sand.u32 $0x40, s24;
	v17 =	vld.idx.msk [tilespmem:v1+s0+$0x0 ss:$0x1], $0xffff;
	s0 =	sadd.s32 s7, s23  }
0x1e9: {  	s10 =	sadd.s32 s2, s0  }
0x1ea: {  	s25 =	simm.s32 $0x10100;
	v3 =	vld [tilespmem:s10+$0x0]  }
0x1eb: {  	v6 =	vld [tilespmem:s25+$0x0]  }
0x1ec: {  	v5 =	vld [tilespmem:s10+$0x80]  }
0x1ed: {  	v4 =	vbroadcast v17, $0x0  }
0x1ee: {  	v7 =	vld [tilespmem:s10+$0x100]  }
0x1ef: {  	v2 =	vbroadcast v17, $0x1;
	v8 =	vmul.f32 v3, v4  }
0x1f0: {  	v9 =	vld [tilespmem:s10+$0x180]  }
0x1f1: {  	v3 =	vbroadcast v17, $0x2;
	v6 =	vadd.f32 v8, v6;
	v8 =	vmul.f32 v5, v2  }
0x1f2: {  	v10 =	vld [tilespmem:s10+$0x200]  }
0x1f3: {  	v5 =	vbroadcast v17, $0x3;
	v7 =	vmul.f32 v7, v3;
	v8 =	vadd.f32 v8, v6  }
0x1f4: {  	v11 =	vld [tilespmem:s10+$0x280]  }
0x1f5: {  	v6 =	vbroadcast v17, $0x4;
	v9 =	vmul.f32 v9, v5;
	v8 =	vadd.f32 v7, v8  }
0x1f6: {  	v12 =	vld [tilespmem:s10+$0x300]  }
0x1f7: {  	s26 =	sadd.s32 $0xA000, s3;
	v7 =	vbroadcast v17, $0x5;
	v10 =	vmul.f32 v10, v6;
	v9 =	vadd.f32 v9, v8  }
0x1f8: {  	s7 =	sadd.s32 s7, s26;
	v13 =	vld [tilespmem:s10+$0x380]  }
0x1f9: {  	s15 =	sadd.s32 s2, s7;
	v8 =	vbroadcast v17, $0x6;
	v11 =	vmul.f32 v11, v7;
	v10 =	vadd.f32 v10, v9  }
0x1fa: {  	v14 =	vld [tilespmem:s15+$0x0]  }
0x1fb: {  	v9 =	vbroadcast v17, $0x7;
	v12 =	vmul.f32 v12, v8;
	v11 =	vadd.f32 v11, v10  }
0x1fc: {  	v15 =	vld [tilespmem:s15+$0x80]  }
0x1fd: {  	v10 =	vbroadcast v17, $0x8;
	v13 =	vmul.f32 v13, v9;
	v12 =	vadd.f32 v12, v11  }
0x1fe: {  	v16 =	vld [tilespmem:s15+$0x100]  }
0x1ff: {  	v11 =	vbroadcast v17, $0x9;
	v14 =	vmul.f32 v14, v10;
	v13 =	vadd.f32 v13, v12  }
0x200: {  	v18 =	vld [tilespmem:s15+$0x180]  }
0x201: {  	v12 =	vbroadcast v17, $0xA;
	v15 =	vmul.f32 v15, v11;
	v14 =	vadd.f32 v14, v13  }
0x202: {  	v19 =	vld [tilespmem:s15+$0x200]  }
0x203: {  	v13 =	vbroadcast v17, $0xB;
	v16 =	vmul.f32 v16, v12;
	v15 =	vadd.f32 v15, v14  }
0x204: {  	v20 =	vld [tilespmem:s15+$0x280]  }
0x205: {  	v14 =	vbroadcast v17, $0xC;
	v18 =	vmul.f32 v18, v13;
	v16 =	vadd.f32 v16, v15  }
0x206: {  	v21 =	vld [tilespmem:s15+$0x300]  }
0x207: {  	v15 =	vbroadcast v17, $0xD;
	v19 =	vmul.f32 v19, v14;
	v18 =	vadd.f32 v18, v16  }
0x208: {  	v22 =	vld [tilespmem:s15+$0x380]  }
0x209: {  	v16 =	vbroadcast v17, $0xE;
	v18 =	vadd.f32 v19, v18;
	v19 =	vmul.f32 v20, v15;
	_ =	sdelay $0x1  }
0x20a: {  	v17 =	vbroadcast v17, $0xF;
	v18 =	vadd.f32 v19, v18;
	v19 =	vmul.f32 v21, v16;
	_ =	sdelay $0x1  }
0x20b: {  	v18 =	vadd.f32 v19, v18;
	v19 =	vmul.f32 v22, v17;
	_ =	sdelay $0x1  }
0x20c: {  	v18 =	vadd.f32 v19, v18  }
0x20d: {  	s10 =	sor.u32 $0x10, s2  }
0x20e: {  	s3 =	sand.u32 $0x380, s24;
	s15 =	sadd.s32 s10, s0;
	[tilespmem:s25+$0x0] =	vst v18  }
0x20f: {  	s3 =	sadd.s32 $0x10100, s3;
	v18 =	vld [tilespmem:s15+$0x0]  }
0x210: {  	s28 =	sor.u32 s10, s3;
	v19 =	vld [tilespmem:s15+$0x80]  }
0x211: {  	v20 =	vld [tilespmem:s28+$0x0];
	_ =	sdelay $0x1  }
0x212: {  	v34 =	vld [tilespmem:s15+$0x100]  }
0x213: {  	v18 =	vmul.f32 v18, v4  }
0x214: {  	v35 =	vld [tilespmem:s15+$0x180]  }
0x215: {  	v19 =	vmul.f32 v19, v2;
	v18 =	vadd.f32 v18, v20  }
0x216: {  	v20 =	vld [tilespmem:s15+$0x200]  }
0x217: {  	v18 =	vadd.f32 v19, v18;
	v19 =	vmul.f32 v34, v3  }
0x218: {  	v36 =	vld [tilespmem:s15+$0x280]  }
0x219: {  	v18 =	vadd.f32 v19, v18;
	v19 =	vmul.f32 v35, v5  }
0x21a: {  	v37 =	vld [tilespmem:s15+$0x300]  }
0x21b: {  	v18 =	vadd.f32 v19, v18;
	v19 =	vmul.f32 v20, v6  }
0x21c: {  	v20 =	vld [tilespmem:s15+$0x380]  }
0x21d: {  	s10 =	sadd.s32 s10, s7;
	v18 =	vadd.f32 v19, v18;
	v19 =	vmul.f32 v36, v7  }
0x21e: {  	v38 =	vld [tilespmem:s10+$0x0]  }
0x21f: {  	v18 =	vadd.f32 v19, v18;
	v19 =	vmul.f32 v37, v8  }
0x220: {  	v39 =	vld [tilespmem:s10+$0x80]  }
0x221: {  	v18 =	vadd.f32 v19, v18;
	v19 =	vmul.f32 v20, v9  }
0x222: {  	v20 =	vld [tilespmem:s10+$0x100]  }
0x223: {  	v18 =	vadd.f32 v19, v18;
	v19 =	vmul.f32 v38, v10  }
0x224: {  	v40 =	vld [tilespmem:s10+$0x180]  }
0x225: {  	v18 =	vadd.f32 v19, v18;
	v19 =	vmul.f32 v39, v11  }
0x226: {  	v41 =	vld [tilespmem:s10+$0x200]  }
0x227: {  	v18 =	vadd.f32 v19, v18;
	v19 =	vmul.f32 v20, v12  }
0x228: {  	v20 =	vld [tilespmem:s10+$0x280]  }
0x229: {  	v18 =	vadd.f32 v19, v18;
	v19 =	vmul.f32 v40, v13  }
0x22a: {  	v42 =	vld [tilespmem:s10+$0x300]  }
0x22b: {  	v18 =	vadd.f32 v19, v18;
	v19 =	vmul.f32 v41, v14  }
0x22c: {  	v43 =	vld [tilespmem:s10+$0x380]  }
0x22d: {  	v18 =	vadd.f32 v19, v18;
	v19 =	vmul.f32 v20, v15;
	_ =	sdelay $0x1  }
0x22e: {  	v18 =	vadd.f32 v19, v18;
	v19 =	vmul.f32 v42, v16;
	_ =	sdelay $0x1  }
0x22f: {  	v18 =	vadd.f32 v19, v18;
	v19 =	vmul.f32 v43, v17;
	_ =	sdelay $0x1  }
0x230: {  	v18 =	vadd.f32 v19, v18  }
0x231: {  	s10 =	sor.u32 $0x20, s2  }
0x232: {  	s15 =	sadd.s32 s10, s0;
	[tilespmem:s28+$0x0] =	vst v18  }
0x233: {  	v18 =	vld [tilespmem:s15+$0x0]  }
0x234: {  	s28 =	sor.u32 s10, s3;
	v19 =	vld [tilespmem:s15+$0x80]  }
0x235: {  	v20 =	vld [tilespmem:s28+$0x0];
	_ =	sdelay $0x1  }
0x236: {  	v44 =	vld [tilespmem:s15+$0x100]  }
0x237: {  	v18 =	vmul.f32 v18, v4  }
0x238: {  	v45 =	vld [tilespmem:s15+$0x180]  }
0x239: {  	v19 =	vmul.f32 v19, v2;
	v18 =	vadd.f32 v18, v20  }
0x23a: {  	v20 =	vld [tilespmem:s15+$0x200]  }
0x23b: {  	v18 =	vadd.f32 v19, v18;
	v19 =	vmul.f32 v44, v3  }
0x23c: {  	v46 =	vld [tilespmem:s15+$0x280]  }
0x23d: {  	v18 =	vadd.f32 v19, v18;
	v19 =	vmul.f32 v45, v5  }
0x23e: {  	v47 =	vld [tilespmem:s15+$0x300]  }
0x23f: {  	v18 =	vadd.f32 v19, v18;
	v19 =	vmul.f32 v20, v6  }
0x240: {  	v20 =	vld [tilespmem:s15+$0x380]  }
0x241: {  	s10 =	sadd.s32 s10, s7;
	v18 =	vadd.f32 v19, v18;
	v19 =	vmul.f32 v46, v7  }
0x242: {  	v48 =	vld [tilespmem:s10+$0x0]  }
0x243: {  	v18 =	vadd.f32 v19, v18;
	v19 =	vmul.f32 v47, v8  }
0x244: {  	v49 =	vld [tilespmem:s10+$0x80]  }
0x245: {  	v18 =	vadd.f32 v19, v18;
	v19 =	vmul.f32 v20, v9  }
0x246: {  	v20 =	vld [tilespmem:s10+$0x100]  }
0x247: {  	v18 =	vadd.f32 v19, v18;
	v19 =	vmul.f32 v48, v10  }
0x248: {  	v50 =	vld [tilespmem:s10+$0x180]  }
0x249: {  	v18 =	vadd.f32 v19, v18;
	v19 =	vmul.f32 v49, v11  }
0x24a: {  	v51 =	vld [tilespmem:s10+$0x200]  }
0x24b: {  	v18 =	vadd.f32 v19, v18;
	v19 =	vmul.f32 v20, v12  }
0x24c: {  	v20 =	vld [tilespmem:s10+$0x280]  }
0x24d: {  	v18 =	vadd.f32 v19, v18;
	v19 =	vmul.f32 v50, v13  }
0x24e: {  	v52 =	vld [tilespmem:s10+$0x300]  }
0x24f: {  	v18 =	vadd.f32 v19, v18;
	v19 =	vmul.f32 v51, v14  }
0x250: {  	v53 =	vld [tilespmem:s10+$0x380]  }
0x251: {  	v18 =	vadd.f32 v19, v18;
	v19 =	vmul.f32 v20, v15;
	_ =	sdelay $0x1  }
0x252: {  	v18 =	vadd.f32 v19, v18;
	v19 =	vmul.f32 v52, v16;
	_ =	sdelay $0x1  }
0x253: {  	v18 =	vadd.f32 v19, v18;
	v19 =	vmul.f32 v53, v17;
	_ =	sdelay $0x1  }
0x254: {  	v18 =	vadd.f32 v19, v18  }
0x255: {  	s2 =	sor.u32 $0x30, s2  }
0x256: {  	s0 =	sadd.s32 s2, s0;
	[tilespmem:s28+$0x0] =	vst v18  }
0x257: {  	s3 =	sor.u32 s2, s3;
	v18 =	vld [tilespmem:s0+$0x0]  }
0x258: {  	v19 =	vld [tilespmem:s3+$0x0]  }
0x259: {  	v20 =	vld [tilespmem:s0+$0x80];
	_ =	sdelay $0x1  }
0x25a: {  	v54 =	vld [tilespmem:s0+$0x100]  }
0x25b: {  	v18 =	vmul.f32 v18, v4  }
0x25c: {  	v55 =	vld [tilespmem:s0+$0x180]  }
0x25d: {  	v18 =	vadd.f32 v18, v19;
	v19 =	vmul.f32 v20, v2  }
0x25e: {  	v20 =	vld [tilespmem:s0+$0x200]  }
0x25f: {  	v18 =	vadd.f32 v19, v18;
	v19 =	vmul.f32 v54, v3  }
0x260: {  	v56 =	vld [tilespmem:s0+$0x280]  }
0x261: {  	v18 =	vadd.f32 v19, v18;
	v19 =	vmul.f32 v55, v5  }
0x262: {  	v57 =	vld [tilespmem:s0+$0x300]  }
0x263: {  	v18 =	vadd.f32 v19, v18;
	v19 =	vmul.f32 v20, v6  }
0x264: {  	v20 =	vld [tilespmem:s0+$0x380]  }
0x265: {  	s10 =	sadd.s32 s2, s7;
	v18 =	vadd.f32 v19, v18;
	v19 =	vmul.f32 v56, v7  }
0x266: {  	v58 =	vld [tilespmem:s10+$0x0]  }
0x267: {  	v18 =	vadd.f32 v19, v18;
	v19 =	vmul.f32 v57, v8  }
0x268: {  	v59 =	vld [tilespmem:s10+$0x80]  }
0x269: {  	v18 =	vadd.f32 v19, v18;
	v19 =	vmul.f32 v20, v9  }
0x26a: {  	v20 =	vld [tilespmem:s10+$0x100]  }
0x26b: {  	v18 =	vadd.f32 v19, v18;
	v19 =	vmul.f32 v58, v10  }
0x26c: {  	v60 =	vld [tilespmem:s10+$0x180]  }
0x26d: {  	v18 =	vadd.f32 v19, v18;
	v19 =	vmul.f32 v59, v11  }
0x26e: {  	v61 =	vld [tilespmem:s10+$0x200]  }
0x26f: {  	v18 =	vadd.f32 v19, v18;
	v19 =	vmul.f32 v20, v12  }
0x270: {  	v20 =	vld [tilespmem:s10+$0x280]  }
0x271: {  	v18 =	vadd.f32 v19, v18;
	v19 =	vmul.f32 v60, v13  }
0x272: {  	v62 =	vld [tilespmem:s10+$0x300]  }
0x273: {  	v18 =	vadd.f32 v19, v18;
	v19 =	vmul.f32 v61, v14  }
0x274: {  	v63 =	vld [tilespmem:s10+$0x380]  }
0x275: {  	v18 =	vadd.f32 v19, v18;
	v19 =	vmul.f32 v20, v15;
	_ =	sdelay $0x1  }
0x276: {  	v18 =	vadd.f32 v19, v18;
	v19 =	vmul.f32 v62, v16;
	_ =	sdelay $0x1  }
0x277: {  	s31 =	simm.s32 $0x40;
	s0 =	simm.s32 $0x200;
	v18 =	vadd.f32 v19, v18;
	v19 =	vmul.f32 v63, v17  }
0x278: {  	p0 =	por p1, p1;
	s30 =	sand.u32 $0x40, s31;
	s15 =	sand.u32 $0x1C00, s0  }
0x279: {  	s7 =	simm.s32 $0x80;
	s29 =	sadd.s32 s15, s23;
	s28 =	sadd.s32 s15, s26;
	v18 =	vadd.f32 v19, v18  }
.LBB2_11:
0x27a: {  	s10 =	sadd.s32 s30, s29  }
0x27b: {  	[tilespmem:s3+$0x0] =	vst v18;
	s25 =	sadd.s32 $0x40, s25;
	s3 =	smov.u32 s7;
	s2 =	sadd.s32 $0x40, s7  }
0x27c: {  	p1 =	sne.s32 s7, $0x3C0;
	v18 =	vld [tilespmem:s10+$0x0]  }
0x27d: {  	v19 =	vld [tilespmem:s10+$0x80]  }
0x27e: {  	v20 =	vld [tilespmem:s25+$0x0];
	_ =	sdelay $0x1  }
0x27f: {  	v21 =	vld [tilespmem:s10+$0x100]  }
0x280: {  	v18 =	vmul.f32 v18, v4  }
0x281: {  	v22 =	vld [tilespmem:s10+$0x180]  }
0x282: {  	v19 =	vmul.f32 v19, v2;
	v18 =	vadd.f32 v18, v20  }
0x283: {  	v20 =	vld [tilespmem:s10+$0x200]  }
0x284: {  	v18 =	vadd.f32 v19, v18;
	v19 =	vmul.f32 v21, v3  }
0x285: {  	v21 =	vld [tilespmem:s10+$0x280]  }
0x286: {  	v18 =	vadd.f32 v19, v18;
	v19 =	vmul.f32 v22, v5  }
0x287: {  	v22 =	vld [tilespmem:s10+$0x300]  }
0x288: {  	v18 =	vadd.f32 v19, v18;
	v19 =	vmul.f32 v20, v6  }
0x289: {  	v20 =	vld [tilespmem:s10+$0x380]  }
0x28a: {  	s7 =	sadd.s32 s30, s28;
	v18 =	vadd.f32 v19, v18;
	v19 =	vmul.f32 v21, v7  }
0x28b: {  	v21 =	vld [tilespmem:s7+$0x0]  }
0x28c: {  	v18 =	vadd.f32 v19, v18;
	v19 =	vmul.f32 v22, v8  }
0x28d: {  	v22 =	vld [tilespmem:s7+$0x80]  }
0x28e: {  	v18 =	vadd.f32 v19, v18;
	v19 =	vmul.f32 v20, v9  }
0x28f: {  	v20 =	vld [tilespmem:s7+$0x100]  }
0x290: {  	v18 =	vadd.f32 v19, v18;
	v19 =	vmul.f32 v21, v10  }
0x291: {  	v21 =	vld [tilespmem:s7+$0x180]  }
0x292: {  	v18 =	vadd.f32 v19, v18;
	v19 =	vmul.f32 v22, v11  }
0x293: {  	v22 =	vld [tilespmem:s7+$0x200]  }
0x294: {  	v18 =	vadd.f32 v19, v18;
	v19 =	vmul.f32 v20, v12  }
0x295: {  	v20 =	vld [tilespmem:s7+$0x280]  }
0x296: {  	v18 =	vadd.f32 v19, v18;
	v19 =	vmul.f32 v21, v13  }
0x297: {  	v21 =	vld [tilespmem:s7+$0x300]  }
0x298: {  	v18 =	vadd.f32 v19, v18;
	v19 =	vmul.f32 v22, v14  }
0x299: {  	v22 =	vld [tilespmem:s7+$0x380]  }
0x29a: {  	v18 =	vadd.f32 v19, v18;
	v19 =	vmul.f32 v20, v15;
	_ =	sdelay $0x1  }
0x29b: {  	v18 =	vadd.f32 v19, v18;
	v19 =	vmul.f32 v21, v16;
	_ =	sdelay $0x1  }
0x29c: {  	v18 =	vadd.f32 v19, v18;
	v19 =	vmul.f32 v22, v17;
	_ =	sdelay $0x1  }
0x29d: {  	v18 =	vadd.f32 v19, v18  }
0x29e: {  	s10 =	sor.u32 $0x10, s30  }
0x29f: {  	s15 =	sadd.s32 s10, s29;
	s7 =	sand.u32 $0x380, s31;
	s31 =	smov.u32 s3;
	[tilespmem:s25+$0x0] =	vst v18  }
0x2a0: {  	s7 =	sadd.s32 $0x10100, s7;
	v18 =	vld [tilespmem:s15+$0x0]  }
0x2a1: {  	s3 =	sor.u32 s10, s7;
	v19 =	vld [tilespmem:s15+$0x80]  }
0x2a2: {  	v20 =	vld [tilespmem:s3+$0x0];
	_ =	sdelay $0x1  }
0x2a3: {  	v21 =	vld [tilespmem:s15+$0x100]  }
0x2a4: {  	v18 =	vmul.f32 v18, v4  }
0x2a5: {  	v22 =	vld [tilespmem:s15+$0x180]  }
0x2a6: {  	v19 =	vmul.f32 v19, v2;
	v18 =	vadd.f32 v18, v20  }
0x2a7: {  	v20 =	vld [tilespmem:s15+$0x200]  }
0x2a8: {  	v18 =	vadd.f32 v19, v18;
	v19 =	vmul.f32 v21, v3  }
0x2a9: {  	v21 =	vld [tilespmem:s15+$0x280]  }
0x2aa: {  	v18 =	vadd.f32 v19, v18;
	v19 =	vmul.f32 v22, v5  }
0x2ab: {  	v22 =	vld [tilespmem:s15+$0x300]  }
0x2ac: {  	v18 =	vadd.f32 v19, v18;
	v19 =	vmul.f32 v20, v6  }
0x2ad: {  	v20 =	vld [tilespmem:s15+$0x380]  }
0x2ae: {  	s10 =	sadd.s32 s10, s28;
	v18 =	vadd.f32 v19, v18;
	v19 =	vmul.f32 v21, v7  }
0x2af: {  	v21 =	vld [tilespmem:s10+$0x0]  }
0x2b0: {  	v18 =	vadd.f32 v19, v18;
	v19 =	vmul.f32 v22, v8  }
0x2b1: {  	v22 =	vld [tilespmem:s10+$0x80]  }
0x2b2: {  	v18 =	vadd.f32 v19, v18;
	v19 =	vmul.f32 v20, v9  }
0x2b3: {  	v20 =	vld [tilespmem:s10+$0x100]  }
0x2b4: {  	v18 =	vadd.f32 v19, v18;
	v19 =	vmul.f32 v21, v10  }
0x2b5: {  	v21 =	vld [tilespmem:s10+$0x180]  }
0x2b6: {  	v18 =	vadd.f32 v19, v18;
	v19 =	vmul.f32 v22, v11  }
0x2b7: {  	v22 =	vld [tilespmem:s10+$0x200]  }
0x2b8: {  	v18 =	vadd.f32 v19, v18;
	v19 =	vmul.f32 v20, v12  }
0x2b9: {  	v20 =	vld [tilespmem:s10+$0x280]  }
0x2ba: {  	v18 =	vadd.f32 v19, v18;
	v19 =	vmul.f32 v21, v13  }
0x2bb: {  	v21 =	vld [tilespmem:s10+$0x300]  }
0x2bc: {  	v18 =	vadd.f32 v19, v18;
	v19 =	vmul.f32 v22, v14  }
0x2bd: {  	v22 =	vld [tilespmem:s10+$0x380]  }
0x2be: {  	v18 =	vadd.f32 v19, v18;
	v19 =	vmul.f32 v20, v15;
	_ =	sdelay $0x1  }
0x2bf: {  	v18 =	vadd.f32 v19, v18;
	v19 =	vmul.f32 v21, v16;
	_ =	sdelay $0x1  }
0x2c0: {  	v18 =	vadd.f32 v19, v18;
	v19 =	vmul.f32 v22, v17;
	_ =	sdelay $0x1  }
0x2c1: {  	v18 =	vadd.f32 v19, v18  }
0x2c2: {  	s10 =	sor.u32 $0x20, s30  }
0x2c3: {  	s15 =	sadd.s32 s10, s29;
	[tilespmem:s3+$0x0] =	vst v18  }
0x2c4: {  	v18 =	vld [tilespmem:s15+$0x0]  }
0x2c5: {  	s3 =	sor.u32 s10, s7;
	v19 =	vld [tilespmem:s15+$0x80]  }
0x2c6: {  	v20 =	vld [tilespmem:s3+$0x0];
	_ =	sdelay $0x1  }
0x2c7: {  	v21 =	vld [tilespmem:s15+$0x100]  }
0x2c8: {  	v18 =	vmul.f32 v18, v4  }
0x2c9: {  	v22 =	vld [tilespmem:s15+$0x180]  }
0x2ca: {  	v19 =	vmul.f32 v19, v2;
	v18 =	vadd.f32 v18, v20  }
0x2cb: {  	v20 =	vld [tilespmem:s15+$0x200]  }
0x2cc: {  	v18 =	vadd.f32 v19, v18;
	v19 =	vmul.f32 v21, v3  }
0x2cd: {  	v21 =	vld [tilespmem:s15+$0x280]  }
0x2ce: {  	v18 =	vadd.f32 v19, v18;
	v19 =	vmul.f32 v22, v5  }
0x2cf: {  	v22 =	vld [tilespmem:s15+$0x300]  }
0x2d0: {  	v18 =	vadd.f32 v19, v18;
	v19 =	vmul.f32 v20, v6  }
0x2d1: {  	v20 =	vld [tilespmem:s15+$0x380]  }
0x2d2: {  	s10 =	sadd.s32 s10, s28;
	v18 =	vadd.f32 v19, v18;
	v19 =	vmul.f32 v21, v7  }
0x2d3: {  	v21 =	vld [tilespmem:s10+$0x0]  }
0x2d4: {  	v18 =	vadd.f32 v19, v18;
	v19 =	vmul.f32 v22, v8  }
0x2d5: {  	v22 =	vld [tilespmem:s10+$0x80]  }
0x2d6: {  	v18 =	vadd.f32 v19, v18;
	v19 =	vmul.f32 v20, v9  }
0x2d7: {  	v20 =	vld [tilespmem:s10+$0x100]  }
0x2d8: {  	v18 =	vadd.f32 v19, v18;
	v19 =	vmul.f32 v21, v10  }
0x2d9: {  	v21 =	vld [tilespmem:s10+$0x180]  }
0x2da: {  	v18 =	vadd.f32 v19, v18;
	v19 =	vmul.f32 v22, v11  }
0x2db: {  	v22 =	vld [tilespmem:s10+$0x200]  }
0x2dc: {  	v18 =	vadd.f32 v19, v18;
	v19 =	vmul.f32 v20, v12  }
0x2dd: {  	v20 =	vld [tilespmem:s10+$0x280]  }
0x2de: {  	v18 =	vadd.f32 v19, v18;
	v19 =	vmul.f32 v21, v13  }
0x2df: {  	v21 =	vld [tilespmem:s10+$0x300]  }
0x2e0: {  	v18 =	vadd.f32 v19, v18;
	v19 =	vmul.f32 v22, v14  }
0x2e1: {  	v22 =	vld [tilespmem:s10+$0x380]  }
0x2e2: {  	v18 =	vadd.f32 v19, v18;
	v19 =	vmul.f32 v20, v15;
	_ =	sdelay $0x1  }
0x2e3: {  	v18 =	vadd.f32 v19, v18;
	v19 =	vmul.f32 v21, v16;
	_ =	sdelay $0x1  }
0x2e4: {  	v18 =	vadd.f32 v19, v18;
	v19 =	vmul.f32 v22, v17;
	_ =	sdelay $0x1  }
0x2e5: {  	v18 =	vadd.f32 v19, v18  }
0x2e6: {  	s10 =	sor.u32 $0x30, s30  }
0x2e7: {  	s15 =	sadd.s32 s10, s29;
	[tilespmem:s3+$0x0] =	vst v18  }
0x2e8: {  	s3 =	sor.u32 s10, s7;
	v18 =	vld [tilespmem:s15+$0x0]  }
0x2e9: {  	v19 =	vld [tilespmem:s3+$0x0]  }
0x2ea: {  	v20 =	vld [tilespmem:s15+$0x80]  }
0x2eb: {  	v21 =	vld [tilespmem:s15+$0x100]  }
0x2ec: {  	v22 =	vld [tilespmem:s15+$0x180]  }
0x2ed: {  	v18 =	vmul.f32 v18, v4;
	v23 =	vld [tilespmem:s15+$0x200]  }
0x2ee: {  	v24 =	vld [tilespmem:s15+$0x280]  }
0x2ef: {  	v18 =	vadd.f32 v18, v19;
	v19 =	vmul.f32 v20, v2;
	v20 =	vld [tilespmem:s15+$0x300]  }
0x2f0: {  	s7 =	sadd.s32 s10, s28;
	v25 =	vld [tilespmem:s15+$0x380]  }
0x2f1: {  	v18 =	vadd.f32 v19, v18;
	v19 =	vmul.f32 v21, v3;
	v21 =	vld [tilespmem:s7+$0x0]  }
0x2f2: {  	v26 =	vld [tilespmem:s7+$0x80]  }
0x2f3: {  	v18 =	vadd.f32 v19, v18;
	v19 =	vmul.f32 v22, v5;
	v22 =	vld [tilespmem:s7+$0x100]  }
0x2f4: {  	v27 =	vld [tilespmem:s7+$0x180]  }
0x2f5: {  	v18 =	vadd.f32 v19, v18;
	v19 =	vmul.f32 v23, v6;
	v23 =	vld [tilespmem:s7+$0x200]  }
0x2f6: {  	v28 =	vld [tilespmem:s7+$0x280]  }
0x2f7: {  	v18 =	vadd.f32 v19, v18;
	v19 =	vmul.f32 v24, v7;
	v24 =	vld [tilespmem:s7+$0x300]  }
0x2f8: {  	v29 =	vld [tilespmem:s7+$0x380]  }
0x2f9: {  	v18 =	vadd.f32 v19, v18;
	v19 =	vmul.f32 v20, v8;
	_ =	sdelay $0x1  }
0x2fa: {  	v18 =	vadd.f32 v19, v18;
	v19 =	vmul.f32 v25, v9;
	_ =	sdelay $0x1  }
0x2fb: {  	v18 =	vadd.f32 v19, v18;
	v19 =	vmul.f32 v21, v10;
	_ =	sdelay $0x1  }
0x2fc: {  	v18 =	vadd.f32 v19, v18;
	v19 =	vmul.f32 v26, v11;
	_ =	sdelay $0x1  }
0x2fd: {  	v18 =	vadd.f32 v19, v18;
	v19 =	vmul.f32 v22, v12;
	_ =	sdelay $0x1  }
0x2fe: {  	v18 =	vadd.f32 v19, v18;
	v19 =	vmul.f32 v27, v13;
	_ =	sdelay $0x1  }
0x2ff: {  	v18 =	vadd.f32 v19, v18;
	v19 =	vmul.f32 v23, v14;
	_ =	sdelay $0x1  }
0x300: {  	v18 =	vadd.f32 v19, v18;
	v19 =	vmul.f32 v28, v15;
	_ =	sdelay $0x1  }
0x301: {  	v18 =	vadd.f32 v19, v18;
	v19 =	vmul.f32 v24, v16  }
.Ltmp3:
0x302: {  	(pc) =	sbr.rel @p1 .LBB2_11-.Ltmp3, $4  }
0x303: {  	v18 =	vadd.f32 v19, v18;
	v19 =	vmul.f32 v29, v17  }
0x304: {  	s0 =	sadd.s32 $0x200, s0  }
0x305: {  	s30 =	sand.u32 $0x40, s31;
	s7 =	sand.u32 $0x1C00, s0;
	v18 =	vadd.f32 v19, v18  }
0x306: {  	s29 =	sadd.s32 s7, s23;
	s28 =	sadd.s32 s7, s26;
	s7 =	smov.u32 s2  }
0x307: {  	s0 =	sadd.s32 s30, s29;
	[tilespmem:s3+$0x0] =	vst v18  }
0x308: {  	v18 =	vld [tilespmem:s0+$0x0]  }
0x309: {  	s2 =	sadd.s32 $0x40, s25;
	v19 =	vld [tilespmem:s0+$0x80]  }
0x30a: {  	v20 =	vld [tilespmem:s2+$0x0];
	_ =	sdelay $0x1  }
0x30b: {  	v21 =	vld [tilespmem:s0+$0x100]  }
0x30c: {  	v18 =	vmul.f32 v18, v4  }
0x30d: {  	v22 =	vld [tilespmem:s0+$0x180]  }
0x30e: {  	v19 =	vmul.f32 v19, v2;
	v18 =	vadd.f32 v18, v20  }
0x30f: {  	v41 =	vld [tilespmem:s0+$0x200]  }
0x310: {  	v42 =	vmul.f32 v21, v3;
	v18 =	vadd.f32 v19, v18  }
0x311: {  	v43 =	vld [tilespmem:s0+$0x280]  }
0x312: {  	v44 =	vmul.f32 v22, v5;
	v18 =	vadd.f32 v42, v18  }
0x313: {  	v45 =	vld [tilespmem:s0+$0x300]  }
0x314: {  	v46 =	vmul.f32 v41, v6;
	v18 =	vadd.f32 v44, v18  }
0x315: {  	v47 =	vld [tilespmem:s0+$0x380]  }
0x316: {  	s25 =	sadd.s32 s30, s28;
	v48 =	vmul.f32 v43, v7;
	v18 =	vadd.f32 v46, v18  }
0x317: {  	v49 =	vld [tilespmem:s25+$0x0]  }
0x318: {  	v50 =	vmul.f32 v45, v8;
	v18 =	vadd.f32 v48, v18  }
0x319: {  	v51 =	vld [tilespmem:s25+$0x80]  }
0x31a: {  	v52 =	vmul.f32 v47, v9;
	v18 =	vadd.f32 v50, v18  }
0x31b: {  	v53 =	vld [tilespmem:s25+$0x100]  }
0x31c: {  	v54 =	vmul.f32 v49, v10;
	v18 =	vadd.f32 v52, v18  }
0x31d: {  	v55 =	vld [tilespmem:s25+$0x180]  }
0x31e: {  	v56 =	vmul.f32 v51, v11;
	v18 =	vadd.f32 v54, v18  }
0x31f: {  	v57 =	vld [tilespmem:s25+$0x200]  }
0x320: {  	v58 =	vmul.f32 v53, v12;
	v18 =	vadd.f32 v56, v18  }
0x321: {  	v59 =	vld [tilespmem:s25+$0x280]  }
0x322: {  	v60 =	vmul.f32 v55, v13;
	v18 =	vadd.f32 v58, v18  }
0x323: {  	v61 =	vld [tilespmem:s25+$0x300]  }
0x324: {  	v62 =	vmul.f32 v57, v14;
	v18 =	vadd.f32 v60, v18  }
0x325: {  	v63 =	vld [tilespmem:s25+$0x380]  }
0x326: {  	v24 =	vmul.f32 v59, v15;
	v18 =	vadd.f32 v62, v18;
	_ =	sdelay $0x1  }
0x327: {  	v25 =	vmul.f32 v61, v16;
	v18 =	vadd.f32 v24, v18;
	_ =	sdelay $0x1  }
0x328: {  	v26 =	vmul.f32 v63, v17;
	v18 =	vadd.f32 v25, v18;
	_ =	sdelay $0x1  }
0x329: {  	v18 =	vadd.f32 v26, v18  }
0x32a: {  	s26 =	sor.u32 $0x10, s30  }
0x32b: {  	s7 =	sand.u32 $0x380, s31;
	s10 =	sadd.s32 s26, s29;
	[tilespmem:s2+$0x0] =	vst v18  }
0x32c: {  	s0 =	sadd.s32 $0x10100, s7;
	v18 =	vld [tilespmem:s10+$0x0]  }
0x32d: {  	s7 =	sor.u32 s26, s0;
	v27 =	vld [tilespmem:s10+$0x80]  }
0x32e: {  	v28 =	vld [tilespmem:s7+$0x0];
	_ =	sdelay $0x1  }
0x32f: {  	v29 =	vld [tilespmem:s10+$0x100]  }
0x330: {  	v18 =	vmul.f32 v18, v4  }
0x331: {  	v30 =	vld [tilespmem:s10+$0x180]  }
0x332: {  	v19 =	vmul.f32 v27, v2;
	v18 =	vadd.f32 v18, v28  }
0x333: {  	v31 =	vld [tilespmem:s10+$0x200]  }
0x334: {  	v32 =	vmul.f32 v29, v3;
	v18 =	vadd.f32 v19, v18  }
0x335: {  	v33 =	vld [tilespmem:s10+$0x280]  }
0x336: {  	v34 =	vmul.f32 v30, v5;
	v18 =	vadd.f32 v32, v18  }
0x337: {  	v35 =	vld [tilespmem:s10+$0x300]  }
0x338: {  	v36 =	vmul.f32 v31, v6;
	v18 =	vadd.f32 v34, v18  }
0x339: {  	v37 =	vld [tilespmem:s10+$0x380]  }
0x33a: {  	s15 =	sadd.s32 s26, s28;
	v38 =	vmul.f32 v33, v7;
	v18 =	vadd.f32 v36, v18  }
0x33b: {  	v39 =	vld [tilespmem:s15+$0x0]  }
0x33c: {  	v40 =	vmul.f32 v35, v8;
	v18 =	vadd.f32 v38, v18  }
0x33d: {  	v41 =	vld [tilespmem:s15+$0x80]  }
0x33e: {  	v42 =	vmul.f32 v37, v9;
	v18 =	vadd.f32 v40, v18  }
0x33f: {  	v43 =	vld [tilespmem:s15+$0x100]  }
0x340: {  	v44 =	vmul.f32 v39, v10;
	v18 =	vadd.f32 v42, v18  }
0x341: {  	v45 =	vld [tilespmem:s15+$0x180]  }
0x342: {  	v46 =	vmul.f32 v41, v11;
	v18 =	vadd.f32 v44, v18  }
0x343: {  	v47 =	vld [tilespmem:s15+$0x200]  }
0x344: {  	v48 =	vmul.f32 v43, v12;
	v18 =	vadd.f32 v46, v18  }
0x345: {  	v49 =	vld [tilespmem:s15+$0x280]  }
0x346: {  	v50 =	vmul.f32 v45, v13;
	v18 =	vadd.f32 v48, v18  }
0x347: {  	v51 =	vld [tilespmem:s15+$0x300]  }
0x348: {  	v52 =	vmul.f32 v47, v14;
	v18 =	vadd.f32 v50, v18  }
0x349: {  	v53 =	vld [tilespmem:s15+$0x380]  }
0x34a: {  	v54 =	vmul.f32 v49, v15;
	v18 =	vadd.f32 v52, v18;
	_ =	sdelay $0x1  }
0x34b: {  	v55 =	vmul.f32 v51, v16;
	v18 =	vadd.f32 v54, v18;
	_ =	sdelay $0x1  }
0x34c: {  	v56 =	vmul.f32 v53, v17;
	v18 =	vadd.f32 v55, v18;
	_ =	sdelay $0x1  }
0x34d: {  	v18 =	vadd.f32 v56, v18  }
0x34e: {  	s23 =	sor.u32 $0x20, s30  }
0x34f: {  	s25 =	sadd.s32 s23, s29;
	[tilespmem:s7+$0x0] =	vst v18  }
0x350: {  	v18 =	vld [tilespmem:s25+$0x0]  }
0x351: {  	s26 =	sor.u32 s23, s0;
	v57 =	vld [tilespmem:s25+$0x80]  }
0x352: {  	v58 =	vld [tilespmem:s26+$0x0];
	_ =	sdelay $0x1  }
0x353: {  	v59 =	vld [tilespmem:s25+$0x100]  }
0x354: {  	v18 =	vmul.f32 v18, v4  }
0x355: {  	v60 =	vld [tilespmem:s25+$0x180]  }
0x356: {  	v19 =	vmul.f32 v57, v2;
	v18 =	vadd.f32 v18, v58  }
0x357: {  	v61 =	vld [tilespmem:s25+$0x200]  }
0x358: {  	v62 =	vmul.f32 v59, v3;
	v18 =	vadd.f32 v19, v18  }
0x359: {  	v63 =	vld [tilespmem:s25+$0x280]  }
0x35a: {  	v24 =	vmul.f32 v60, v5;
	v18 =	vadd.f32 v62, v18  }
0x35b: {  	v25 =	vld [tilespmem:s25+$0x300]  }
0x35c: {  	v26 =	vmul.f32 v61, v6;
	v18 =	vadd.f32 v24, v18  }
0x35d: {  	v27 =	vld [tilespmem:s25+$0x380]  }
0x35e: {  	s2 =	sadd.s32 s23, s28;
	v28 =	vmul.f32 v63, v7;
	v18 =	vadd.f32 v26, v18  }
0x35f: {  	v29 =	vld [tilespmem:s2+$0x0]  }
0x360: {  	v30 =	vmul.f32 v25, v8;
	v18 =	vadd.f32 v28, v18  }
0x361: {  	v31 =	vld [tilespmem:s2+$0x80]  }
0x362: {  	v32 =	vmul.f32 v27, v9;
	v18 =	vadd.f32 v30, v18  }
0x363: {  	v33 =	vld [tilespmem:s2+$0x100]  }
0x364: {  	v34 =	vmul.f32 v29, v10;
	v18 =	vadd.f32 v32, v18  }
0x365: {  	v35 =	vld [tilespmem:s2+$0x180]  }
0x366: {  	v36 =	vmul.f32 v31, v11;
	v18 =	vadd.f32 v34, v18  }
0x367: {  	v37 =	vld [tilespmem:s2+$0x200]  }
0x368: {  	v38 =	vmul.f32 v33, v12;
	v18 =	vadd.f32 v36, v18  }
0x369: {  	v39 =	vld [tilespmem:s2+$0x280]  }
0x36a: {  	v40 =	vmul.f32 v35, v13;
	v18 =	vadd.f32 v38, v18  }
0x36b: {  	v41 =	vld [tilespmem:s2+$0x300]  }
0x36c: {  	v42 =	vmul.f32 v37, v14;
	v18 =	vadd.f32 v40, v18  }
0x36d: {  	v43 =	vld [tilespmem:s2+$0x380]  }
0x36e: {  	v44 =	vmul.f32 v39, v15;
	v18 =	vadd.f32 v42, v18;
	_ =	sdelay $0x1  }
0x36f: {  	v45 =	vmul.f32 v41, v16;
	v18 =	vadd.f32 v44, v18;
	_ =	sdelay $0x1  }
0x370: {  	v46 =	vmul.f32 v43, v17;
	v18 =	vadd.f32 v45, v18;
	_ =	sdelay $0x1  }
0x371: {  	v18 =	vadd.f32 v46, v18  }
0x372: {  	s30 =	sor.u32 $0x30, s30  }
0x373: {  	s31 =	sadd.s32 s30, s29;
	[tilespmem:s26+$0x0] =	vst v18  }
0x374: {  	s0 =	sor.u32 s30, s0;
	v18 =	vld [tilespmem:s31+$0x0]  }
0x375: {  	v47 =	vld [tilespmem:s0+$0x0]  }
0x376: {  	v48 =	vld [tilespmem:s31+$0x80];
	_ =	sdelay $0x1  }
0x377: {  	v49 =	vld [tilespmem:s31+$0x100]  }
0x378: {  	v50 =	vmul.f32 v18, v4  }
0x379: {  	v51 =	vld [tilespmem:s31+$0x180]  }
0x37a: {  	v2 =	vmul.f32 v48, v2;
	v4 =	vadd.f32 v50, v47  }
0x37b: {  	v52 =	vld [tilespmem:s31+$0x200]  }
0x37c: {  	v3 =	vmul.f32 v49, v3;
	v2 =	vadd.f32 v2, v4  }
0x37d: {  	v53 =	vld [tilespmem:s31+$0x280]  }
0x37e: {  	v2 =	vadd.f32 v3, v2;
	v3 =	vmul.f32 v51, v5  }
0x37f: {  	v54 =	vld [tilespmem:s31+$0x300]  }
0x380: {  	v2 =	vadd.f32 v3, v2;
	v3 =	vmul.f32 v52, v6  }
0x381: {  	v55 =	vld [tilespmem:s31+$0x380]  }
0x382: {  	s2 =	sadd.s32 s30, s28;
	v2 =	vadd.f32 v3, v2;
	v3 =	vmul.f32 v53, v7  }
0x383: {  	v56 =	vld [tilespmem:s2+$0x0]  }
0x384: {  	v2 =	vadd.f32 v3, v2;
	v3 =	vmul.f32 v54, v8  }
0x385: {  	v57 =	vld [tilespmem:s2+$0x80]  }
0x386: {  	v2 =	vadd.f32 v3, v2;
	v3 =	vmul.f32 v55, v9  }
0x387: {  	v58 =	vld [tilespmem:s2+$0x100]  }
0x388: {  	v2 =	vadd.f32 v3, v2;
	v3 =	vmul.f32 v56, v10  }
0x389: {  	v59 =	vld [tilespmem:s2+$0x180]  }
0x38a: {  	v2 =	vadd.f32 v3, v2;
	v3 =	vmul.f32 v57, v11  }
0x38b: {  	v60 =	vld [tilespmem:s2+$0x200]  }
0x38c: {  	v2 =	vadd.f32 v3, v2;
	v3 =	vmul.f32 v58, v12  }
0x38d: {  	v61 =	vld [tilespmem:s2+$0x280]  }
0x38e: {  	v2 =	vadd.f32 v3, v2;
	v3 =	vmul.f32 v59, v13  }
0x38f: {  	v62 =	vld [tilespmem:s2+$0x300]  }
0x390: {  	v2 =	vadd.f32 v3, v2;
	v3 =	vmul.f32 v60, v14  }
0x391: {  	v63 =	vld [tilespmem:s2+$0x380]  }
0x392: {  	v2 =	vadd.f32 v3, v2;
	v3 =	vmul.f32 v61, v15;
	_ =	sdelay $0x1  }
0x393: {  	v2 =	vadd.f32 v3, v2;
	v3 =	vmul.f32 v62, v16;
	_ =	sdelay $0x1  }
.Ltmp4:
0x394: {  	v2 =	vadd.f32 v3, v2;
	v3 =	vmul.f32 v63, v17;
	(pc) =	sbr.rel @p0 .LBB2_10-.Ltmp4, $3  }
0x395: {  	_ = 	snop  }
0x396: {  	v2 =	vadd.f32 v3, v2;
	_ =	sdelay $0x1  }
0x397: {  	p1 =	por $0x0, $0x0;
	[tilespmem:s0+$0x0] =	vst v2;
	s0 =	simm.s32 $0x1  }
0x398: {  	s22 =	sadd.s32 $0x1, s22  }
0x399: {  	p0 =	sne.s32 s22, $0x3  }
.Ltmp5:
0x39a: {  	_ = 	snop;
	(pc) =	sbr.rel @p0 .LBB2_5-.Ltmp5, $1  }
0x39b: {  	_ =	sdelay $0x3  }
0x39c: {  	_ =	swait.ge [sflag:s13], $0x8000  }
0x39d: {  	s19 =	simm.s32 $0x0;
	[sflag:s13] =	ssyncset.done $0x0  }
0x39e: {  	p1 =	por $0x1, $0x1;
	s0 =	simm.s32 $0x0;
	[sflag:s13] =	ssyncadd.s32 $0xFFFF8000  }
.LBB2_15:
0x39f: {  	s2 =	sshll.u32 s0, $0x4;
	s30 =	sshll.u32 s0, $0xE  }
0x3a0: {  	s3 =	sand.u32 $0x1C00, s19;
	s2 =	sand.u32 $0x3FFFFFF0, s2;
	s20 =	sand.u32 $0x3FFFC000, s30  }
0x3a1: {  	s31 =	sand.u32 $0x40, s19;
	v16 =	vld [tilespmem:s2+$0x100C0];
	s0 =	sadd.s32 s3, s20  }
0x3a2: {  	s10 =	sadd.s32 s31, s0  }
0x3a3: {  	s21 =	simm.s32 $0x10100;
	v2 =	vld [tilespmem:s10+$0x0]  }
0x3a4: {  	v5 =	vld [tilespmem:s21+$0x0]  }
0x3a5: {  	v4 =	vld [tilespmem:s10+$0x80]  }
0x3a6: {  	v3 =	vbroadcast v16, $0x0  }
0x3a7: {  	v6 =	vld [tilespmem:s10+$0x100]  }
0x3a8: {  	v1 =	vbroadcast v16, $0x1;
	v7 =	vmul.f32 v2, v3  }
0x3a9: {  	v8 =	vld [tilespmem:s10+$0x180]  }
0x3aa: {  	v2 =	vbroadcast v16, $0x2;
	v5 =	vadd.f32 v7, v5;
	v7 =	vmul.f32 v4, v1  }
0x3ab: {  	v9 =	vld [tilespmem:s10+$0x200]  }
0x3ac: {  	v4 =	vbroadcast v16, $0x3;
	v6 =	vmul.f32 v6, v2;
	v7 =	vadd.f32 v7, v5  }
0x3ad: {  	v10 =	vld [tilespmem:s10+$0x280]  }
0x3ae: {  	v5 =	vbroadcast v16, $0x4;
	v8 =	vmul.f32 v8, v4;
	v7 =	vadd.f32 v6, v7  }
0x3af: {  	v11 =	vld [tilespmem:s10+$0x300]  }
0x3b0: {  	s22 =	sor.u32 $0x2000, s20;
	v6 =	vbroadcast v16, $0x5;
	v9 =	vmul.f32 v9, v5;
	v8 =	vadd.f32 v8, v7  }
0x3b1: {  	s7 =	sadd.s32 s3, s22;
	v12 =	vld [tilespmem:s10+$0x380]  }
0x3b2: {  	s3 =	sadd.s32 s31, s7;
	v7 =	vbroadcast v16, $0x6;
	v10 =	vmul.f32 v10, v6;
	v9 =	vadd.f32 v9, v8  }
0x3b3: {  	v13 =	vld [tilespmem:s3+$0x0]  }
0x3b4: {  	v8 =	vbroadcast v16, $0x7;
	v11 =	vmul.f32 v11, v7;
	v10 =	vadd.f32 v10, v9  }
0x3b5: {  	v14 =	vld [tilespmem:s3+$0x80]  }
0x3b6: {  	v9 =	vbroadcast v16, $0x8;
	v12 =	vmul.f32 v12, v8;
	v11 =	vadd.f32 v11, v10  }
0x3b7: {  	v15 =	vld [tilespmem:s3+$0x100]  }
0x3b8: {  	v10 =	vbroadcast v16, $0x9;
	v13 =	vmul.f32 v13, v9;
	v12 =	vadd.f32 v12, v11  }
0x3b9: {  	v17 =	vld [tilespmem:s3+$0x180]  }
0x3ba: {  	v11 =	vbroadcast v16, $0xA;
	v14 =	vmul.f32 v14, v10;
	v13 =	vadd.f32 v13, v12  }
0x3bb: {  	v18 =	vld [tilespmem:s3+$0x200]  }
0x3bc: {  	v12 =	vbroadcast v16, $0xB;
	v15 =	vmul.f32 v15, v11;
	v14 =	vadd.f32 v14, v13  }
0x3bd: {  	v19 =	vld [tilespmem:s3+$0x280]  }
0x3be: {  	v13 =	vbroadcast v16, $0xC;
	v17 =	vmul.f32 v17, v12;
	v15 =	vadd.f32 v15, v14  }
0x3bf: {  	v20 =	vld [tilespmem:s3+$0x300]  }
0x3c0: {  	v14 =	vbroadcast v16, $0xD;
	v18 =	vmul.f32 v18, v13;
	v17 =	vadd.f32 v17, v15  }
0x3c1: {  	v21 =	vld [tilespmem:s3+$0x380]  }
0x3c2: {  	v15 =	vbroadcast v16, $0xE;
	v17 =	vadd.f32 v18, v17;
	v18 =	vmul.f32 v19, v14;
	_ =	sdelay $0x1  }
0x3c3: {  	v16 =	vbroadcast v16, $0xF;
	v17 =	vadd.f32 v18, v17;
	v18 =	vmul.f32 v20, v15;
	_ =	sdelay $0x1  }
0x3c4: {  	v17 =	vadd.f32 v18, v17;
	v18 =	vmul.f32 v21, v16;
	_ =	sdelay $0x1  }
0x3c5: {  	v17 =	vadd.f32 v18, v17  }
0x3c6: {  	s24 =	sor.u32 $0x10, s31  }
0x3c7: {  	s25 =	sand.u32 $0x380, s19;
	s15 =	sadd.s32 s24, s0;
	[tilespmem:s21+$0x0] =	vst v17  }
0x3c8: {  	s3 =	sadd.s32 $0x10100, s25;
	v17 =	vld [tilespmem:s15+$0x0]  }
0x3c9: {  	s23 =	sor.u32 s24, s3;
	v18 =	vld [tilespmem:s15+$0x80]  }
0x3ca: {  	v19 =	vld [tilespmem:s23+$0x0];
	_ =	sdelay $0x1  }
0x3cb: {  	v34 =	vld [tilespmem:s15+$0x100]  }
0x3cc: {  	v17 =	vmul.f32 v17, v3  }
0x3cd: {  	v35 =	vld [tilespmem:s15+$0x180]  }
0x3ce: {  	v18 =	vmul.f32 v18, v1;
	v17 =	vadd.f32 v17, v19  }
0x3cf: {  	v19 =	vld [tilespmem:s15+$0x200]  }
0x3d0: {  	v17 =	vadd.f32 v18, v17;
	v18 =	vmul.f32 v34, v2  }
0x3d1: {  	v36 =	vld [tilespmem:s15+$0x280]  }
0x3d2: {  	v17 =	vadd.f32 v18, v17;
	v18 =	vmul.f32 v35, v4  }
0x3d3: {  	v37 =	vld [tilespmem:s15+$0x300]  }
0x3d4: {  	v17 =	vadd.f32 v18, v17;
	v18 =	vmul.f32 v19, v5  }
0x3d5: {  	v19 =	vld [tilespmem:s15+$0x380]  }
0x3d6: {  	s10 =	sadd.s32 s24, s7;
	v17 =	vadd.f32 v18, v17;
	v18 =	vmul.f32 v36, v6  }
0x3d7: {  	v38 =	vld [tilespmem:s10+$0x0]  }
0x3d8: {  	v17 =	vadd.f32 v18, v17;
	v18 =	vmul.f32 v37, v7  }
0x3d9: {  	v39 =	vld [tilespmem:s10+$0x80]  }
0x3da: {  	v17 =	vadd.f32 v18, v17;
	v18 =	vmul.f32 v19, v8  }
0x3db: {  	v19 =	vld [tilespmem:s10+$0x100]  }
0x3dc: {  	v17 =	vadd.f32 v18, v17;
	v18 =	vmul.f32 v38, v9  }
0x3dd: {  	v40 =	vld [tilespmem:s10+$0x180]  }
0x3de: {  	v17 =	vadd.f32 v18, v17;
	v18 =	vmul.f32 v39, v10  }
0x3df: {  	v41 =	vld [tilespmem:s10+$0x200]  }
0x3e0: {  	v17 =	vadd.f32 v18, v17;
	v18 =	vmul.f32 v19, v11  }
0x3e1: {  	v19 =	vld [tilespmem:s10+$0x280]  }
0x3e2: {  	v17 =	vadd.f32 v18, v17;
	v18 =	vmul.f32 v40, v12  }
0x3e3: {  	v42 =	vld [tilespmem:s10+$0x300]  }
0x3e4: {  	v17 =	vadd.f32 v18, v17;
	v18 =	vmul.f32 v41, v13  }
0x3e5: {  	v43 =	vld [tilespmem:s10+$0x380]  }
0x3e6: {  	v17 =	vadd.f32 v18, v17;
	v18 =	vmul.f32 v19, v14;
	_ =	sdelay $0x1  }
0x3e7: {  	v17 =	vadd.f32 v18, v17;
	v18 =	vmul.f32 v42, v15;
	_ =	sdelay $0x1  }
0x3e8: {  	v17 =	vadd.f32 v18, v17;
	v18 =	vmul.f32 v43, v16;
	_ =	sdelay $0x1  }
0x3e9: {  	v17 =	vadd.f32 v18, v17  }
0x3ea: {  	s26 =	sor.u32 $0x20, s31  }
0x3eb: {  	s28 =	sadd.s32 s26, s0;
	[tilespmem:s23+$0x0] =	vst v17  }
0x3ec: {  	v17 =	vld [tilespmem:s28+$0x0]  }
0x3ed: {  	s29 =	sor.u32 s26, s3;
	v18 =	vld [tilespmem:s28+$0x80]  }
0x3ee: {  	v19 =	vld [tilespmem:s29+$0x0];
	_ =	sdelay $0x1  }
0x3ef: {  	v44 =	vld [tilespmem:s28+$0x100]  }
0x3f0: {  	v17 =	vmul.f32 v17, v3  }
0x3f1: {  	v45 =	vld [tilespmem:s28+$0x180]  }
0x3f2: {  	v18 =	vmul.f32 v18, v1;
	v17 =	vadd.f32 v17, v19  }
0x3f3: {  	v19 =	vld [tilespmem:s28+$0x200]  }
0x3f4: {  	v17 =	vadd.f32 v18, v17;
	v18 =	vmul.f32 v44, v2  }
0x3f5: {  	v46 =	vld [tilespmem:s28+$0x280]  }
0x3f6: {  	v17 =	vadd.f32 v18, v17;
	v18 =	vmul.f32 v45, v4  }
0x3f7: {  	v47 =	vld [tilespmem:s28+$0x300]  }
0x3f8: {  	v17 =	vadd.f32 v18, v17;
	v18 =	vmul.f32 v19, v5  }
0x3f9: {  	v19 =	vld [tilespmem:s28+$0x380]  }
0x3fa: {  	s10 =	sadd.s32 s26, s7;
	v17 =	vadd.f32 v18, v17;
	v18 =	vmul.f32 v46, v6  }
0x3fb: {  	v48 =	vld [tilespmem:s10+$0x0]  }
0x3fc: {  	v17 =	vadd.f32 v18, v17;
	v18 =	vmul.f32 v47, v7  }
0x3fd: {  	v49 =	vld [tilespmem:s10+$0x80]  }
0x3fe: {  	v17 =	vadd.f32 v18, v17;
	v18 =	vmul.f32 v19, v8  }
0x3ff: {  	v19 =	vld [tilespmem:s10+$0x100]  }
0x400: {  	v17 =	vadd.f32 v18, v17;
	v18 =	vmul.f32 v48, v9  }
0x401: {  	v50 =	vld [tilespmem:s10+$0x180]  }
0x402: {  	v17 =	vadd.f32 v18, v17;
	v18 =	vmul.f32 v49, v10  }
0x403: {  	v51 =	vld [tilespmem:s10+$0x200]  }
0x404: {  	v17 =	vadd.f32 v18, v17;
	v18 =	vmul.f32 v19, v11  }
0x405: {  	v19 =	vld [tilespmem:s10+$0x280]  }
0x406: {  	v17 =	vadd.f32 v18, v17;
	v18 =	vmul.f32 v50, v12  }
0x407: {  	v52 =	vld [tilespmem:s10+$0x300]  }
0x408: {  	v17 =	vadd.f32 v18, v17;
	v18 =	vmul.f32 v51, v13  }
0x409: {  	v53 =	vld [tilespmem:s10+$0x380]  }
0x40a: {  	v17 =	vadd.f32 v18, v17;
	v18 =	vmul.f32 v19, v14;
	_ =	sdelay $0x1  }
0x40b: {  	v17 =	vadd.f32 v18, v17;
	v18 =	vmul.f32 v52, v15;
	_ =	sdelay $0x1  }
0x40c: {  	v17 =	vadd.f32 v18, v17;
	v18 =	vmul.f32 v53, v16;
	_ =	sdelay $0x1  }
0x40d: {  	v17 =	vadd.f32 v18, v17  }
0x40e: {  	s2 =	sor.u32 $0x30, s31  }
0x40f: {  	s0 =	sadd.s32 s2, s0;
	[tilespmem:s29+$0x0] =	vst v17  }
0x410: {  	s3 =	sor.u32 s2, s3;
	v17 =	vld [tilespmem:s0+$0x0]  }
0x411: {  	v18 =	vld [tilespmem:s3+$0x0]  }
0x412: {  	v19 =	vld [tilespmem:s0+$0x80];
	_ =	sdelay $0x1  }
0x413: {  	v54 =	vld [tilespmem:s0+$0x100]  }
0x414: {  	v17 =	vmul.f32 v17, v3  }
0x415: {  	v55 =	vld [tilespmem:s0+$0x180]  }
0x416: {  	v17 =	vadd.f32 v17, v18;
	v18 =	vmul.f32 v19, v1  }
0x417: {  	v19 =	vld [tilespmem:s0+$0x200]  }
0x418: {  	v17 =	vadd.f32 v18, v17;
	v18 =	vmul.f32 v54, v2  }
0x419: {  	v56 =	vld [tilespmem:s0+$0x280]  }
0x41a: {  	v17 =	vadd.f32 v18, v17;
	v18 =	vmul.f32 v55, v4  }
0x41b: {  	v57 =	vld [tilespmem:s0+$0x300]  }
0x41c: {  	v17 =	vadd.f32 v18, v17;
	v18 =	vmul.f32 v19, v5  }
0x41d: {  	v19 =	vld [tilespmem:s0+$0x380]  }
0x41e: {  	s30 =	sadd.s32 s2, s7;
	v17 =	vadd.f32 v18, v17;
	v18 =	vmul.f32 v56, v6  }
0x41f: {  	v58 =	vld [tilespmem:s30+$0x0]  }
0x420: {  	v17 =	vadd.f32 v18, v17;
	v18 =	vmul.f32 v57, v7  }
0x421: {  	v59 =	vld [tilespmem:s30+$0x80]  }
0x422: {  	v17 =	vadd.f32 v18, v17;
	v18 =	vmul.f32 v19, v8  }
0x423: {  	v19 =	vld [tilespmem:s30+$0x100]  }
0x424: {  	v17 =	vadd.f32 v18, v17;
	v18 =	vmul.f32 v58, v9  }
0x425: {  	v60 =	vld [tilespmem:s30+$0x180]  }
0x426: {  	v17 =	vadd.f32 v18, v17;
	v18 =	vmul.f32 v59, v10  }
0x427: {  	v61 =	vld [tilespmem:s30+$0x200]  }
0x428: {  	v17 =	vadd.f32 v18, v17;
	v18 =	vmul.f32 v19, v11  }
0x429: {  	v19 =	vld [tilespmem:s30+$0x280]  }
0x42a: {  	v17 =	vadd.f32 v18, v17;
	v18 =	vmul.f32 v60, v12  }
0x42b: {  	v62 =	vld [tilespmem:s30+$0x300]  }
0x42c: {  	v17 =	vadd.f32 v18, v17;
	v18 =	vmul.f32 v61, v13  }
0x42d: {  	v63 =	vld [tilespmem:s30+$0x380]  }
0x42e: {  	v17 =	vadd.f32 v18, v17;
	v18 =	vmul.f32 v19, v14;
	_ =	sdelay $0x1  }
0x42f: {  	v17 =	vadd.f32 v18, v17;
	v18 =	vmul.f32 v62, v15;
	_ =	sdelay $0x1  }
0x430: {  	p0 =	por p1, p1;
	s0 =	simm.s32 $0x200;
	v17 =	vadd.f32 v18, v17;
	v18 =	vmul.f32 v63, v16  }
0x431: {  	s26 =	simm.s32 $0x40;
	s7 =	simm.s32 $0x80;
	s31 =	sand.u32 $0x1C00, s0  }
0x432: {  	s25 =	sand.u32 $0x40, s26;
	s24 =	sadd.s32 s31, s20;
	s23 =	sadd.s32 s31, s22;
	v17 =	vadd.f32 v18, v17  }
.LBB2_16:
0x433: {  	s10 =	sadd.s32 s25, s24  }
0x434: {  	[tilespmem:s3+$0x0] =	vst v17;
	s21 =	sadd.s32 $0x40, s21;
	s3 =	smov.u32 s7;
	s2 =	sadd.s32 $0x40, s7  }
0x435: {  	p1 =	sne.s32 s7, $0x3C0;
	v17 =	vld [tilespmem:s10+$0x0]  }
0x436: {  	v18 =	vld [tilespmem:s10+$0x80]  }
0x437: {  	v19 =	vld [tilespmem:s21+$0x0];
	_ =	sdelay $0x1  }
0x438: {  	v20 =	vld [tilespmem:s10+$0x100]  }
0x439: {  	v17 =	vmul.f32 v17, v3  }
0x43a: {  	v21 =	vld [tilespmem:s10+$0x180]  }
0x43b: {  	v18 =	vmul.f32 v18, v1;
	v17 =	vadd.f32 v17, v19  }
0x43c: {  	v19 =	vld [tilespmem:s10+$0x200]  }
0x43d: {  	v17 =	vadd.f32 v18, v17;
	v18 =	vmul.f32 v20, v2  }
0x43e: {  	v20 =	vld [tilespmem:s10+$0x280]  }
0x43f: {  	v17 =	vadd.f32 v18, v17;
	v18 =	vmul.f32 v21, v4  }
0x440: {  	v21 =	vld [tilespmem:s10+$0x300]  }
0x441: {  	v17 =	vadd.f32 v18, v17;
	v18 =	vmul.f32 v19, v5  }
0x442: {  	v19 =	vld [tilespmem:s10+$0x380]  }
0x443: {  	s7 =	sadd.s32 s25, s23;
	v17 =	vadd.f32 v18, v17;
	v18 =	vmul.f32 v20, v6  }
0x444: {  	v20 =	vld [tilespmem:s7+$0x0]  }
0x445: {  	v17 =	vadd.f32 v18, v17;
	v18 =	vmul.f32 v21, v7  }
0x446: {  	v21 =	vld [tilespmem:s7+$0x80]  }
0x447: {  	v17 =	vadd.f32 v18, v17;
	v18 =	vmul.f32 v19, v8  }
0x448: {  	v19 =	vld [tilespmem:s7+$0x100]  }
0x449: {  	v17 =	vadd.f32 v18, v17;
	v18 =	vmul.f32 v20, v9  }
0x44a: {  	v20 =	vld [tilespmem:s7+$0x180]  }
0x44b: {  	v17 =	vadd.f32 v18, v17;
	v18 =	vmul.f32 v21, v10  }
0x44c: {  	v21 =	vld [tilespmem:s7+$0x200]  }
0x44d: {  	v17 =	vadd.f32 v18, v17;
	v18 =	vmul.f32 v19, v11  }
0x44e: {  	v19 =	vld [tilespmem:s7+$0x280]  }
0x44f: {  	v17 =	vadd.f32 v18, v17;
	v18 =	vmul.f32 v20, v12  }
0x450: {  	v20 =	vld [tilespmem:s7+$0x300]  }
0x451: {  	v17 =	vadd.f32 v18, v17;
	v18 =	vmul.f32 v21, v13  }
0x452: {  	v21 =	vld [tilespmem:s7+$0x380]  }
0x453: {  	v17 =	vadd.f32 v18, v17;
	v18 =	vmul.f32 v19, v14;
	_ =	sdelay $0x1  }
0x454: {  	v17 =	vadd.f32 v18, v17;
	v18 =	vmul.f32 v20, v15;
	_ =	sdelay $0x1  }
0x455: {  	v17 =	vadd.f32 v18, v17;
	v18 =	vmul.f32 v21, v16;
	_ =	sdelay $0x1  }
0x456: {  	v17 =	vadd.f32 v18, v17  }
0x457: {  	s10 =	sor.u32 $0x10, s25  }
0x458: {  	s15 =	sadd.s32 s10, s24;
	s7 =	sand.u32 $0x380, s26;
	s26 =	smov.u32 s3;
	[tilespmem:s21+$0x0] =	vst v17  }
0x459: {  	s7 =	sadd.s32 $0x10100, s7;
	v17 =	vld [tilespmem:s15+$0x0]  }
0x45a: {  	s3 =	sor.u32 s10, s7;
	v18 =	vld [tilespmem:s15+$0x80]  }
0x45b: {  	v19 =	vld [tilespmem:s3+$0x0];
	_ =	sdelay $0x1  }
0x45c: {  	v20 =	vld [tilespmem:s15+$0x100]  }
0x45d: {  	v17 =	vmul.f32 v17, v3  }
0x45e: {  	v21 =	vld [tilespmem:s15+$0x180]  }
0x45f: {  	v18 =	vmul.f32 v18, v1;
	v17 =	vadd.f32 v17, v19  }
0x460: {  	v19 =	vld [tilespmem:s15+$0x200]  }
0x461: {  	v17 =	vadd.f32 v18, v17;
	v18 =	vmul.f32 v20, v2  }
0x462: {  	v20 =	vld [tilespmem:s15+$0x280]  }
0x463: {  	v17 =	vadd.f32 v18, v17;
	v18 =	vmul.f32 v21, v4  }
0x464: {  	v21 =	vld [tilespmem:s15+$0x300]  }
0x465: {  	v17 =	vadd.f32 v18, v17;
	v18 =	vmul.f32 v19, v5  }
0x466: {  	v19 =	vld [tilespmem:s15+$0x380]  }
0x467: {  	s10 =	sadd.s32 s10, s23;
	v17 =	vadd.f32 v18, v17;
	v18 =	vmul.f32 v20, v6  }
0x468: {  	v20 =	vld [tilespmem:s10+$0x0]  }
0x469: {  	v17 =	vadd.f32 v18, v17;
	v18 =	vmul.f32 v21, v7  }
0x46a: {  	v21 =	vld [tilespmem:s10+$0x80]  }
0x46b: {  	v17 =	vadd.f32 v18, v17;
	v18 =	vmul.f32 v19, v8  }
0x46c: {  	v19 =	vld [tilespmem:s10+$0x100]  }
0x46d: {  	v17 =	vadd.f32 v18, v17;
	v18 =	vmul.f32 v20, v9  }
0x46e: {  	v20 =	vld [tilespmem:s10+$0x180]  }
0x46f: {  	v17 =	vadd.f32 v18, v17;
	v18 =	vmul.f32 v21, v10  }
0x470: {  	v21 =	vld [tilespmem:s10+$0x200]  }
0x471: {  	v17 =	vadd.f32 v18, v17;
	v18 =	vmul.f32 v19, v11  }
0x472: {  	v19 =	vld [tilespmem:s10+$0x280]  }
0x473: {  	v17 =	vadd.f32 v18, v17;
	v18 =	vmul.f32 v20, v12  }
0x474: {  	v20 =	vld [tilespmem:s10+$0x300]  }
0x475: {  	v17 =	vadd.f32 v18, v17;
	v18 =	vmul.f32 v21, v13  }
0x476: {  	v21 =	vld [tilespmem:s10+$0x380]  }
0x477: {  	v17 =	vadd.f32 v18, v17;
	v18 =	vmul.f32 v19, v14;
	_ =	sdelay $0x1  }
0x478: {  	v17 =	vadd.f32 v18, v17;
	v18 =	vmul.f32 v20, v15;
	_ =	sdelay $0x1  }
0x479: {  	v17 =	vadd.f32 v18, v17;
	v18 =	vmul.f32 v21, v16;
	_ =	sdelay $0x1  }
0x47a: {  	v17 =	vadd.f32 v18, v17  }
0x47b: {  	s10 =	sor.u32 $0x20, s25  }
0x47c: {  	s15 =	sadd.s32 s10, s24;
	[tilespmem:s3+$0x0] =	vst v17  }
0x47d: {  	v17 =	vld [tilespmem:s15+$0x0]  }
0x47e: {  	s3 =	sor.u32 s10, s7;
	v18 =	vld [tilespmem:s15+$0x80]  }
0x47f: {  	v19 =	vld [tilespmem:s3+$0x0];
	_ =	sdelay $0x1  }
0x480: {  	v20 =	vld [tilespmem:s15+$0x100]  }
0x481: {  	v17 =	vmul.f32 v17, v3  }
0x482: {  	v21 =	vld [tilespmem:s15+$0x180]  }
0x483: {  	v18 =	vmul.f32 v18, v1;
	v17 =	vadd.f32 v17, v19  }
0x484: {  	v19 =	vld [tilespmem:s15+$0x200]  }
0x485: {  	v17 =	vadd.f32 v18, v17;
	v18 =	vmul.f32 v20, v2  }
0x486: {  	v20 =	vld [tilespmem:s15+$0x280]  }
0x487: {  	v17 =	vadd.f32 v18, v17;
	v18 =	vmul.f32 v21, v4  }
0x488: {  	v21 =	vld [tilespmem:s15+$0x300]  }
0x489: {  	v17 =	vadd.f32 v18, v17;
	v18 =	vmul.f32 v19, v5  }
0x48a: {  	v19 =	vld [tilespmem:s15+$0x380]  }
0x48b: {  	s10 =	sadd.s32 s10, s23;
	v17 =	vadd.f32 v18, v17;
	v18 =	vmul.f32 v20, v6  }
0x48c: {  	v20 =	vld [tilespmem:s10+$0x0]  }
0x48d: {  	v17 =	vadd.f32 v18, v17;
	v18 =	vmul.f32 v21, v7  }
0x48e: {  	v21 =	vld [tilespmem:s10+$0x80]  }
0x48f: {  	v17 =	vadd.f32 v18, v17;
	v18 =	vmul.f32 v19, v8  }
0x490: {  	v19 =	vld [tilespmem:s10+$0x100]  }
0x491: {  	v17 =	vadd.f32 v18, v17;
	v18 =	vmul.f32 v20, v9  }
0x492: {  	v20 =	vld [tilespmem:s10+$0x180]  }
0x493: {  	v17 =	vadd.f32 v18, v17;
	v18 =	vmul.f32 v21, v10  }
0x494: {  	v21 =	vld [tilespmem:s10+$0x200]  }
0x495: {  	v17 =	vadd.f32 v18, v17;
	v18 =	vmul.f32 v19, v11  }
0x496: {  	v19 =	vld [tilespmem:s10+$0x280]  }
0x497: {  	v17 =	vadd.f32 v18, v17;
	v18 =	vmul.f32 v20, v12  }
0x498: {  	v20 =	vld [tilespmem:s10+$0x300]  }
0x499: {  	v17 =	vadd.f32 v18, v17;
	v18 =	vmul.f32 v21, v13  }
0x49a: {  	v21 =	vld [tilespmem:s10+$0x380]  }
0x49b: {  	v17 =	vadd.f32 v18, v17;
	v18 =	vmul.f32 v19, v14;
	_ =	sdelay $0x1  }
0x49c: {  	v17 =	vadd.f32 v18, v17;
	v18 =	vmul.f32 v20, v15;
	_ =	sdelay $0x1  }
0x49d: {  	v17 =	vadd.f32 v18, v17;
	v18 =	vmul.f32 v21, v16;
	_ =	sdelay $0x1  }
0x49e: {  	v17 =	vadd.f32 v18, v17  }
0x49f: {  	s10 =	sor.u32 $0x30, s25  }
0x4a0: {  	s15 =	sadd.s32 s10, s24;
	[tilespmem:s3+$0x0] =	vst v17  }
0x4a1: {  	s3 =	sor.u32 s10, s7;
	v17 =	vld [tilespmem:s15+$0x0]  }
0x4a2: {  	v18 =	vld [tilespmem:s3+$0x0]  }
0x4a3: {  	v19 =	vld [tilespmem:s15+$0x80]  }
0x4a4: {  	v20 =	vld [tilespmem:s15+$0x100]  }
0x4a5: {  	v21 =	vld [tilespmem:s15+$0x180]  }
0x4a6: {  	v17 =	vmul.f32 v17, v3;
	v22 =	vld [tilespmem:s15+$0x200]  }
0x4a7: {  	v23 =	vld [tilespmem:s15+$0x280]  }
0x4a8: {  	v17 =	vadd.f32 v17, v18;
	v18 =	vmul.f32 v19, v1;
	v19 =	vld [tilespmem:s15+$0x300]  }
0x4a9: {  	s7 =	sadd.s32 s10, s23;
	v24 =	vld [tilespmem:s15+$0x380]  }
0x4aa: {  	v17 =	vadd.f32 v18, v17;
	v18 =	vmul.f32 v20, v2;
	v20 =	vld [tilespmem:s7+$0x0]  }
0x4ab: {  	v25 =	vld [tilespmem:s7+$0x80]  }
0x4ac: {  	v17 =	vadd.f32 v18, v17;
	v18 =	vmul.f32 v21, v4;
	v21 =	vld [tilespmem:s7+$0x100]  }
0x4ad: {  	v26 =	vld [tilespmem:s7+$0x180]  }
0x4ae: {  	v17 =	vadd.f32 v18, v17;
	v18 =	vmul.f32 v22, v5;
	v22 =	vld [tilespmem:s7+$0x200]  }
0x4af: {  	v27 =	vld [tilespmem:s7+$0x280]  }
0x4b0: {  	v17 =	vadd.f32 v18, v17;
	v18 =	vmul.f32 v23, v6;
	v23 =	vld [tilespmem:s7+$0x300]  }
0x4b1: {  	v28 =	vld [tilespmem:s7+$0x380]  }
0x4b2: {  	v17 =	vadd.f32 v18, v17;
	v18 =	vmul.f32 v19, v7;
	_ =	sdelay $0x1  }
0x4b3: {  	v17 =	vadd.f32 v18, v17;
	v18 =	vmul.f32 v24, v8;
	_ =	sdelay $0x1  }
0x4b4: {  	v17 =	vadd.f32 v18, v17;
	v18 =	vmul.f32 v20, v9;
	_ =	sdelay $0x1  }
0x4b5: {  	v17 =	vadd.f32 v18, v17;
	v18 =	vmul.f32 v25, v10;
	_ =	sdelay $0x1  }
0x4b6: {  	v17 =	vadd.f32 v18, v17;
	v18 =	vmul.f32 v21, v11;
	_ =	sdelay $0x1  }
0x4b7: {  	v17 =	vadd.f32 v18, v17;
	v18 =	vmul.f32 v26, v12;
	_ =	sdelay $0x1  }
0x4b8: {  	v17 =	vadd.f32 v18, v17;
	v18 =	vmul.f32 v22, v13;
	_ =	sdelay $0x1  }
0x4b9: {  	v17 =	vadd.f32 v18, v17;
	v18 =	vmul.f32 v27, v14;
	_ =	sdelay $0x1  }
0x4ba: {  	v17 =	vadd.f32 v18, v17;
	v18 =	vmul.f32 v23, v15  }
.Ltmp6:
0x4bb: {  	(pc) =	sbr.rel @p1 .LBB2_16-.Ltmp6, $4  }
0x4bc: {  	v17 =	vadd.f32 v18, v17;
	v18 =	vmul.f32 v28, v16  }
0x4bd: {  	s0 =	sadd.s32 $0x200, s0  }
0x4be: {  	s25 =	sand.u32 $0x40, s26;
	s7 =	sand.u32 $0x1C00, s0;
	v17 =	vadd.f32 v18, v17  }
0x4bf: {  	s24 =	sadd.s32 s7, s20;
	s23 =	sadd.s32 s7, s22;
	s7 =	smov.u32 s2  }
0x4c0: {  	s0 =	sadd.s32 s25, s24;
	[tilespmem:s3+$0x0] =	vst v17  }
0x4c1: {  	v17 =	vld [tilespmem:s0+$0x0]  }
0x4c2: {  	s2 =	sadd.s32 $0x40, s21;
	v18 =	vld [tilespmem:s0+$0x80]  }
0x4c3: {  	v19 =	vld [tilespmem:s2+$0x0];
	_ =	sdelay $0x1  }
0x4c4: {  	v20 =	vld [tilespmem:s0+$0x100]  }
0x4c5: {  	v17 =	vmul.f32 v17, v3  }
0x4c6: {  	v21 =	vld [tilespmem:s0+$0x180]  }
0x4c7: {  	v18 =	vmul.f32 v18, v1;
	v17 =	vadd.f32 v17, v19  }
0x4c8: {  	v47 =	vld [tilespmem:s0+$0x200]  }
0x4c9: {  	v48 =	vmul.f32 v20, v2;
	v17 =	vadd.f32 v18, v17  }
0x4ca: {  	v49 =	vld [tilespmem:s0+$0x280]  }
0x4cb: {  	v50 =	vmul.f32 v21, v4;
	v17 =	vadd.f32 v48, v17  }
0x4cc: {  	v51 =	vld [tilespmem:s0+$0x300]  }
0x4cd: {  	v52 =	vmul.f32 v47, v5;
	v17 =	vadd.f32 v50, v17  }
0x4ce: {  	v53 =	vld [tilespmem:s0+$0x380]  }
0x4cf: {  	s10 =	sadd.s32 s25, s23;
	v54 =	vmul.f32 v49, v6;
	v17 =	vadd.f32 v52, v17  }
0x4d0: {  	v55 =	vld [tilespmem:s10+$0x0]  }
0x4d1: {  	v56 =	vmul.f32 v51, v7;
	v17 =	vadd.f32 v54, v17  }
0x4d2: {  	v57 =	vld [tilespmem:s10+$0x80]  }
0x4d3: {  	v58 =	vmul.f32 v53, v8;
	v17 =	vadd.f32 v56, v17  }
0x4d4: {  	v59 =	vld [tilespmem:s10+$0x100]  }
0x4d5: {  	v60 =	vmul.f32 v55, v9;
	v17 =	vadd.f32 v58, v17  }
0x4d6: {  	v61 =	vld [tilespmem:s10+$0x180]  }
0x4d7: {  	v62 =	vmul.f32 v57, v10;
	v17 =	vadd.f32 v60, v17  }
0x4d8: {  	v63 =	vld [tilespmem:s10+$0x200]  }
0x4d9: {  	v23 =	vmul.f32 v59, v11;
	v17 =	vadd.f32 v62, v17  }
0x4da: {  	v24 =	vld [tilespmem:s10+$0x280]  }
0x4db: {  	v25 =	vmul.f32 v61, v12;
	v17 =	vadd.f32 v23, v17  }
0x4dc: {  	v26 =	vld [tilespmem:s10+$0x300]  }
0x4dd: {  	v27 =	vmul.f32 v63, v13;
	v17 =	vadd.f32 v25, v17  }
0x4de: {  	v28 =	vld [tilespmem:s10+$0x380]  }
0x4df: {  	v29 =	vmul.f32 v24, v14;
	v17 =	vadd.f32 v27, v17;
	_ =	sdelay $0x1  }
0x4e0: {  	v30 =	vmul.f32 v26, v15;
	v17 =	vadd.f32 v29, v17;
	_ =	sdelay $0x1  }
0x4e1: {  	v31 =	vmul.f32 v28, v16;
	v17 =	vadd.f32 v30, v17;
	_ =	sdelay $0x1  }
0x4e2: {  	v17 =	vadd.f32 v31, v17  }
0x4e3: {  	s15 =	sor.u32 $0x10, s25  }
0x4e4: {  	s20 =	sand.u32 $0x380, s26;
	s21 =	sadd.s32 s15, s24;
	[tilespmem:s2+$0x0] =	vst v17  }
0x4e5: {  	s0 =	sadd.s32 $0x10100, s20;
	v17 =	vld [tilespmem:s21+$0x0]  }
0x4e6: {  	s7 =	sor.u32 s15, s0;
	v32 =	vld [tilespmem:s21+$0x80]  }
0x4e7: {  	v33 =	vld [tilespmem:s7+$0x0];
	_ =	sdelay $0x1  }
0x4e8: {  	v34 =	vld [tilespmem:s21+$0x100]  }
0x4e9: {  	v17 =	vmul.f32 v17, v3  }
0x4ea: {  	v35 =	vld [tilespmem:s21+$0x180]  }
0x4eb: {  	v18 =	vmul.f32 v32, v1;
	v17 =	vadd.f32 v17, v33  }
0x4ec: {  	v36 =	vld [tilespmem:s21+$0x200]  }
0x4ed: {  	v37 =	vmul.f32 v34, v2;
	v17 =	vadd.f32 v18, v17  }
0x4ee: {  	v38 =	vld [tilespmem:s21+$0x280]  }
0x4ef: {  	v39 =	vmul.f32 v35, v4;
	v17 =	vadd.f32 v37, v17  }
0x4f0: {  	v40 =	vld [tilespmem:s21+$0x300]  }
0x4f1: {  	v41 =	vmul.f32 v36, v5;
	v17 =	vadd.f32 v39, v17  }
0x4f2: {  	v42 =	vld [tilespmem:s21+$0x380]  }
0x4f3: {  	s22 =	sadd.s32 s15, s23;
	v43 =	vmul.f32 v38, v6;
	v17 =	vadd.f32 v41, v17  }
0x4f4: {  	v44 =	vld [tilespmem:s22+$0x0]  }
0x4f5: {  	v45 =	vmul.f32 v40, v7;
	v17 =	vadd.f32 v43, v17  }
0x4f6: {  	v46 =	vld [tilespmem:s22+$0x80]  }
0x4f7: {  	v47 =	vmul.f32 v42, v8;
	v17 =	vadd.f32 v45, v17  }
0x4f8: {  	v48 =	vld [tilespmem:s22+$0x100]  }
0x4f9: {  	v49 =	vmul.f32 v44, v9;
	v17 =	vadd.f32 v47, v17  }
0x4fa: {  	v50 =	vld [tilespmem:s22+$0x180]  }
0x4fb: {  	v51 =	vmul.f32 v46, v10;
	v17 =	vadd.f32 v49, v17  }
0x4fc: {  	v52 =	vld [tilespmem:s22+$0x200]  }
0x4fd: {  	v53 =	vmul.f32 v48, v11;
	v17 =	vadd.f32 v51, v17  }
0x4fe: {  	v54 =	vld [tilespmem:s22+$0x280]  }
0x4ff: {  	v55 =	vmul.f32 v50, v12;
	v17 =	vadd.f32 v53, v17  }
0x500: {  	v56 =	vld [tilespmem:s22+$0x300]  }
0x501: {  	v57 =	vmul.f32 v52, v13;
	v17 =	vadd.f32 v55, v17  }
0x502: {  	v58 =	vld [tilespmem:s22+$0x380]  }
0x503: {  	v59 =	vmul.f32 v54, v14;
	v17 =	vadd.f32 v57, v17;
	_ =	sdelay $0x1  }
0x504: {  	v60 =	vmul.f32 v56, v15;
	v17 =	vadd.f32 v59, v17;
	_ =	sdelay $0x1  }
0x505: {  	v61 =	vmul.f32 v58, v16;
	v17 =	vadd.f32 v60, v17;
	_ =	sdelay $0x1  }
0x506: {  	v17 =	vadd.f32 v61, v17  }
0x507: {  	s26 =	sor.u32 $0x20, s25  }
0x508: {  	s28 =	sadd.s32 s26, s24;
	[tilespmem:s7+$0x0] =	vst v17  }
0x509: {  	v17 =	vld [tilespmem:s28+$0x0]  }
0x50a: {  	s29 =	sor.u32 s26, s0;
	v62 =	vld [tilespmem:s28+$0x80]  }
0x50b: {  	v63 =	vld [tilespmem:s29+$0x0];
	_ =	sdelay $0x1  }
0x50c: {  	v24 =	vld [tilespmem:s28+$0x100]  }
0x50d: {  	v17 =	vmul.f32 v17, v3  }
0x50e: {  	v25 =	vld [tilespmem:s28+$0x180]  }
0x50f: {  	v18 =	vmul.f32 v62, v1;
	v17 =	vadd.f32 v17, v63  }
0x510: {  	v26 =	vld [tilespmem:s28+$0x200]  }
0x511: {  	v27 =	vmul.f32 v24, v2;
	v17 =	vadd.f32 v18, v17  }
0x512: {  	v28 =	vld [tilespmem:s28+$0x280]  }
0x513: {  	v29 =	vmul.f32 v25, v4;
	v17 =	vadd.f32 v27, v17  }
0x514: {  	v30 =	vld [tilespmem:s28+$0x300]  }
0x515: {  	v31 =	vmul.f32 v26, v5;
	v17 =	vadd.f32 v29, v17  }
0x516: {  	v32 =	vld [tilespmem:s28+$0x380]  }
0x517: {  	s2 =	sadd.s32 s26, s23;
	v33 =	vmul.f32 v28, v6;
	v17 =	vadd.f32 v31, v17  }
0x518: {  	v34 =	vld [tilespmem:s2+$0x0]  }
0x519: {  	v35 =	vmul.f32 v30, v7;
	v17 =	vadd.f32 v33, v17  }
0x51a: {  	v36 =	vld [tilespmem:s2+$0x80]  }
0x51b: {  	v37 =	vmul.f32 v32, v8;
	v17 =	vadd.f32 v35, v17  }
0x51c: {  	v38 =	vld [tilespmem:s2+$0x100]  }
0x51d: {  	v39 =	vmul.f32 v34, v9;
	v17 =	vadd.f32 v37, v17  }
0x51e: {  	v40 =	vld [tilespmem:s2+$0x180]  }
0x51f: {  	v41 =	vmul.f32 v36, v10;
	v17 =	vadd.f32 v39, v17  }
0x520: {  	v42 =	vld [tilespmem:s2+$0x200]  }
0x521: {  	v43 =	vmul.f32 v38, v11;
	v17 =	vadd.f32 v41, v17  }
0x522: {  	v44 =	vld [tilespmem:s2+$0x280]  }
0x523: {  	v45 =	vmul.f32 v40, v12;
	v17 =	vadd.f32 v43, v17  }
0x524: {  	v46 =	vld [tilespmem:s2+$0x300]  }
0x525: {  	v47 =	vmul.f32 v42, v13;
	v17 =	vadd.f32 v45, v17  }
0x526: {  	v48 =	vld [tilespmem:s2+$0x380]  }
0x527: {  	v49 =	vmul.f32 v44, v14;
	v17 =	vadd.f32 v47, v17;
	_ =	sdelay $0x1  }
0x528: {  	v50 =	vmul.f32 v46, v15;
	v17 =	vadd.f32 v49, v17;
	_ =	sdelay $0x1  }
0x529: {  	v51 =	vmul.f32 v48, v16;
	v17 =	vadd.f32 v50, v17;
	_ =	sdelay $0x1  }
0x52a: {  	v17 =	vadd.f32 v51, v17  }
0x52b: {  	s30 =	sor.u32 $0x30, s25  }
0x52c: {  	s31 =	sadd.s32 s30, s24;
	[tilespmem:s29+$0x0] =	vst v17  }
0x52d: {  	s0 =	sor.u32 s30, s0;
	v17 =	vld [tilespmem:s31+$0x0]  }
0x52e: {  	v52 =	vld [tilespmem:s0+$0x0]  }
0x52f: {  	v53 =	vld [tilespmem:s31+$0x80];
	_ =	sdelay $0x1  }
0x530: {  	v54 =	vld [tilespmem:s31+$0x100]  }
0x531: {  	v3 =	vmul.f32 v17, v3  }
0x532: {  	v55 =	vld [tilespmem:s31+$0x180]  }
0x533: {  	v1 =	vmul.f32 v53, v1;
	v3 =	vadd.f32 v3, v52  }
0x534: {  	v56 =	vld [tilespmem:s31+$0x200]  }
0x535: {  	v2 =	vmul.f32 v54, v2;
	v1 =	vadd.f32 v1, v3  }
0x536: {  	v3 =	vld [tilespmem:s31+$0x280]  }
0x537: {  	v1 =	vadd.f32 v2, v1;
	v2 =	vmul.f32 v55, v4  }
0x538: {  	v57 =	vld [tilespmem:s31+$0x300]  }
0x539: {  	v1 =	vadd.f32 v2, v1;
	v2 =	vmul.f32 v56, v5  }
0x53a: {  	v58 =	vld [tilespmem:s31+$0x380]  }
0x53b: {  	s2 =	sadd.s32 s30, s23;
	v1 =	vadd.f32 v2, v1;
	v2 =	vmul.f32 v3, v6  }
0x53c: {  	v3 =	vld [tilespmem:s2+$0x0]  }
0x53d: {  	v1 =	vadd.f32 v2, v1;
	v2 =	vmul.f32 v57, v7  }
0x53e: {  	v59 =	vld [tilespmem:s2+$0x80]  }
0x53f: {  	v1 =	vadd.f32 v2, v1;
	v2 =	vmul.f32 v58, v8  }
0x540: {  	v60 =	vld [tilespmem:s2+$0x100]  }
0x541: {  	v1 =	vadd.f32 v2, v1;
	v2 =	vmul.f32 v3, v9  }
0x542: {  	v3 =	vld [tilespmem:s2+$0x180]  }
0x543: {  	v1 =	vadd.f32 v2, v1;
	v2 =	vmul.f32 v59, v10  }
0x544: {  	v61 =	vld [tilespmem:s2+$0x200]  }
0x545: {  	v1 =	vadd.f32 v2, v1;
	v2 =	vmul.f32 v60, v11  }
0x546: {  	v62 =	vld [tilespmem:s2+$0x280]  }
0x547: {  	v1 =	vadd.f32 v2, v1;
	v2 =	vmul.f32 v3, v12  }
0x548: {  	v3 =	vld [tilespmem:s2+$0x300]  }
0x549: {  	v1 =	vadd.f32 v2, v1;
	v2 =	vmul.f32 v61, v13  }
0x54a: {  	v63 =	vld [tilespmem:s2+$0x380]  }
0x54b: {  	v1 =	vadd.f32 v2, v1;
	v2 =	vmul.f32 v62, v14;
	_ =	sdelay $0x1  }
0x54c: {  	v1 =	vadd.f32 v2, v1;
	v2 =	vmul.f32 v3, v15;
	_ =	sdelay $0x1  }
.Ltmp7:
0x54d: {  	v1 =	vadd.f32 v2, v1;
	v2 =	vmul.f32 v63, v16;
	(pc) =	sbr.rel @p0 .LBB2_15-.Ltmp7, $3  }
0x54e: {  	_ = 	snop  }
0x54f: {  	v1 =	vadd.f32 v2, v1;
	_ =	sdelay $0x1  }
0x550: {  	p1 =	por $0x0, $0x0;
	[tilespmem:s0+$0x0] =	vst v1;
	s0 =	simm.s32 $0x1  }
0x551: {  	s0 =	smul.u32 $0x6000, s18;
	s2 =	sshll.u32 s17, $0xA  }
0x552: {  	s3 =	sshll.u32 s17, $0x7;
	s2 =	sand.u32 $0x7FFFE000, s2  }
0x553: {  	s30 =	sand.u32 $0x380, s3;
	s0 =	sadd.s32 s0, s2  }
0x554: {  	s16 =	sadd.s32 $0x1, s16;
	s0 =	sor.u32 s30, s0  }
0x555: {  	p0 =	sne.s32 s16, $0x3;
	s0 =	sshrl.u32 s0, $0x3  }
.Ltmp8:
0x556: {  	s31 =	simm.s32 $0x10100;
	s0 =	sadd.s32 s5, s0;
	(pc) =	sbr.rel @p0 .LBB2_2-.Ltmp8, $4  }
0x557: {  	[hbm4b:s0+s8] =	stream.strided.scatter [tilespmem:s31], [sflag:$0x3], $0x400, s9, s8, $0x38;
	[tilespmem:$0x10500] =	vst v63  }
0x558: {  	_ =	swait.ge [sflag:s11], $0x400  }
0x559: {  	[sflag:s11] =	ssyncset.done $0x0  }
0x55a: {  	[sflag:s11] =	ssyncadd.s32 $0xFFFFFC00  }
0x55b: {  	s7 =	rddreg [dreg:$0x3]  }
0x55c: {  	s0 =	rddreg [dreg:$0x4];
	s7 =	sadd.s32 $0x1, s7  }
0x55d: {  	p0 =	sne.s32 s7, s0  }
.Ltmp9:
0x55e: {  	_ = 	snop;
	(pc) =	sbr.rel @p0 .LBB2_1-.Ltmp9, $1  }
0x55f: {  	_ =	sdelay $0x3  }
0x560: {  	_ =	sfence.sel $0x180000  }
0x561: {  	[bflag:$0x0] =	sbarrier.arrive $0xFFFF  }
0x562: {  	_ =	strace $0x90000047  }
0x563: {  	s0 =	stileid.u32;
	[bflag:$0x2] =	sbarrier.arrive $0xFFFF  }
0x564: {  	p0 =	sne.s32 s0, $0x0;
	s0 =	rddreg [dreg:$0x2]  }
0x565: {  	s0 =	sadd.s32 @!p0 $0x100000, s0  }
0x566: {  	[sflag:s0] =	ssyncadd.tile.s32 @!p0 $0x1;
	_ =	shalt  }
.Lfunc_end2:
_tile_overlayer_lowered:
.L_overlay_start_2:
0x567: {  	(tag) =	ssettag $0x2  }
0x568: {  	s0 =	rddreg [dreg:$0x0];
	s2 =	stileid.u32  }
0x569: {  	s1 =	rddreg [dreg:$0x1];
	p0 =	sne.s32 s2, $0x0  }
0x56a: {  	s3 =	rddreg [dreg:$0x2];
	[bflag:$0x3] =	sbarrier.arrive $0xFFFF;
	s2 =	simm.s32 @!p0 $0x1C03  }
0x56b: {  	[timem:s3], [sflag:s2] =	dma.local @!p0 [hbm:s0], s1  }
0x56c: {  	s0 =	simm.s32 @!p0 $0x3  }
0x56d: {  	_ =	swait.ge @!p0 [sflag:s0], s1  }
0x56e: {  	s1 =	ssub.s32 @!p0 $0x0, s1;
	[sflag:s0] =	ssyncset.done @!p0 $0x0  }
0x56f: {  	[sflag:s0] =	ssyncadd.s32 @!p0 s1  }
0x570: {  	[bflag:$0x3] =	sbarrier.arrive $0xFFFF  }
0x571: {  	_ =	shalt  }

</sc_bundles>
